<compile_context>
chip_gen: v7x
topology: tpu7x:2x2x1
jax: 0.10.2.dev20260603
libtpu: 0.0.44.dev20260713+nightly
codegen_flags: <defaults>
</compile_context>

<pallas_src>
import jax
import jax.numpy as jnp
from jax import lax
from jax.experimental import pallas as pl
from jax.experimental.pallas import tpu as pltpu
from jax.experimental.pallas import tpu_sc as plsc

_N = 10000
_E = 320000
_D = 128
_H = 64
_C = 10
_G = 64
_ALPHA = 0.1

_NC = 2
_NS = 16
_NW = _NC * _NS
_EPT = _E // _NW
_GRP = 250
_NGRP = _EPT // _GRP
_NBUF = 2
_NSG = _NGRP // _NBUF
_INIT_ROWS = 1000
_INIT_TILES = _N // _INIT_ROWS
_DW = 8


def _sc_mesh():
    return plsc.VectorSubcoreMesh(
        core_axis_name="c", subcore_axis_name="s",
        num_cores=_NC, num_subcores=_NS)


def _deg_body(edge_hbm, ones_hbm, zeros_hbm, out_hbm, idx_v, ones_v, acc_sh,
              sem_s):
    c = lax.axis_index("c")
    s = lax.axis_index("s")
    wid = c * _NS + s
    pltpu.sync_copy(edge_hbm.at[1, wid], idx_v)
    pltpu.sync_copy(ones_hbm, ones_v)

    @pl.when(s < _INIT_TILES)
    def _():
        pltpu.sync_copy(zeros_hbm.at[pl.ds(s * _INIT_ROWS, _INIT_ROWS)],
                        acc_sh.at[pl.ds(s * _INIT_ROWS, _INIT_ROWS)])

    plsc.subcore_barrier()

    descs = [pltpu.async_copy(ones_v, acc_sh.at[idx_v.at[j]], sem_s, add=True)
             for j in range(_NGRP)]
    for d in descs:
        d.wait()
    plsc.subcore_barrier()

    @pl.when(s < _INIT_TILES)
    def _():
        pltpu.sync_copy(acc_sh.at[pl.ds(s * _INIT_ROWS, _INIT_ROWS)],
                        out_hbm.at[c, pl.ds(s * _INIT_ROWS, _INIT_ROWS)])


def _make_deg_call():
    return pl.kernel(
        _deg_body,
        out_type=jax.ShapeDtypeStruct((_NC, _N, _DW), jnp.float32),
        mesh=_sc_mesh(),
        compiler_params=pltpu.CompilerParams(use_tc_tiling_on_sc=False),
        scratch_types=[
            pltpu.VMEM((_NGRP, _GRP), jnp.int32),
            pltpu.VMEM((_GRP, _DW), jnp.float32),
            pltpu.VMEM_SHARED((_N, _DW), jnp.float32),
            pltpu.SemaphoreType.DMA,
        ],
    )


def _step_body(edge_hbm, g_hbm, out_hbm,
               idxs_v, idxd_v, rows_v, acc_sh, sem_g, sem_g2, sem_s):
    c = lax.axis_index("c")
    s = lax.axis_index("s")
    wid = c * _NS + s
    pltpu.sync_copy(edge_hbm.at[0, wid], idxs_v)
    pltpu.sync_copy(edge_hbm.at[1, wid], idxd_v)

    @pl.when(s < _INIT_TILES)
    def _():
        pltpu.sync_copy(g_hbm.at[pl.ds(s * _INIT_ROWS, _INIT_ROWS)],
                        acc_sh.at[pl.ds(s * _INIT_ROWS, _INIT_ROWS)])

    plsc.subcore_barrier()

    def _fire_gathers(sg, base, sem):
        for b in range(_NBUF):
            pltpu.async_copy(g_hbm.at[idxs_v.at[sg * _NBUF + b]],
                             rows_v.at[base + b], sem)

    def _wait_gathers(sg, base, sem):
        for b in range(_NBUF):
            pltpu.make_async_copy(g_hbm.at[idxs_v.at[sg * _NBUF + b]],
                                  rows_v.at[base + b], sem).wait()

    def _scatter(sg, base):
        sd = [pltpu.async_copy(rows_v.at[base + b],
                               acc_sh.at[idxd_v.at[sg * _NBUF + b]],
                               sem_s, add=True)
              for b in range(_NBUF)]
        for d in sd:
            d.wait()

    _fire_gathers(0, 0, sem_g)

    def pair(p, carry):
        sg_a = 2 * p
        sg_b = 2 * p + 1
        _wait_gathers(sg_a, 0, sem_g)
        _fire_gathers(sg_b, _NBUF, sem_g2)
        _scatter(sg_a, 0)
        _wait_gathers(sg_b, _NBUF, sem_g2)

        @pl.when(p < _NSG // 2 - 1)
        def _():
            _fire_gathers(sg_b + 1, 0, sem_g)

        _scatter(sg_b, _NBUF)
        return carry

    lax.fori_loop(0, _NSG // 2, pair, 0)
    plsc.subcore_barrier()

    @pl.when(s < _INIT_TILES)
    def _():
        pltpu.sync_copy(acc_sh.at[pl.ds(s * _INIT_ROWS, _INIT_ROWS)],
                        out_hbm.at[c, pl.ds(s * _INIT_ROWS, _INIT_ROWS)])


def _make_step_call():
    return pl.kernel(
        _step_body,
        out_type=jax.ShapeDtypeStruct((_NC, _N, _H), jnp.float32),
        mesh=_sc_mesh(),
        compiler_params=pltpu.CompilerParams(use_tc_tiling_on_sc=False),
        scratch_types=[
            pltpu.VMEM((_NGRP, _GRP), jnp.int32),
            pltpu.VMEM((_NGRP, _GRP), jnp.int32),
            pltpu.VMEM((2 * _NBUF, _GRP, _H), jnp.float32),
            pltpu.VMEM_SHARED((_N, _H), jnp.float32),
            pltpu.SemaphoreType.DMA,
            pltpu.SemaphoreType.DMA,
            pltpu.SemaphoreType.DMA,
        ],
    )


_NP = _N // 2


def _mlp_body(x2_ref, w1l_ref, w1r_ref, b1p_ref, w2bd_ref, b2p_ref,
              degp_ref, sel16_ref,
              h0_ref, g0_ref, dinvp_ref):
    x2 = x2_ref[...]
    xe = x2[:, 0:_D]
    xo = x2[:, _D:2 * _D]
    hp = lax.dot_general(xe, w1l_ref[...], (((1,), (0,)), ((), ())),
                         preferred_element_type=jnp.float32) \
        + lax.dot_general(xo, w1r_ref[...], (((1,), (0,)), ((), ())),
                          preferred_element_type=jnp.float32)
    hp = jnp.maximum(hp + b1p_ref[...], 0.0)
    hp = lax.dot_general(hp, w2bd_ref[...], (((1,), (0,)), ((), ())),
                         preferred_element_type=jnp.float32) + b2p_ref[...]
    dd = degp_ref[...]
    degsum = dd[0] + dd[1]
    pairdeg = lax.dot_general(degsum, sel16_ref[...],
                              (((1,), (0,)), ((), ())),
                              preferred_element_type=jnp.float32)
    dinvp = lax.rsqrt(pairdeg + 1.0)
    h0_ref[...] = hp
    g0_ref[...] = hp * dinvp
    dinvp_ref[...] = dinvp


def _mlp_call(x2, w1l, w1r, b1p, w2bd, b2p, degp2, sel16):
    nblk = 1
    blk = _NP // nblk
    row_spec = pl.BlockSpec((blk, 2 * _H), lambda i: (i, 0))
    full = pl.BlockSpec
    return pl.pallas_call(
        _mlp_body,
        grid=(nblk,),
        in_specs=[
            pl.BlockSpec((blk, 2 * _D), lambda i: (i, 0)),
            full((_D, 2 * _H), lambda i: (0, 0)),
            full((_D, 2 * _H), lambda i: (0, 0)),
            full((1, 2 * _H), lambda i: (0, 0)),
            full((2 * _H, 2 * _H), lambda i: (0, 0)),
            full((1, 2 * _H), lambda i: (0, 0)),
            pl.BlockSpec((2, blk, 2 * _DW), lambda i: (0, i, 0)),
            full((2 * _DW, 2 * _H), lambda i: (0, 0)),
        ],
        out_specs=(row_spec, row_spec, row_spec),
        out_shape=(
            jax.ShapeDtypeStruct((_NP, 2 * _H), jnp.float32),
            jax.ShapeDtypeStruct((_NP, 2 * _H), jnp.float32),
            jax.ShapeDtypeStruct((_NP, 2 * _H), jnp.float32),
        ),
    )(x2, w1l, w1r, b1p, w2bd, b2p, degp2, sel16)


def _blend_body(sp_ref, g_ref, h0_ref, dinvp_ref, gout_ref):
    sp = sp_ref[...]
    S = sp[0] + sp[1] - g_ref[...]
    dinv = dinvp_ref[...]
    h1 = (1.0 - _ALPHA) * (dinv * S) + _ALPHA * h0_ref[...]
    gout_ref[...] = dinv * h1


def _blend_call(sp, g, h0, dinvp):
    return pl.pallas_call(
        _blend_body,
        out_shape=jax.ShapeDtypeStruct((_NP, 2 * _H), jnp.float32),
    )(sp, g, h0, dinvp)


def _final_body(sp_ref, g_ref, h0_ref, dinvp_ref, be_ref, bo_ref,
                w3_ref, b3_ref, out_ref):
    sp = sp_ref[...]
    S = sp[0] + sp[1] - g_ref[...]
    dinv = dinvp_ref[...]
    h2p = (1.0 - _ALPHA) * (dinv * S) + _ALPHA * h0_ref[...]
    h2e = lax.slice(h2p, (0, 0), (_NP, _H))
    h2o = lax.slice(h2p, (0, _H), (_NP, 2 * _H))
    gr = lax.broadcasted_iota(jnp.int32, (_G, 1), 0)
    ohe = (be_ref[...] == gr).astype(jnp.float32)
    oho = (bo_ref[...] == gr).astype(jnp.float32)
    dn = (((1,), (0,)), ((), ()))
    ssum = lax.dot_general(ohe, h2e, dn,
                           preferred_element_type=jnp.float32) \
        + lax.dot_general(oho, h2o, dn,
                          preferred_element_type=jnp.float32)
    ones_col = jnp.ones((_NP, 1), jnp.float32)
    cnt = lax.dot_general(ohe, ones_col, dn,
                          preferred_element_type=jnp.float32) \
        + lax.dot_general(oho, ones_col, dn,
                          preferred_element_type=jnp.float32)
    mean = ssum / jnp.maximum(cnt, 1.0)
    out_ref[...] = lax.dot_general(mean, w3_ref[...],
                                   (((1,), (1,)), ((), ())),
                                   preferred_element_type=jnp.float32) \
        + b3_ref[...]


def _final_call(sp, g, h0, dinvp, b_even, b_odd, w3, b3r):
    return pl.pallas_call(
        _final_body,
        out_shape=jax.ShapeDtypeStruct((_G, _C), jnp.float32),
    )(sp, g, h0, dinvp, b_even, b_odd, w3, b3r)


@jax.jit
def kernel(x, edge_index, batch, W1, b1, W2, b2, W3, b3):
    edges4 = edge_index.reshape(2, _NW, _NGRP, _GRP)
    ones_grp = jnp.ones((_GRP, _DW), jnp.float32)
    zeros_deg = jnp.zeros((_N, _DW), jnp.float32)

    zpad = jnp.zeros((_D, _H), jnp.float32)
    w1l = jnp.concatenate([W1.T, zpad], axis=1)
    w1r = jnp.concatenate([zpad, W1.T], axis=1)
    zh = jnp.zeros((_H, _H), jnp.float32)
    w2bd = jnp.concatenate(
        [jnp.concatenate([W2.T, zh], axis=1),
         jnp.concatenate([zh, W2.T], axis=1)], axis=0)
    b1p = jnp.concatenate([b1, b1]).reshape(1, 2 * _H)
    b2p = jnp.concatenate([b2, b2]).reshape(1, 2 * _H)
    sel16 = jnp.zeros((2 * _DW, 2 * _H), jnp.float32)
    sel16 = sel16.at[0, 0:_H].set(1.0).at[_DW, _H:2 * _H].set(1.0)

    x2 = x.reshape(_NP, 2 * _D)
    bpair = batch.reshape(_NP, 2)
    b_even = bpair[:, 0].reshape(1, _NP)
    b_odd = bpair[:, 1].reshape(1, _NP)

    deg_call = _make_deg_call()
    step_call = _make_step_call()

    degp = deg_call(edges4, ones_grp, zeros_deg)
    degp2 = degp.reshape(2, _NP, 2 * _DW)

    h0p, g0p, dinvp = _mlp_call(x2, w1l, w1r, b1p, w2bd, b2p,
                                degp2, sel16)

    sp1 = step_call(edges4, g0p.reshape(_N, _H))
    g1p = _blend_call(sp1.reshape(_NC, _NP, 2 * _H), g0p, h0p, dinvp)

    sp2 = step_call(edges4, g1p.reshape(_N, _H))
    out = _final_call(sp2.reshape(_NC, _NP, 2 * _H), g1p, h0p, dinvp,
                      b_even, b_odd, W3, b3.reshape(1, _C))
    return out

# --- scband reference (transcript-rebuilt; emitter-appended) ---
"""Pipeline reference for scband-appnp2-net-62491774157298 (READ-ONLY COPY).

The authoritative reference and input builder live on the scoring server;
editing this copy changes nothing except your own understanding.
"""

import jax, jax.numpy as jnp
import numpy as np

N = 10000
E = 320000
D = 128
H = 64
C = 10
G = 64
K = 2
ALPHA = 0.1


def setup_inputs(seed: int = 0) -> dict:
    key = jax.random.key(seed)
    ks = jax.random.split(key, 10)
    x = jax.random.normal(ks[0], (N, D), dtype=jnp.float32)
    edge_index = jax.random.randint(ks[1], (2, E), 0, N, dtype=jnp.int32)
    batch = jnp.sort(jax.random.randint(ks[2], (N,), 0, G, dtype=jnp.int32))
    W1 = jax.random.normal(ks[3], (H, D), dtype=jnp.float32) * (1.0 / np.sqrt(D))
    b1 = jnp.zeros((H,), dtype=jnp.float32)
    W2 = jax.random.normal(ks[4], (H, H), dtype=jnp.float32) * (1.0 / np.sqrt(H))
    b2 = jnp.zeros((H,), dtype=jnp.float32)
    W3 = jax.random.normal(ks[5], (C, H), dtype=jnp.float32) * (1.0 / np.sqrt(H))
    b3 = jnp.zeros((C,), dtype=jnp.float32)
    return {"x": x, "edge_index": edge_index, "batch": batch,
            "W1": W1, "b1": b1, "W2": W2, "b2": b2, "W3": W3, "b3": b3}


def reference(x, edge_index, batch, W1, b1, W2, b2, W3, b3):
    # eval mode: dropout is identity
    h = jax.nn.relu(x @ W1.T + b1)
    h = h @ W2.T + b2
    # APPNP propagation with GCN normalization + self loops
    src = edge_index[0]
    dst = edge_index[1]
    loop = jnp.arange(N, dtype=src.dtype)
    src_f = jnp.concatenate([src, loop])
    dst_f = jnp.concatenate([dst, loop])
    ones_e = jnp.ones(src_f.shape[0], dtype=h.dtype)
    deg = jax.ops.segment_sum(ones_e, dst_f, num_segments=N)
    dinv = jnp.where(deg > 0, jax.lax.rsqrt(jnp.maximum(deg, 1e-12)), 0.0)
    norm = dinv[src_f] * dinv[dst_f]
    x0 = h
    for _ in range(K):
        msg = h[src_f] * norm[:, None]
        agg = jax.ops.segment_sum(msg, dst_f, num_segments=N)
        h = (1.0 - ALPHA) * agg + ALPHA * x0
    # global mean pool over batch assignment
    s = jax.ops.segment_sum(h, batch, num_segments=G)
    cnt = jax.ops.segment_sum(jnp.ones((N,), dtype=h.dtype), batch, num_segments=G)
    mean = s / jnp.clip(cnt, 1.0)[:, None]
    out = mean @ W3.T + b3
    return out

if __name__ == "__main__":
    import jax
    _d = setup_inputs()
    print(jax.jit(kernel)(*tuple(_d.values())))

</pallas_src>

<mosaic_0001>
#map = affine_map<(d0, d1) -> (0, 0, 0, 0)>
#map1 = affine_map<(d0, d1) -> (0, 0)>
#map2 = affine_map<(d0, d1) -> (0, 0, 0)>
module attributes {stable_mosaic.version = 14 : i64} {
  func.func @_step_body(%arg0: i32, %arg1: i32, %arg2: memref<2x32x40x250xi32, #tpu.memory_space<hbm>>, %arg3: memref<10000x64xf32, #tpu.memory_space<hbm>>, %arg4: memref<2x10000x64xf32, #tpu.memory_space<hbm>>, %arg5: memref<40x250xi32, #tpu.memory_space<vmem>>, %arg6: memref<40x250xi32, #tpu.memory_space<vmem>>, %arg7: memref<4x250x64xf32, #tpu.memory_space<vmem>>, %arg8: memref<10000x64xf32, #tpu.memory_space<vmem_shared>>, %arg9: memref<!tpu.dma_semaphore, #tpu.memory_space<semaphore_mem>>, %arg10: memref<!tpu.dma_semaphore, #tpu.memory_space<semaphore_mem>>, %arg11: memref<!tpu.dma_semaphore, #tpu.memory_space<semaphore_mem>>) attributes {dimension_semantics = [#tpu.dimension_semantics<core_parallel>, #tpu.dimension_semantics<subcore_parallel>], iteration_bounds = array<i64: 2, 16>, scalar_prefetch = 0 : i64, scratch_operands = 7 : i64, tpu.core_type = #tpu.core_type<sc_vector_subcore>, window_params = [{transform_indices = #map}, {transform_indices = #map1}, {transform_indices = #map2}]} {
    %mul3A = arith.constant 16 : i32
    %mul3A_0 = arith.muli %arg0, %mul3A : i32
    %add3A = arith.addi %mul3A_0, %arg1 : i32
    %run_scoped3A = arith.constant 0 : i32
    "tpu.region"() ({
      %run_scoped3A_38 = tpu.sem_alloc : memref<!tpu.dma_semaphore, #tpu.memory_space<semaphore_mem>>
      %dma_start3A_39 = arith.constant 0 : i32
      %dma_start3A_40 = arith.constant 0 : i32
      %dma_start3A_41 = tpu.memref_slice %arg2[%run_scoped3A, %add3A, %dma_start3A_39, %dma_start3A_40] : memref<2x32x40x250xi32, #tpu.memory_space<hbm>> -> memref<1x1x40x250xi32, #tpu.memory_space<hbm>>
      %dma_start3A_42 = tpu.memref_squeeze %dma_start3A_41 : memref<1x1x40x250xi32, #tpu.memory_space<hbm>> -> memref<40x250xi32, #tpu.memory_space<hbm>>
      %dma_start3A_43 = arith.constant 0 : i32
      %dma_start3A_44 = arith.constant 0 : i32
      %dma_start3A_45 = tpu.memref_slice %arg2[%run_scoped3A, %add3A, %dma_start3A_43, %dma_start3A_44] : memref<2x32x40x250xi32, #tpu.memory_space<hbm>> -> memref<1x1x40x250xi32, #tpu.memory_space<hbm>>
      %dma_start3A_46 = tpu.memref_squeeze %dma_start3A_45 : memref<1x1x40x250xi32, #tpu.memory_space<hbm>> -> memref<40x250xi32, #tpu.memory_space<hbm>>
      tpu.enqueue_dma source(%dma_start3A_46 : memref<40x250xi32, #tpu.memory_space<hbm>>) target(%arg5 : memref<40x250xi32, #tpu.memory_space<vmem>>) target_semaphore(%run_scoped3A_38 : memref<!tpu.dma_semaphore, #tpu.memory_space<semaphore_mem>>)
      %dma_wait3A = arith.constant 0 : i32
      %dma_wait3A_47 = arith.constant 0 : i32
      %dma_wait3A_48 = tpu.memref_slice %arg2[%run_scoped3A, %add3A, %dma_wait3A, %dma_wait3A_47] : memref<2x32x40x250xi32, #tpu.memory_space<hbm>> -> memref<1x1x40x250xi32, #tpu.memory_space<hbm>>
      %dma_wait3A_49 = tpu.memref_squeeze %dma_wait3A_48 : memref<1x1x40x250xi32, #tpu.memory_space<hbm>> -> memref<40x250xi32, #tpu.memory_space<hbm>>
      %dma_wait3A_50 = arith.constant 0 : i32
      %dma_wait3A_51 = arith.constant 0 : i32
      %dma_wait3A_52 = tpu.memref_slice %arg2[%run_scoped3A, %add3A, %dma_wait3A_50, %dma_wait3A_51] : memref<2x32x40x250xi32, #tpu.memory_space<hbm>> -> memref<1x1x40x250xi32, #tpu.memory_space<hbm>>
      %dma_wait3A_53 = tpu.memref_squeeze %dma_wait3A_52 : memref<1x1x40x250xi32, #tpu.memory_space<hbm>> -> memref<40x250xi32, #tpu.memory_space<hbm>>
      tpu.wait_dma2 semaphore(%run_scoped3A_38 : memref<!tpu.dma_semaphore, #tpu.memory_space<semaphore_mem>>) src(%dma_wait3A_53 : memref<40x250xi32, #tpu.memory_space<hbm>>) dst(%arg5 : memref<40x250xi32, #tpu.memory_space<vmem>>)
      tpu.yield
    }) : () -> ()
    %run_scoped3A_1 = arith.constant 1 : i32
    "tpu.region"() ({
      %run_scoped3A_38 = tpu.sem_alloc : memref<!tpu.dma_semaphore, #tpu.memory_space<semaphore_mem>>
      %dma_start3A_39 = arith.constant 0 : i32
      %dma_start3A_40 = arith.constant 0 : i32
      %dma_start3A_41 = tpu.memref_slice %arg2[%run_scoped3A_1, %add3A, %dma_start3A_39, %dma_start3A_40] : memref<2x32x40x250xi32, #tpu.memory_space<hbm>> -> memref<1x1x40x250xi32, #tpu.memory_space<hbm>>
      %dma_start3A_42 = tpu.memref_squeeze %dma_start3A_41 : memref<1x1x40x250xi32, #tpu.memory_space<hbm>> -> memref<40x250xi32, #tpu.memory_space<hbm>>
      %dma_start3A_43 = arith.constant 0 : i32
      %dma_start3A_44 = arith.constant 0 : i32
      %dma_start3A_45 = tpu.memref_slice %arg2[%run_scoped3A_1, %add3A, %dma_start3A_43, %dma_start3A_44] : memref<2x32x40x250xi32, #tpu.memory_space<hbm>> -> memref<1x1x40x250xi32, #tpu.memory_space<hbm>>
      %dma_start3A_46 = tpu.memref_squeeze %dma_start3A_45 : memref<1x1x40x250xi32, #tpu.memory_space<hbm>> -> memref<40x250xi32, #tpu.memory_space<hbm>>
      tpu.enqueue_dma source(%dma_start3A_46 : memref<40x250xi32, #tpu.memory_space<hbm>>) target(%arg6 : memref<40x250xi32, #tpu.memory_space<vmem>>) target_semaphore(%run_scoped3A_38 : memref<!tpu.dma_semaphore, #tpu.memory_space<semaphore_mem>>)
      %dma_wait3A = arith.constant 0 : i32
      %dma_wait3A_47 = arith.constant 0 : i32
      %dma_wait3A_48 = tpu.memref_slice %arg2[%run_scoped3A_1, %add3A, %dma_wait3A, %dma_wait3A_47] : memref<2x32x40x250xi32, #tpu.memory_space<hbm>> -> memref<1x1x40x250xi32, #tpu.memory_space<hbm>>
      %dma_wait3A_49 = tpu.memref_squeeze %dma_wait3A_48 : memref<1x1x40x250xi32, #tpu.memory_space<hbm>> -> memref<40x250xi32, #tpu.memory_space<hbm>>
      %dma_wait3A_50 = arith.constant 0 : i32
      %dma_wait3A_51 = arith.constant 0 : i32
      %dma_wait3A_52 = tpu.memref_slice %arg2[%run_scoped3A_1, %add3A, %dma_wait3A_50, %dma_wait3A_51] : memref<2x32x40x250xi32, #tpu.memory_space<hbm>> -> memref<1x1x40x250xi32, #tpu.memory_space<hbm>>
      %dma_wait3A_53 = tpu.memref_squeeze %dma_wait3A_52 : memref<1x1x40x250xi32, #tpu.memory_space<hbm>> -> memref<40x250xi32, #tpu.memory_space<hbm>>
      tpu.wait_dma2 semaphore(%run_scoped3A_38 : memref<!tpu.dma_semaphore, #tpu.memory_space<semaphore_mem>>) src(%dma_wait3A_53 : memref<40x250xi32, #tpu.memory_space<hbm>>) dst(%arg6 : memref<40x250xi32, #tpu.memory_space<vmem>>)
      tpu.yield
    }) : () -> ()
    %lt3A = arith.constant 10 : i32
    %lt3A_2 = arith.cmpi slt, %arg1, %lt3A : i32
    %convert_element_type3A = arith.extui %lt3A_2 : i1 to i32
    %cond3A = arith.constant 0 : i32
    %cond3A_3 = arith.cmpi ne, %convert_element_type3A, %cond3A : i32
    scf.if %cond3A_3 {
      %mul3A_38 = arith.constant 1000 : i32
      %mul3A_39 = arith.muli %arg1, %mul3A_38 : i32
      %mul3A_40 = arith.constant 1000 : i32
      %mul3A_41 = arith.muli %arg1, %mul3A_40 : i32
      "tpu.region"() ({
        %run_scoped3A_42 = tpu.sem_alloc : memref<!tpu.dma_semaphore, #tpu.memory_space<semaphore_mem>>
        %dma_start3A_43 = arith.constant 0 : i32
        %dma_start3A_44 = tpu.memref_slice %arg8[%mul3A_41, %dma_start3A_43] : memref<10000x64xf32, #tpu.memory_space<vmem_shared>> -> memref<1000x64xf32, #tpu.memory_space<vmem_shared>>
        %dma_start3A_45 = arith.constant 0 : i32
        %dma_start3A_46 = tpu.memref_slice %arg3[%mul3A_39, %dma_start3A_45] : memref<10000x64xf32, #tpu.memory_space<hbm>> -> memref<1000x64xf32, #tpu.memory_space<hbm>>
        tpu.enqueue_dma source(%dma_start3A_46 : memref<1000x64xf32, #tpu.memory_space<hbm>>) target(%dma_start3A_44 : memref<1000x64xf32, #tpu.memory_space<vmem_shared>>) target_semaphore(%run_scoped3A_42 : memref<!tpu.dma_semaphore, #tpu.memory_space<semaphore_mem>>)
        %dma_wait3A = arith.constant 0 : i32
        %dma_wait3A_47 = tpu.memref_slice %arg8[%mul3A_41, %dma_wait3A] : memref<10000x64xf32, #tpu.memory_space<vmem_shared>> -> memref<1000x64xf32, #tpu.memory_space<vmem_shared>>
        %dma_wait3A_48 = arith.constant 0 : i32
        %dma_wait3A_49 = tpu.memref_slice %arg3[%mul3A_39, %dma_wait3A_48] : memref<10000x64xf32, #tpu.memory_space<hbm>> -> memref<1000x64xf32, #tpu.memory_space<hbm>>
        tpu.wait_dma2 semaphore(%run_scoped3A_42 : memref<!tpu.dma_semaphore, #tpu.memory_space<semaphore_mem>>) src(%dma_wait3A_49 : memref<1000x64xf32, #tpu.memory_space<hbm>>) dst(%dma_wait3A_47 : memref<1000x64xf32, #tpu.memory_space<vmem_shared>>)
        tpu.yield
      }) : () -> ()
    } else {
    }
    %barrier3A = arith.constant 0 : index
    tpu.barrier barrier_id(%barrier3A)
    %dma_start3A = arith.constant 0 : i32
    %dma_start3A_4 = arith.constant 0 : i32
    %dma_start3A_5 = arith.constant 0 : i32
    %dma_start3A_6 = arith.constant 0 : i32
    %dma_start3A_7 = tpu.memref_slice %arg7[%dma_start3A_4, %dma_start3A_5, %dma_start3A_6] : memref<4x250x64xf32, #tpu.memory_space<vmem>> -> memref<1x250x64xf32, #tpu.memory_space<vmem>>
    %dma_start3A_8 = tpu.memref_squeeze %dma_start3A_7 : memref<1x250x64xf32, #tpu.memory_space<vmem>> -> memref<250x64xf32, #tpu.memory_space<vmem>>
    %dma_start3A_9 = arith.constant 0 : i32
    %dma_start3A_10 = tpu.memref_slice %arg5[%dma_start3A, %dma_start3A_9] : memref<40x250xi32, #tpu.memory_space<vmem>> -> memref<1x250xi32, #tpu.memory_space<vmem>>
    %dma_start3A_11 = tpu.memref_squeeze %dma_start3A_10 : memref<1x250xi32, #tpu.memory_space<vmem>> -> memref<250xi32, #tpu.memory_space<vmem>>
    %dma_start3A_12 = arith.constant 0 : i32
    %dma_start3A_13 = arith.constant 0 : i32
    %dma_start3A_14 = tpu.memref_slice %arg3[%dma_start3A_12, %dma_start3A_13] : memref<10000x64xf32, #tpu.memory_space<hbm>> -> memref<10000x64xf32, #tpu.memory_space<hbm>>
    tpu.enqueue_indirect_dma source(%dma_start3A_14 : memref<10000x64xf32, #tpu.memory_space<hbm>>) target(%dma_start3A_8 : memref<250x64xf32, #tpu.memory_space<vmem>>) offsets(%dma_start3A_11 : memref<250xi32, #tpu.memory_space<vmem>>) semaphore(%arg9 : memref<!tpu.dma_semaphore, #tpu.memory_space<semaphore_mem>>)
    %dma_start3A_15 = arith.constant 1 : i32
    %dma_start3A_16 = arith.constant 1 : i32
    %dma_start3A_17 = arith.constant 0 : i32
    %dma_start3A_18 = arith.constant 0 : i32
    %dma_start3A_19 = tpu.memref_slice %arg7[%dma_start3A_16, %dma_start3A_17, %dma_start3A_18] : memref<4x250x64xf32, #tpu.memory_space<vmem>> -> memref<1x250x64xf32, #tpu.memory_space<vmem>>
    %dma_start3A_20 = tpu.memref_squeeze %dma_start3A_19 : memref<1x250x64xf32, #tpu.memory_space<vmem>> -> memref<250x64xf32, #tpu.memory_space<vmem>>
    %dma_start3A_21 = arith.constant 0 : i32
    %dma_start3A_22 = tpu.memref_slice %arg5[%dma_start3A_15, %dma_start3A_21] : memref<40x250xi32, #tpu.memory_space<vmem>> -> memref<1x250xi32, #tpu.memory_space<vmem>>
    %dma_start3A_23 = tpu.memref_squeeze %dma_start3A_22 : memref<1x250xi32, #tpu.memory_space<vmem>> -> memref<250xi32, #tpu.memory_space<vmem>>
    %dma_start3A_24 = arith.constant 0 : i32
    %dma_start3A_25 = arith.constant 0 : i32
    %dma_start3A_26 = tpu.memref_slice %arg3[%dma_start3A_24, %dma_start3A_25] : memref<10000x64xf32, #tpu.memory_space<hbm>> -> memref<10000x64xf32, #tpu.memory_space<hbm>>
    tpu.enqueue_indirect_dma source(%dma_start3A_26 : memref<10000x64xf32, #tpu.memory_space<hbm>>) target(%dma_start3A_20 : memref<250x64xf32, #tpu.memory_space<vmem>>) offsets(%dma_start3A_23 : memref<250xi32, #tpu.memory_space<vmem>>) semaphore(%arg9 : memref<!tpu.dma_semaphore, #tpu.memory_space<semaphore_mem>>)
    %scan3A = arith.constant 0 : i32
    %scan3A_27 = arith.constant 0 : i32
    %scan3A_28 = arith.constant 10 : i32
    %scan3A_29 = arith.addi %scan3A_27, %scan3A_28 : i32
    %scan3A_30 = arith.constant 1 : i32
    scf.for %scan3A_38 = %scan3A_27 to %scan3A_29 step %scan3A_30  : i32 {
      %mul3A_39 = arith.constant 2 : i32
      %mul3A_40 = arith.muli %mul3A_39, %scan3A_38 : i32
      %mul3A_41 = arith.constant 2 : i32
      %mul3A_42 = arith.muli %mul3A_41, %scan3A_38 : i32
      %add3A_43 = arith.constant 1 : i32
      %add3A_44 = arith.addi %mul3A_42, %add3A_43 : i32
      %mul3A_45 = arith.constant 2 : i32
      %mul3A_46 = arith.muli %mul3A_40, %mul3A_45 : i32
      %add3A_47 = arith.constant 0 : i32
      %add3A_48 = arith.addi %mul3A_46, %add3A_47 : i32
      %dma_wait3A = arith.constant 0 : i32
      %dma_wait3A_49 = arith.constant 0 : i32
      %dma_wait3A_50 = arith.constant 0 : i32
      %dma_wait3A_51 = tpu.memref_slice %arg7[%dma_wait3A, %dma_wait3A_49, %dma_wait3A_50] : memref<4x250x64xf32, #tpu.memory_space<vmem>> -> memref<1x250x64xf32, #tpu.memory_space<vmem>>
      %dma_wait3A_52 = tpu.memref_squeeze %dma_wait3A_51 : memref<1x250x64xf32, #tpu.memory_space<vmem>> -> memref<250x64xf32, #tpu.memory_space<vmem>>
      %dma_wait3A_53 = arith.constant 0 : i32
      %dma_wait3A_54 = tpu.memref_slice %arg5[%add3A_48, %dma_wait3A_53] : memref<40x250xi32, #tpu.memory_space<vmem>> -> memref<1x250xi32, #tpu.memory_space<vmem>>
      %dma_wait3A_55 = tpu.memref_squeeze %dma_wait3A_54 : memref<1x250xi32, #tpu.memory_space<vmem>> -> memref<250xi32, #tpu.memory_space<vmem>>
      %dma_wait3A_56 = arith.constant 0 : i32
      %dma_wait3A_57 = arith.constant 0 : i32
      %dma_wait3A_58 = tpu.memref_slice %arg3[%dma_wait3A_56, %dma_wait3A_57] : memref<10000x64xf32, #tpu.memory_space<hbm>> -> memref<10000x64xf32, #tpu.memory_space<hbm>>
      tpu.wait_indirect_dma semaphore(%arg9 : memref<!tpu.dma_semaphore, #tpu.memory_space<semaphore_mem>>) src(%dma_wait3A_58 : memref<10000x64xf32, #tpu.memory_space<hbm>>) dst(%dma_wait3A_52 : memref<250x64xf32, #tpu.memory_space<vmem>>)
      %mul3A_59 = arith.constant 2 : i32
      %mul3A_60 = arith.muli %mul3A_40, %mul3A_59 : i32
      %add3A_61 = arith.constant 1 : i32
      %add3A_62 = arith.addi %mul3A_60, %add3A_61 : i32
      %dma_wait3A_63 = arith.constant 1 : i32
      %dma_wait3A_64 = arith.constant 0 : i32
      %dma_wait3A_65 = arith.constant 0 : i32
      %dma_wait3A_66 = tpu.memref_slice %arg7[%dma_wait3A_63, %dma_wait3A_64, %dma_wait3A_65] : memref<4x250x64xf32, #tpu.memory_space<vmem>> -> memref<1x250x64xf32, #tpu.memory_space<vmem>>
      %dma_wait3A_67 = tpu.memref_squeeze %dma_wait3A_66 : memref<1x250x64xf32, #tpu.memory_space<vmem>> -> memref<250x64xf32, #tpu.memory_space<vmem>>
      %dma_wait3A_68 = arith.constant 0 : i32
      %dma_wait3A_69 = tpu.memref_slice %arg5[%add3A_62, %dma_wait3A_68] : memref<40x250xi32, #tpu.memory_space<vmem>> -> memref<1x250xi32, #tpu.memory_space<vmem>>
      %dma_wait3A_70 = tpu.memref_squeeze %dma_wait3A_69 : memref<1x250xi32, #tpu.memory_space<vmem>> -> memref<250xi32, #tpu.memory_space<vmem>>
      %dma_wait3A_71 = arith.constant 0 : i32
      %dma_wait3A_72 = arith.constant 0 : i32
      %dma_wait3A_73 = tpu.memref_slice %arg3[%dma_wait3A_71, %dma_wait3A_72] : memref<10000x64xf32, #tpu.memory_space<hbm>> -> memref<10000x64xf32, #tpu.memory_space<hbm>>
      tpu.wait_indirect_dma semaphore(%arg9 : memref<!tpu.dma_semaphore, #tpu.memory_space<semaphore_mem>>) src(%dma_wait3A_73 : memref<10000x64xf32, #tpu.memory_space<hbm>>) dst(%dma_wait3A_67 : memref<250x64xf32, #tpu.memory_space<vmem>>)
      %mul3A_74 = arith.constant 2 : i32
      %mul3A_75 = arith.muli %add3A_44, %mul3A_74 : i32
      %add3A_76 = arith.constant 0 : i32
      %add3A_77 = arith.addi %mul3A_75, %add3A_76 : i32
      %dma_start3A_78 = arith.constant 2 : i32
      %dma_start3A_79 = arith.constant 0 : i32
      %dma_start3A_80 = arith.constant 0 : i32
      %dma_start3A_81 = tpu.memref_slice %arg7[%dma_start3A_78, %dma_start3A_79, %dma_start3A_80] : memref<4x250x64xf32, #tpu.memory_space<vmem>> -> memref<1x250x64xf32, #tpu.memory_space<vmem>>
      %dma_start3A_82 = tpu.memref_squeeze %dma_start3A_81 : memref<1x250x64xf32, #tpu.memory_space<vmem>> -> memref<250x64xf32, #tpu.memory_space<vmem>>
      %dma_start3A_83 = arith.constant 0 : i32
      %dma_start3A_84 = tpu.memref_slice %arg5[%add3A_77, %dma_start3A_83] : memref<40x250xi32, #tpu.memory_space<vmem>> -> memref<1x250xi32, #tpu.memory_space<vmem>>
      %dma_start3A_85 = tpu.memref_squeeze %dma_start3A_84 : memref<1x250xi32, #tpu.memory_space<vmem>> -> memref<250xi32, #tpu.memory_space<vmem>>
      %dma_start3A_86 = arith.constant 0 : i32
      %dma_start3A_87 = arith.constant 0 : i32
      %dma_start3A_88 = tpu.memref_slice %arg3[%dma_start3A_86, %dma_start3A_87] : memref<10000x64xf32, #tpu.memory_space<hbm>> -> memref<10000x64xf32, #tpu.memory_space<hbm>>
      tpu.enqueue_indirect_dma source(%dma_start3A_88 : memref<10000x64xf32, #tpu.memory_space<hbm>>) target(%dma_start3A_82 : memref<250x64xf32, #tpu.memory_space<vmem>>) offsets(%dma_start3A_85 : memref<250xi32, #tpu.memory_space<vmem>>) semaphore(%arg10 : memref<!tpu.dma_semaphore, #tpu.memory_space<semaphore_mem>>)
      %mul3A_89 = arith.constant 2 : i32
      %mul3A_90 = arith.muli %add3A_44, %mul3A_89 : i32
      %add3A_91 = arith.constant 1 : i32
      %add3A_92 = arith.addi %mul3A_90, %add3A_91 : i32
      %dma_start3A_93 = arith.constant 3 : i32
      %dma_start3A_94 = arith.constant 0 : i32
      %dma_start3A_95 = arith.constant 0 : i32
      %dma_start3A_96 = tpu.memref_slice %arg7[%dma_start3A_93, %dma_start3A_94, %dma_start3A_95] : memref<4x250x64xf32, #tpu.memory_space<vmem>> -> memref<1x250x64xf32, #tpu.memory_space<vmem>>
      %dma_start3A_97 = tpu.memref_squeeze %dma_start3A_96 : memref<1x250x64xf32, #tpu.memory_space<vmem>> -> memref<250x64xf32, #tpu.memory_space<vmem>>
      %dma_start3A_98 = arith.constant 0 : i32
      %dma_start3A_99 = tpu.memref_slice %arg5[%add3A_92, %dma_start3A_98] : memref<40x250xi32, #tpu.memory_space<vmem>> -> memref<1x250xi32, #tpu.memory_space<vmem>>
      %dma_start3A_100 = tpu.memref_squeeze %dma_start3A_99 : memref<1x250xi32, #tpu.memory_space<vmem>> -> memref<250xi32, #tpu.memory_space<vmem>>
      %dma_start3A_101 = arith.constant 0 : i32
      %dma_start3A_102 = arith.constant 0 : i32
      %dma_start3A_103 = tpu.memref_slice %arg3[%dma_start3A_101, %dma_start3A_102] : memref<10000x64xf32, #tpu.memory_space<hbm>> -> memref<10000x64xf32, #tpu.memory_space<hbm>>
      tpu.enqueue_indirect_dma source(%dma_start3A_103 : memref<10000x64xf32, #tpu.memory_space<hbm>>) target(%dma_start3A_97 : memref<250x64xf32, #tpu.memory_space<vmem>>) offsets(%dma_start3A_100 : memref<250xi32, #tpu.memory_space<vmem>>) semaphore(%arg10 : memref<!tpu.dma_semaphore, #tpu.memory_space<semaphore_mem>>)
      %mul3A_104 = arith.constant 2 : i32
      %mul3A_105 = arith.muli %mul3A_40, %mul3A_104 : i32
      %add3A_106 = arith.constant 0 : i32
      %add3A_107 = arith.addi %mul3A_105, %add3A_106 : i32
      %dma_start3A_108 = arith.constant 0 : i32
      %dma_start3A_109 = arith.constant 0 : i32
      %dma_start3A_110 = arith.constant 0 : i32
      %dma_start3A_111 = tpu.memref_slice %arg7[%dma_start3A_108, %dma_start3A_109, %dma_start3A_110] : memref<4x250x64xf32, #tpu.memory_space<vmem>> -> memref<1x250x64xf32, #tpu.memory_space<vmem>>
      %dma_start3A_112 = tpu.memref_squeeze %dma_start3A_111 : memref<1x250x64xf32, #tpu.memory_space<vmem>> -> memref<250x64xf32, #tpu.memory_space<vmem>>
      %dma_start3A_113 = arith.constant 0 : i32
      %dma_start3A_114 = tpu.memref_slice %arg6[%add3A_107, %dma_start3A_113] : memref<40x250xi32, #tpu.memory_space<vmem>> -> memref<1x250xi32, #tpu.memory_space<vmem>>
      %dma_start3A_115 = tpu.memref_squeeze %dma_start3A_114 : memref<1x250xi32, #tpu.memory_space<vmem>> -> memref<250xi32, #tpu.memory_space<vmem>>
      %dma_start3A_116 = arith.constant 0 : i32
      %dma_start3A_117 = arith.constant 0 : i32
      %dma_start3A_118 = tpu.memref_slice %arg8[%dma_start3A_116, %dma_start3A_117] : memref<10000x64xf32, #tpu.memory_space<vmem_shared>> -> memref<10000x64xf32, #tpu.memory_space<vmem_shared>>
      tpu.enqueue_indirect_dma source(%dma_start3A_112 : memref<250x64xf32, #tpu.memory_space<vmem>>) target(%dma_start3A_118 : memref<10000x64xf32, #tpu.memory_space<vmem_shared>>) offsets(%dma_start3A_115 : memref<250xi32, #tpu.memory_space<vmem>>) semaphore(%arg11 : memref<!tpu.dma_semaphore, #tpu.memory_space<semaphore_mem>>) {add = true}
      %mul3A_119 = arith.constant 2 : i32
      %mul3A_120 = arith.muli %mul3A_40, %mul3A_119 : i32
      %add3A_121 = arith.constant 1 : i32
      %add3A_122 = arith.addi %mul3A_120, %add3A_121 : i32
      %dma_start3A_123 = arith.constant 1 : i32
      %dma_start3A_124 = arith.constant 0 : i32
      %dma_start3A_125 = arith.constant 0 : i32
      %dma_start3A_126 = tpu.memref_slice %arg7[%dma_start3A_123, %dma_start3A_124, %dma_start3A_125] : memref<4x250x64xf32, #tpu.memory_space<vmem>> -> memref<1x250x64xf32, #tpu.memory_space<vmem>>
      %dma_start3A_127 = tpu.memref_squeeze %dma_start3A_126 : memref<1x250x64xf32, #tpu.memory_space<vmem>> -> memref<250x64xf32, #tpu.memory_space<vmem>>
      %dma_start3A_128 = arith.constant 0 : i32
      %dma_start3A_129 = tpu.memref_slice %arg6[%add3A_122, %dma_start3A_128] : memref<40x250xi32, #tpu.memory_space<vmem>> -> memref<1x250xi32, #tpu.memory_space<vmem>>
      %dma_start3A_130 = tpu.memref_squeeze %dma_start3A_129 : memref<1x250xi32, #tpu.memory_space<vmem>> -> memref<250xi32, #tpu.memory_space<vmem>>
      %dma_start3A_131 = arith.constant 0 : i32
      %dma_start3A_132 = arith.constant 0 : i32
      %dma_start3A_133 = tpu.memref_slice %arg8[%dma_start3A_131, %dma_start3A_132] : memref<10000x64xf32, #tpu.memory_space<vmem_shared>> -> memref<10000x64xf32, #tpu.memory_space<vmem_shared>>
      tpu.enqueue_indirect_dma source(%dma_start3A_127 : memref<250x64xf32, #tpu.memory_space<vmem>>) target(%dma_start3A_133 : memref<10000x64xf32, #tpu.memory_space<vmem_shared>>) offsets(%dma_start3A_130 : memref<250xi32, #tpu.memory_space<vmem>>) semaphore(%arg11 : memref<!tpu.dma_semaphore, #tpu.memory_space<semaphore_mem>>) {add = true}
      %dma_wait3A_134 = arith.constant 0 : i32
      %dma_wait3A_135 = arith.constant 0 : i32
      %dma_wait3A_136 = arith.constant 0 : i32
      %dma_wait3A_137 = tpu.memref_slice %arg7[%dma_wait3A_134, %dma_wait3A_135, %dma_wait3A_136] : memref<4x250x64xf32, #tpu.memory_space<vmem>> -> memref<1x250x64xf32, #tpu.memory_space<vmem>>
      %dma_wait3A_138 = tpu.memref_squeeze %dma_wait3A_137 : memref<1x250x64xf32, #tpu.memory_space<vmem>> -> memref<250x64xf32, #tpu.memory_space<vmem>>
      %dma_wait3A_139 = arith.constant 0 : i32
      %dma_wait3A_140 = tpu.memref_slice %arg6[%add3A_107, %dma_wait3A_139] : memref<40x250xi32, #tpu.memory_space<vmem>> -> memref<1x250xi32, #tpu.memory_space<vmem>>
      %dma_wait3A_141 = tpu.memref_squeeze %dma_wait3A_140 : memref<1x250xi32, #tpu.memory_space<vmem>> -> memref<250xi32, #tpu.memory_space<vmem>>
      %dma_wait3A_142 = arith.constant 0 : i32
      %dma_wait3A_143 = arith.constant 0 : i32
      %dma_wait3A_144 = tpu.memref_slice %arg8[%dma_wait3A_142, %dma_wait3A_143] : memref<10000x64xf32, #tpu.memory_space<vmem_shared>> -> memref<10000x64xf32, #tpu.memory_space<vmem_shared>>
      tpu.wait_indirect_dma semaphore(%arg11 : memref<!tpu.dma_semaphore, #tpu.memory_space<semaphore_mem>>) src(%dma_wait3A_138 : memref<250x64xf32, #tpu.memory_space<vmem>>) dst(%dma_wait3A_144 : memref<10000x64xf32, #tpu.memory_space<vmem_shared>>)
      %dma_wait3A_145 = arith.constant 1 : i32
      %dma_wait3A_146 = arith.constant 0 : i32
      %dma_wait3A_147 = arith.constant 0 : i32
      %dma_wait3A_148 = tpu.memref_slice %arg7[%dma_wait3A_145, %dma_wait3A_146, %dma_wait3A_147] : memref<4x250x64xf32, #tpu.memory_space<vmem>> -> memref<1x250x64xf32, #tpu.memory_space<vmem>>
      %dma_wait3A_149 = tpu.memref_squeeze %dma_wait3A_148 : memref<1x250x64xf32, #tpu.memory_space<vmem>> -> memref<250x64xf32, #tpu.memory_space<vmem>>
      %dma_wait3A_150 = arith.constant 0 : i32
      %dma_wait3A_151 = tpu.memref_slice %arg6[%add3A_122, %dma_wait3A_150] : memref<40x250xi32, #tpu.memory_space<vmem>> -> memref<1x250xi32, #tpu.memory_space<vmem>>
      %dma_wait3A_152 = tpu.memref_squeeze %dma_wait3A_151 : memref<1x250xi32, #tpu.memory_space<vmem>> -> memref<250xi32, #tpu.memory_space<vmem>>
      %dma_wait3A_153 = arith.constant 0 : i32
      %dma_wait3A_154 = arith.constant 0 : i32
      %dma_wait3A_155 = tpu.memref_slice %arg8[%dma_wait3A_153, %dma_wait3A_154] : memref<10000x64xf32, #tpu.memory_space<vmem_shared>> -> memref<10000x64xf32, #tpu.memory_space<vmem_shared>>
      tpu.wait_indirect_dma semaphore(%arg11 : memref<!tpu.dma_semaphore, #tpu.memory_space<semaphore_mem>>) src(%dma_wait3A_149 : memref<250x64xf32, #tpu.memory_space<vmem>>) dst(%dma_wait3A_155 : memref<10000x64xf32, #tpu.memory_space<vmem_shared>>)
      %mul3A_156 = arith.constant 2 : i32
      %mul3A_157 = arith.muli %add3A_44, %mul3A_156 : i32
      %add3A_158 = arith.constant 0 : i32
      %add3A_159 = arith.addi %mul3A_157, %add3A_158 : i32
      %dma_wait3A_160 = arith.constant 2 : i32
      %dma_wait3A_161 = arith.constant 0 : i32
      %dma_wait3A_162 = arith.constant 0 : i32
      %dma_wait3A_163 = tpu.memref_slice %arg7[%dma_wait3A_160, %dma_wait3A_161, %dma_wait3A_162] : memref<4x250x64xf32, #tpu.memory_space<vmem>> -> memref<1x250x64xf32, #tpu.memory_space<vmem>>
      %dma_wait3A_164 = tpu.memref_squeeze %dma_wait3A_163 : memref<1x250x64xf32, #tpu.memory_space<vmem>> -> memref<250x64xf32, #tpu.memory_space<vmem>>
      %dma_wait3A_165 = arith.constant 0 : i32
      %dma_wait3A_166 = tpu.memref_slice %arg5[%add3A_159, %dma_wait3A_165] : memref<40x250xi32, #tpu.memory_space<vmem>> -> memref<1x250xi32, #tpu.memory_space<vmem>>
      %dma_wait3A_167 = tpu.memref_squeeze %dma_wait3A_166 : memref<1x250xi32, #tpu.memory_space<vmem>> -> memref<250xi32, #tpu.memory_space<vmem>>
      %dma_wait3A_168 = arith.constant 0 : i32
      %dma_wait3A_169 = arith.constant 0 : i32
      %dma_wait3A_170 = tpu.memref_slice %arg3[%dma_wait3A_168, %dma_wait3A_169] : memref<10000x64xf32, #tpu.memory_space<hbm>> -> memref<10000x64xf32, #tpu.memory_space<hbm>>
      tpu.wait_indirect_dma semaphore(%arg10 : memref<!tpu.dma_semaphore, #tpu.memory_space<semaphore_mem>>) src(%dma_wait3A_170 : memref<10000x64xf32, #tpu.memory_space<hbm>>) dst(%dma_wait3A_164 : memref<250x64xf32, #tpu.memory_space<vmem>>)
      %mul3A_171 = arith.constant 2 : i32
      %mul3A_172 = arith.muli %add3A_44, %mul3A_171 : i32
      %add3A_173 = arith.constant 1 : i32
      %add3A_174 = arith.addi %mul3A_172, %add3A_173 : i32
      %dma_wait3A_175 = arith.constant 3 : i32
      %dma_wait3A_176 = arith.constant 0 : i32
      %dma_wait3A_177 = arith.constant 0 : i32
      %dma_wait3A_178 = tpu.memref_slice %arg7[%dma_wait3A_175, %dma_wait3A_176, %dma_wait3A_177] : memref<4x250x64xf32, #tpu.memory_space<vmem>> -> memref<1x250x64xf32, #tpu.memory_space<vmem>>
      %dma_wait3A_179 = tpu.memref_squeeze %dma_wait3A_178 : memref<1x250x64xf32, #tpu.memory_space<vmem>> -> memref<250x64xf32, #tpu.memory_space<vmem>>
      %dma_wait3A_180 = arith.constant 0 : i32
      %dma_wait3A_181 = tpu.memref_slice %arg5[%add3A_174, %dma_wait3A_180] : memref<40x250xi32, #tpu.memory_space<vmem>> -> memref<1x250xi32, #tpu.memory_space<vmem>>
      %dma_wait3A_182 = tpu.memref_squeeze %dma_wait3A_181 : memref<1x250xi32, #tpu.memory_space<vmem>> -> memref<250xi32, #tpu.memory_space<vmem>>
      %dma_wait3A_183 = arith.constant 0 : i32
      %dma_wait3A_184 = arith.constant 0 : i32
      %dma_wait3A_185 = tpu.memref_slice %arg3[%dma_wait3A_183, %dma_wait3A_184] : memref<10000x64xf32, #tpu.memory_space<hbm>> -> memref<10000x64xf32, #tpu.memory_space<hbm>>
      tpu.wait_indirect_dma semaphore(%arg10 : memref<!tpu.dma_semaphore, #tpu.memory_space<semaphore_mem>>) src(%dma_wait3A_185 : memref<10000x64xf32, #tpu.memory_space<hbm>>) dst(%dma_wait3A_179 : memref<250x64xf32, #tpu.memory_space<vmem>>)
      %lt3A_186 = arith.constant 9 : i32
      %lt3A_187 = arith.cmpi slt, %scan3A_38, %lt3A_186 : i32
      %convert_element_type3A_188 = arith.extui %lt3A_187 : i1 to i32
      %cond3A_189 = arith.constant 0 : i32
      %cond3A_190 = arith.cmpi ne, %convert_element_type3A_188, %cond3A_189 : i32
      scf.if %cond3A_190 {
        %add3A_243 = arith.constant 1 : i32
        %add3A_244 = arith.addi %add3A_44, %add3A_243 : i32
        %mul3A_245 = arith.constant 2 : i32
        %mul3A_246 = arith.muli %add3A_244, %mul3A_245 : i32
        %add3A_247 = arith.constant 0 : i32
        %add3A_248 = arith.addi %mul3A_246, %add3A_247 : i32
        %dma_start3A_249 = arith.constant 0 : i32
        %dma_start3A_250 = arith.constant 0 : i32
        %dma_start3A_251 = arith.constant 0 : i32
        %dma_start3A_252 = tpu.memref_slice %arg7[%dma_start3A_249, %dma_start3A_250, %dma_start3A_251] : memref<4x250x64xf32, #tpu.memory_space<vmem>> -> memref<1x250x64xf32, #tpu.memory_space<vmem>>
        %dma_start3A_253 = tpu.memref_squeeze %dma_start3A_252 : memref<1x250x64xf32, #tpu.memory_space<vmem>> -> memref<250x64xf32, #tpu.memory_space<vmem>>
        %dma_start3A_254 = arith.constant 0 : i32
        %dma_start3A_255 = tpu.memref_slice %arg5[%add3A_248, %dma_start3A_254] : memref<40x250xi32, #tpu.memory_space<vmem>> -> memref<1x250xi32, #tpu.memory_space<vmem>>
        %dma_start3A_256 = tpu.memref_squeeze %dma_start3A_255 : memref<1x250xi32, #tpu.memory_space<vmem>> -> memref<250xi32, #tpu.memory_space<vmem>>
        %dma_start3A_257 = arith.constant 0 : i32
        %dma_start3A_258 = arith.constant 0 : i32
        %dma_start3A_259 = tpu.memref_slice %arg3[%dma_start3A_257, %dma_start3A_258] : memref<10000x64xf32, #tpu.memory_space<hbm>> -> memref<10000x64xf32, #tpu.memory_space<hbm>>
        tpu.enqueue_indirect_dma source(%dma_start3A_259 : memref<10000x64xf32, #tpu.memory_space<hbm>>) target(%dma_start3A_253 : memref<250x64xf32, #tpu.memory_space<vmem>>) offsets(%dma_start3A_256 : memref<250xi32, #tpu.memory_space<vmem>>) semaphore(%arg9 : memref<!tpu.dma_semaphore, #tpu.memory_space<semaphore_mem>>)
        %mul3A_260 = arith.constant 2 : i32
        %mul3A_261 = arith.muli %add3A_244, %mul3A_260 : i32
        %add3A_262 = arith.constant 1 : i32
        %add3A_263 = arith.addi %mul3A_261, %add3A_262 : i32
        %dma_start3A_264 = arith.constant 1 : i32
        %dma_start3A_265 = arith.constant 0 : i32
        %dma_start3A_266 = arith.constant 0 : i32
        %dma_start3A_267 = tpu.memref_slice %arg7[%dma_start3A_264, %dma_start3A_265, %dma_start3A_266] : memref<4x250x64xf32, #tpu.memory_space<vmem>> -> memref<1x250x64xf32, #tpu.memory_space<vmem>>
        %dma_start3A_268 = tpu.memref_squeeze %dma_start3A_267 : memref<1x250x64xf32, #tpu.memory_space<vmem>> -> memref<250x64xf32, #tpu.memory_space<vmem>>
        %dma_start3A_269 = arith.constant 0 : i32
        %dma_start3A_270 = tpu.memref_slice %arg5[%add3A_263, %dma_start3A_269] : memref<40x250xi32, #tpu.memory_space<vmem>> -> memref<1x250xi32, #tpu.memory_space<vmem>>
        %dma_start3A_271 = tpu.memref_squeeze %dma_start3A_270 : memref<1x250xi32, #tpu.memory_space<vmem>> -> memref<250xi32, #tpu.memory_space<vmem>>
        %dma_start3A_272 = arith.constant 0 : i32
        %dma_start3A_273 = arith.constant 0 : i32
        %dma_start3A_274 = tpu.memref_slice %arg3[%dma_start3A_272, %dma_start3A_273] : memref<10000x64xf32, #tpu.memory_space<hbm>> -> memref<10000x64xf32, #tpu.memory_space<hbm>>
        tpu.enqueue_indirect_dma source(%dma_start3A_274 : memref<10000x64xf32, #tpu.memory_space<hbm>>) target(%dma_start3A_268 : memref<250x64xf32, #tpu.memory_space<vmem>>) offsets(%dma_start3A_271 : memref<250xi32, #tpu.memory_space<vmem>>) semaphore(%arg9 : memref<!tpu.dma_semaphore, #tpu.memory_space<semaphore_mem>>)
      } else {
      }
      %mul3A_191 = arith.constant 2 : i32
      %mul3A_192 = arith.muli %add3A_44, %mul3A_191 : i32
      %add3A_193 = arith.constant 0 : i32
      %add3A_194 = arith.addi %mul3A_192, %add3A_193 : i32
      %dma_start3A_195 = arith.constant 2 : i32
      %dma_start3A_196 = arith.constant 0 : i32
      %dma_start3A_197 = arith.constant 0 : i32
      %dma_start3A_198 = tpu.memref_slice %arg7[%dma_start3A_195, %dma_start3A_196, %dma_start3A_197] : memref<4x250x64xf32, #tpu.memory_space<vmem>> -> memref<1x250x64xf32, #tpu.memory_space<vmem>>
      %dma_start3A_199 = tpu.memref_squeeze %dma_start3A_198 : memref<1x250x64xf32, #tpu.memory_space<vmem>> -> memref<250x64xf32, #tpu.memory_space<vmem>>
      %dma_start3A_200 = arith.constant 0 : i32
      %dma_start3A_201 = tpu.memref_slice %arg6[%add3A_194, %dma_start3A_200] : memref<40x250xi32, #tpu.memory_space<vmem>> -> memref<1x250xi32, #tpu.memory_space<vmem>>
      %dma_start3A_202 = tpu.memref_squeeze %dma_start3A_201 : memref<1x250xi32, #tpu.memory_space<vmem>> -> memref<250xi32, #tpu.memory_space<vmem>>
      %dma_start3A_203 = arith.constant 0 : i32
      %dma_start3A_204 = arith.constant 0 : i32
      %dma_start3A_205 = tpu.memref_slice %arg8[%dma_start3A_203, %dma_start3A_204] : memref<10000x64xf32, #tpu.memory_space<vmem_shared>> -> memref<10000x64xf32, #tpu.memory_space<vmem_shared>>
      tpu.enqueue_indirect_dma source(%dma_start3A_199 : memref<250x64xf32, #tpu.memory_space<vmem>>) target(%dma_start3A_205 : memref<10000x64xf32, #tpu.memory_space<vmem_shared>>) offsets(%dma_start3A_202 : memref<250xi32, #tpu.memory_space<vmem>>) semaphore(%arg11 : memref<!tpu.dma_semaphore, #tpu.memory_space<semaphore_mem>>) {add = true}
      %mul3A_206 = arith.constant 2 : i32
      %mul3A_207 = arith.muli %add3A_44, %mul3A_206 : i32
      %add3A_208 = arith.constant 1 : i32
      %add3A_209 = arith.addi %mul3A_207, %add3A_208 : i32
      %dma_start3A_210 = arith.constant 3 : i32
      %dma_start3A_211 = arith.constant 0 : i32
      %dma_start3A_212 = arith.constant 0 : i32
      %dma_start3A_213 = tpu.memref_slice %arg7[%dma_start3A_210, %dma_start3A_211, %dma_start3A_212] : memref<4x250x64xf32, #tpu.memory_space<vmem>> -> memref<1x250x64xf32, #tpu.memory_space<vmem>>
      %dma_start3A_214 = tpu.memref_squeeze %dma_start3A_213 : memref<1x250x64xf32, #tpu.memory_space<vmem>> -> memref<250x64xf32, #tpu.memory_space<vmem>>
      %dma_start3A_215 = arith.constant 0 : i32
      %dma_start3A_216 = tpu.memref_slice %arg6[%add3A_209, %dma_start3A_215] : memref<40x250xi32, #tpu.memory_space<vmem>> -> memref<1x250xi32, #tpu.memory_space<vmem>>
      %dma_start3A_217 = tpu.memref_squeeze %dma_start3A_216 : memref<1x250xi32, #tpu.memory_space<vmem>> -> memref<250xi32, #tpu.memory_space<vmem>>
      %dma_start3A_218 = arith.constant 0 : i32
      %dma_start3A_219 = arith.constant 0 : i32
      %dma_start3A_220 = tpu.memref_slice %arg8[%dma_start3A_218, %dma_start3A_219] : memref<10000x64xf32, #tpu.memory_space<vmem_shared>> -> memref<10000x64xf32, #tpu.memory_space<vmem_shared>>
      tpu.enqueue_indirect_dma source(%dma_start3A_214 : memref<250x64xf32, #tpu.memory_space<vmem>>) target(%dma_start3A_220 : memref<10000x64xf32, #tpu.memory_space<vmem_shared>>) offsets(%dma_start3A_217 : memref<250xi32, #tpu.memory_space<vmem>>) semaphore(%arg11 : memref<!tpu.dma_semaphore, #tpu.memory_space<semaphore_mem>>) {add = true}
      %dma_wait3A_221 = arith.constant 2 : i32
      %dma_wait3A_222 = arith.constant 0 : i32
      %dma_wait3A_223 = arith.constant 0 : i32
      %dma_wait3A_224 = tpu.memref_slice %arg7[%dma_wait3A_221, %dma_wait3A_222, %dma_wait3A_223] : memref<4x250x64xf32, #tpu.memory_space<vmem>> -> memref<1x250x64xf32, #tpu.memory_space<vmem>>
      %dma_wait3A_225 = tpu.memref_squeeze %dma_wait3A_224 : memref<1x250x64xf32, #tpu.memory_space<vmem>> -> memref<250x64xf32, #tpu.memory_space<vmem>>
      %dma_wait3A_226 = arith.constant 0 : i32
      %dma_wait3A_227 = tpu.memref_slice %arg6[%add3A_194, %dma_wait3A_226] : memref<40x250xi32, #tpu.memory_space<vmem>> -> memref<1x250xi32, #tpu.memory_space<vmem>>
      %dma_wait3A_228 = tpu.memref_squeeze %dma_wait3A_227 : memref<1x250xi32, #tpu.memory_space<vmem>> -> memref<250xi32, #tpu.memory_space<vmem>>
      %dma_wait3A_229 = arith.constant 0 : i32
      %dma_wait3A_230 = arith.constant 0 : i32
      %dma_wait3A_231 = tpu.memref_slice %arg8[%dma_wait3A_229, %dma_wait3A_230] : memref<10000x64xf32, #tpu.memory_space<vmem_shared>> -> memref<10000x64xf32, #tpu.memory_space<vmem_shared>>
      tpu.wait_indirect_dma semaphore(%arg11 : memref<!tpu.dma_semaphore, #tpu.memory_space<semaphore_mem>>) src(%dma_wait3A_225 : memref<250x64xf32, #tpu.memory_space<vmem>>) dst(%dma_wait3A_231 : memref<10000x64xf32, #tpu.memory_space<vmem_shared>>)
      %dma_wait3A_232 = arith.constant 3 : i32
      %dma_wait3A_233 = arith.constant 0 : i32
      %dma_wait3A_234 = arith.constant 0 : i32
      %dma_wait3A_235 = tpu.memref_slice %arg7[%dma_wait3A_232, %dma_wait3A_233, %dma_wait3A_234] : memref<4x250x64xf32, #tpu.memory_space<vmem>> -> memref<1x250x64xf32, #tpu.memory_space<vmem>>
      %dma_wait3A_236 = tpu.memref_squeeze %dma_wait3A_235 : memref<1x250x64xf32, #tpu.memory_space<vmem>> -> memref<250x64xf32, #tpu.memory_space<vmem>>
      %dma_wait3A_237 = arith.constant 0 : i32
      %dma_wait3A_238 = tpu.memref_slice %arg6[%add3A_209, %dma_wait3A_237] : memref<40x250xi32, #tpu.memory_space<vmem>> -> memref<1x250xi32, #tpu.memory_space<vmem>>
      %dma_wait3A_239 = tpu.memref_squeeze %dma_wait3A_238 : memref<1x250xi32, #tpu.memory_space<vmem>> -> memref<250xi32, #tpu.memory_space<vmem>>
      %dma_wait3A_240 = arith.constant 0 : i32
      %dma_wait3A_241 = arith.constant 0 : i32
      %dma_wait3A_242 = tpu.memref_slice %arg8[%dma_wait3A_240, %dma_wait3A_241] : memref<10000x64xf32, #tpu.memory_space<vmem_shared>> -> memref<10000x64xf32, #tpu.memory_space<vmem_shared>>
      tpu.wait_indirect_dma semaphore(%arg11 : memref<!tpu.dma_semaphore, #tpu.memory_space<semaphore_mem>>) src(%dma_wait3A_236 : memref<250x64xf32, #tpu.memory_space<vmem>>) dst(%dma_wait3A_242 : memref<10000x64xf32, #tpu.memory_space<vmem_shared>>)
    }
    %scan3A_31 = arith.constant 10 : i32
    %barrier3A_32 = arith.constant 0 : index
    tpu.barrier barrier_id(%barrier3A_32)
    %lt3A_33 = arith.constant 10 : i32
    %lt3A_34 = arith.cmpi slt, %arg1, %lt3A_33 : i32
    %convert_element_type3A_35 = arith.extui %lt3A_34 : i1 to i32
    %cond3A_36 = arith.constant 0 : i32
    %cond3A_37 = arith.cmpi ne, %convert_element_type3A_35, %cond3A_36 : i32
    scf.if %cond3A_37 {
      %mul3A_38 = arith.constant 1000 : i32
      %mul3A_39 = arith.muli %arg1, %mul3A_38 : i32
      %mul3A_40 = arith.constant 1000 : i32
      %mul3A_41 = arith.muli %arg1, %mul3A_40 : i32
      "tpu.region"() ({
        %run_scoped3A_42 = tpu.sem_alloc : memref<!tpu.dma_semaphore, #tpu.memory_space<semaphore_mem>>
        %dma_start3A_43 = arith.constant 0 : i32
        %dma_start3A_44 = tpu.memref_slice %arg4[%arg0, %mul3A_41, %dma_start3A_43] : memref<2x10000x64xf32, #tpu.memory_space<hbm>> -> memref<1x1000x64xf32, #tpu.memory_space<hbm>>
        %dma_start3A_45 = tpu.memref_squeeze %dma_start3A_44 : memref<1x1000x64xf32, #tpu.memory_space<hbm>> -> memref<1000x64xf32, #tpu.memory_space<hbm>>
        %dma_start3A_46 = arith.constant 0 : i32
        %dma_start3A_47 = tpu.memref_slice %arg8[%mul3A_39, %dma_start3A_46] : memref<10000x64xf32, #tpu.memory_space<vmem_shared>> -> memref<1000x64xf32, #tpu.memory_space<vmem_shared>>
        tpu.enqueue_dma source(%dma_start3A_47 : memref<1000x64xf32, #tpu.memory_space<vmem_shared>>) target(%dma_start3A_45 : memref<1000x64xf32, #tpu.memory_space<hbm>>) target_semaphore(%run_scoped3A_42 : memref<!tpu.dma_semaphore, #tpu.memory_space<semaphore_mem>>)
        %dma_wait3A = arith.constant 0 : i32
        %dma_wait3A_48 = tpu.memref_slice %arg4[%arg0, %mul3A_41, %dma_wait3A] : memref<2x10000x64xf32, #tpu.memory_space<hbm>> -> memref<1x1000x64xf32, #tpu.memory_space<hbm>>
        %dma_wait3A_49 = tpu.memref_squeeze %dma_wait3A_48 : memref<1x1000x64xf32, #tpu.memory_space<hbm>> -> memref<1000x64xf32, #tpu.memory_space<hbm>>
        %dma_wait3A_50 = arith.constant 0 : i32
        %dma_wait3A_51 = tpu.memref_slice %arg8[%mul3A_39, %dma_wait3A_50] : memref<10000x64xf32, #tpu.memory_space<vmem_shared>> -> memref<1000x64xf32, #tpu.memory_space<vmem_shared>>
        tpu.wait_dma2 semaphore(%run_scoped3A_42 : memref<!tpu.dma_semaphore, #tpu.memory_space<semaphore_mem>>) src(%dma_wait3A_51 : memref<1000x64xf32, #tpu.memory_space<vmem_shared>>) dst(%dma_wait3A_49 : memref<1000x64xf32, #tpu.memory_space<hbm>>)
        tpu.yield
      }) : () -> ()
    } else {
    }
    return
  }
}

#map = affine_map<(d0, d1) -> (0, 0, 0, 0)>
#map1 = affine_map<(d0, d1) -> (0, 0)>
#map2 = affine_map<(d0, d1) -> (0, 0, 0)>
module attributes {stable_mosaic.version = 14 : i64} {
  func.func @_deg_body(%arg0: i32, %arg1: i32, %arg2: memref<2x32x40x250xi32, #tpu.memory_space<hbm>>, %arg3: memref<250x8xf32, #tpu.memory_space<hbm>>, %arg4: memref<10000x8xf32, #tpu.memory_space<hbm>>, %arg5: memref<2x10000x8xf32, #tpu.memory_space<hbm>>, %arg6: memref<40x250xi32, #tpu.memory_space<vmem>>, %arg7: memref<250x8xf32, #tpu.memory_space<vmem>>, %arg8: memref<10000x8xf32, #tpu.memory_space<vmem_shared>>, %arg9: memref<!tpu.dma_semaphore, #tpu.memory_space<semaphore_mem>>) attributes {dimension_semantics = [#tpu.dimension_semantics<core_parallel>, #tpu.dimension_semantics<subcore_parallel>], iteration_bounds = array<i64: 2, 16>, scalar_prefetch = 0 : i64, scratch_operands = 4 : i64, tpu.core_type = #tpu.core_type<sc_vector_subcore>, window_params = [{transform_indices = #map}, {transform_indices = #map1}, {transform_indices = #map1}, {transform_indices = #map2}]} {
    %mul3A = arith.constant 16 : i32
    %mul3A_0 = arith.muli %arg0, %mul3A : i32
    %add3A = arith.addi %mul3A_0, %arg1 : i32
    %run_scoped3A = arith.constant 1 : i32
    "tpu.region"() ({
      %run_scoped3A_567 = tpu.sem_alloc : memref<!tpu.dma_semaphore, #tpu.memory_space<semaphore_mem>>
      %dma_start3A_568 = arith.constant 0 : i32
      %dma_start3A_569 = arith.constant 0 : i32
      %dma_start3A_570 = tpu.memref_slice %arg2[%run_scoped3A, %add3A, %dma_start3A_568, %dma_start3A_569] : memref<2x32x40x250xi32, #tpu.memory_space<hbm>> -> memref<1x1x40x250xi32, #tpu.memory_space<hbm>>
      %dma_start3A_571 = tpu.memref_squeeze %dma_start3A_570 : memref<1x1x40x250xi32, #tpu.memory_space<hbm>> -> memref<40x250xi32, #tpu.memory_space<hbm>>
      %dma_start3A_572 = arith.constant 0 : i32
      %dma_start3A_573 = arith.constant 0 : i32
      %dma_start3A_574 = tpu.memref_slice %arg2[%run_scoped3A, %add3A, %dma_start3A_572, %dma_start3A_573] : memref<2x32x40x250xi32, #tpu.memory_space<hbm>> -> memref<1x1x40x250xi32, #tpu.memory_space<hbm>>
      %dma_start3A_575 = tpu.memref_squeeze %dma_start3A_574 : memref<1x1x40x250xi32, #tpu.memory_space<hbm>> -> memref<40x250xi32, #tpu.memory_space<hbm>>
      tpu.enqueue_dma source(%dma_start3A_575 : memref<40x250xi32, #tpu.memory_space<hbm>>) target(%arg6 : memref<40x250xi32, #tpu.memory_space<vmem>>) target_semaphore(%run_scoped3A_567 : memref<!tpu.dma_semaphore, #tpu.memory_space<semaphore_mem>>)
      %dma_wait3A_576 = arith.constant 0 : i32
      %dma_wait3A_577 = arith.constant 0 : i32
      %dma_wait3A_578 = tpu.memref_slice %arg2[%run_scoped3A, %add3A, %dma_wait3A_576, %dma_wait3A_577] : memref<2x32x40x250xi32, #tpu.memory_space<hbm>> -> memref<1x1x40x250xi32, #tpu.memory_space<hbm>>
      %dma_wait3A_579 = tpu.memref_squeeze %dma_wait3A_578 : memref<1x1x40x250xi32, #tpu.memory_space<hbm>> -> memref<40x250xi32, #tpu.memory_space<hbm>>
      %dma_wait3A_580 = arith.constant 0 : i32
      %dma_wait3A_581 = arith.constant 0 : i32
      %dma_wait3A_582 = tpu.memref_slice %arg2[%run_scoped3A, %add3A, %dma_wait3A_580, %dma_wait3A_581] : memref<2x32x40x250xi32, #tpu.memory_space<hbm>> -> memref<1x1x40x250xi32, #tpu.memory_space<hbm>>
      %dma_wait3A_583 = tpu.memref_squeeze %dma_wait3A_582 : memref<1x1x40x250xi32, #tpu.memory_space<hbm>> -> memref<40x250xi32, #tpu.memory_space<hbm>>
      tpu.wait_dma2 semaphore(%run_scoped3A_567 : memref<!tpu.dma_semaphore, #tpu.memory_space<semaphore_mem>>) src(%dma_wait3A_583 : memref<40x250xi32, #tpu.memory_space<hbm>>) dst(%arg6 : memref<40x250xi32, #tpu.memory_space<vmem>>)
      tpu.yield
    }) : () -> ()
    "tpu.region"() ({
      %run_scoped3A_567 = tpu.sem_alloc : memref<!tpu.dma_semaphore, #tpu.memory_space<semaphore_mem>>
      tpu.enqueue_dma source(%arg3 : memref<250x8xf32, #tpu.memory_space<hbm>>) target(%arg7 : memref<250x8xf32, #tpu.memory_space<vmem>>) target_semaphore(%run_scoped3A_567 : memref<!tpu.dma_semaphore, #tpu.memory_space<semaphore_mem>>)
      tpu.wait_dma2 semaphore(%run_scoped3A_567 : memref<!tpu.dma_semaphore, #tpu.memory_space<semaphore_mem>>) src(%arg3 : memref<250x8xf32, #tpu.memory_space<hbm>>) dst(%arg7 : memref<250x8xf32, #tpu.memory_space<vmem>>)
      tpu.yield
    }) : () -> ()
    %lt3A = arith.constant 10 : i32
    %lt3A_1 = arith.cmpi slt, %arg1, %lt3A : i32
    %convert_element_type3A = arith.extui %lt3A_1 : i1 to i32
    %cond3A = arith.constant 0 : i32
    %cond3A_2 = arith.cmpi ne, %convert_element_type3A, %cond3A : i32
    scf.if %cond3A_2 {
      %mul3A_567 = arith.constant 1000 : i32
      %mul3A_568 = arith.muli %arg1, %mul3A_567 : i32
      %mul3A_569 = arith.constant 1000 : i32
      %mul3A_570 = arith.muli %arg1, %mul3A_569 : i32
      "tpu.region"() ({
        %run_scoped3A_571 = tpu.sem_alloc : memref<!tpu.dma_semaphore, #tpu.memory_space<semaphore_mem>>
        %dma_start3A_572 = arith.constant 0 : i32
        %dma_start3A_573 = tpu.memref_slice %arg8[%mul3A_570, %dma_start3A_572] : memref<10000x8xf32, #tpu.memory_space<vmem_shared>> -> memref<1000x8xf32, #tpu.memory_space<vmem_shared>>
        %dma_start3A_574 = arith.constant 0 : i32
        %dma_start3A_575 = tpu.memref_slice %arg4[%mul3A_568, %dma_start3A_574] : memref<10000x8xf32, #tpu.memory_space<hbm>> -> memref<1000x8xf32, #tpu.memory_space<hbm>>
        tpu.enqueue_dma source(%dma_start3A_575 : memref<1000x8xf32, #tpu.memory_space<hbm>>) target(%dma_start3A_573 : memref<1000x8xf32, #tpu.memory_space<vmem_shared>>) target_semaphore(%run_scoped3A_571 : memref<!tpu.dma_semaphore, #tpu.memory_space<semaphore_mem>>)
        %dma_wait3A_576 = arith.constant 0 : i32
        %dma_wait3A_577 = tpu.memref_slice %arg8[%mul3A_570, %dma_wait3A_576] : memref<10000x8xf32, #tpu.memory_space<vmem_shared>> -> memref<1000x8xf32, #tpu.memory_space<vmem_shared>>
        %dma_wait3A_578 = arith.constant 0 : i32
        %dma_wait3A_579 = tpu.memref_slice %arg4[%mul3A_568, %dma_wait3A_578] : memref<10000x8xf32, #tpu.memory_space<hbm>> -> memref<1000x8xf32, #tpu.memory_space<hbm>>
        tpu.wait_dma2 semaphore(%run_scoped3A_571 : memref<!tpu.dma_semaphore, #tpu.memory_space<semaphore_mem>>) src(%dma_wait3A_579 : memref<1000x8xf32, #tpu.memory_space<hbm>>) dst(%dma_wait3A_577 : memref<1000x8xf32, #tpu.memory_space<vmem_shared>>)
        tpu.yield
      }) : () -> ()
    } else {
    }
    %barrier3A = arith.constant 0 : index
    tpu.barrier barrier_id(%barrier3A)
    %dma_start3A = arith.constant 0 : i32
    %dma_start3A_3 = arith.constant 0 : i32
    %dma_start3A_4 = tpu.memref_slice %arg6[%dma_start3A, %dma_start3A_3] : memref<40x250xi32, #tpu.memory_space<vmem>> -> memref<1x250xi32, #tpu.memory_space<vmem>>
    %dma_start3A_5 = tpu.memref_squeeze %dma_start3A_4 : memref<1x250xi32, #tpu.memory_space<vmem>> -> memref<250xi32, #tpu.memory_space<vmem>>
    %dma_start3A_6 = arith.constant 0 : i32
    %dma_start3A_7 = arith.constant 0 : i32
    %dma_start3A_8 = tpu.memref_slice %arg8[%dma_start3A_6, %dma_start3A_7] : memref<10000x8xf32, #tpu.memory_space<vmem_shared>> -> memref<10000x8xf32, #tpu.memory_space<vmem_shared>>
    tpu.enqueue_indirect_dma source(%arg7 : memref<250x8xf32, #tpu.memory_space<vmem>>) target(%dma_start3A_8 : memref<10000x8xf32, #tpu.memory_space<vmem_shared>>) offsets(%dma_start3A_5 : memref<250xi32, #tpu.memory_space<vmem>>) semaphore(%arg9 : memref<!tpu.dma_semaphore, #tpu.memory_space<semaphore_mem>>) {add = true}
    %dma_start3A_9 = arith.constant 1 : i32
    %dma_start3A_10 = arith.constant 0 : i32
    %dma_start3A_11 = tpu.memref_slice %arg6[%dma_start3A_9, %dma_start3A_10] : memref<40x250xi32, #tpu.memory_space<vmem>> -> memref<1x250xi32, #tpu.memory_space<vmem>>
    %dma_start3A_12 = tpu.memref_squeeze %dma_start3A_11 : memref<1x250xi32, #tpu.memory_space<vmem>> -> memref<250xi32, #tpu.memory_space<vmem>>
    %dma_start3A_13 = arith.constant 0 : i32
    %dma_start3A_14 = arith.constant 0 : i32
    %dma_start3A_15 = tpu.memref_slice %arg8[%dma_start3A_13, %dma_start3A_14] : memref<10000x8xf32, #tpu.memory_space<vmem_shared>> -> memref<10000x8xf32, #tpu.memory_space<vmem_shared>>
    tpu.enqueue_indirect_dma source(%arg7 : memref<250x8xf32, #tpu.memory_space<vmem>>) target(%dma_start3A_15 : memref<10000x8xf32, #tpu.memory_space<vmem_shared>>) offsets(%dma_start3A_12 : memref<250xi32, #tpu.memory_space<vmem>>) semaphore(%arg9 : memref<!tpu.dma_semaphore, #tpu.memory_space<semaphore_mem>>) {add = true}
    %dma_start3A_16 = arith.constant 2 : i32
    %dma_start3A_17 = arith.constant 0 : i32
    %dma_start3A_18 = tpu.memref_slice %arg6[%dma_start3A_16, %dma_start3A_17] : memref<40x250xi32, #tpu.memory_space<vmem>> -> memref<1x250xi32, #tpu.memory_space<vmem>>
    %dma_start3A_19 = tpu.memref_squeeze %dma_start3A_18 : memref<1x250xi32, #tpu.memory_space<vmem>> -> memref<250xi32, #tpu.memory_space<vmem>>
    %dma_start3A_20 = arith.constant 0 : i32
    %dma_start3A_21 = arith.constant 0 : i32
    %dma_start3A_22 = tpu.memref_slice %arg8[%dma_start3A_20, %dma_start3A_21] : memref<10000x8xf32, #tpu.memory_space<vmem_shared>> -> memref<10000x8xf32, #tpu.memory_space<vmem_shared>>
    tpu.enqueue_indirect_dma source(%arg7 : memref<250x8xf32, #tpu.memory_space<vmem>>) target(%dma_start3A_22 : memref<10000x8xf32, #tpu.memory_space<vmem_shared>>) offsets(%dma_start3A_19 : memref<250xi32, #tpu.memory_space<vmem>>) semaphore(%arg9 : memref<!tpu.dma_semaphore, #tpu.memory_space<semaphore_mem>>) {add = true}
    %dma_start3A_23 = arith.constant 3 : i32
    %dma_start3A_24 = arith.constant 0 : i32
    %dma_start3A_25 = tpu.memref_slice %arg6[%dma_start3A_23, %dma_start3A_24] : memref<40x250xi32, #tpu.memory_space<vmem>> -> memref<1x250xi32, #tpu.memory_space<vmem>>
    %dma_start3A_26 = tpu.memref_squeeze %dma_start3A_25 : memref<1x250xi32, #tpu.memory_space<vmem>> -> memref<250xi32, #tpu.memory_space<vmem>>
    %dma_start3A_27 = arith.constant 0 : i32
    %dma_start3A_28 = arith.constant 0 : i32
    %dma_start3A_29 = tpu.memref_slice %arg8[%dma_start3A_27, %dma_start3A_28] : memref<10000x8xf32, #tpu.memory_space<vmem_shared>> -> memref<10000x8xf32, #tpu.memory_space<vmem_shared>>
    tpu.enqueue_indirect_dma source(%arg7 : memref<250x8xf32, #tpu.memory_space<vmem>>) target(%dma_start3A_29 : memref<10000x8xf32, #tpu.memory_space<vmem_shared>>) offsets(%dma_start3A_26 : memref<250xi32, #tpu.memory_space<vmem>>) semaphore(%arg9 : memref<!tpu.dma_semaphore, #tpu.memory_space<semaphore_mem>>) {add = true}
    %dma_start3A_30 = arith.constant 4 : i32
    %dma_start3A_31 = arith.constant 0 : i32
    %dma_start3A_32 = tpu.memref_slice %arg6[%dma_start3A_30, %dma_start3A_31] : memref<40x250xi32, #tpu.memory_space<vmem>> -> memref<1x250xi32, #tpu.memory_space<vmem>>
    %dma_start3A_33 = tpu.memref_squeeze %dma_start3A_32 : memref<1x250xi32, #tpu.memory_space<vmem>> -> memref<250xi32, #tpu.memory_space<vmem>>
    %dma_start3A_34 = arith.constant 0 : i32
    %dma_start3A_35 = arith.constant 0 : i32
    %dma_start3A_36 = tpu.memref_slice %arg8[%dma_start3A_34, %dma_start3A_35] : memref<10000x8xf32, #tpu.memory_space<vmem_shared>> -> memref<10000x8xf32, #tpu.memory_space<vmem_shared>>
    tpu.enqueue_indirect_dma source(%arg7 : memref<250x8xf32, #tpu.memory_space<vmem>>) target(%dma_start3A_36 : memref<10000x8xf32, #tpu.memory_space<vmem_shared>>) offsets(%dma_start3A_33 : memref<250xi32, #tpu.memory_space<vmem>>) semaphore(%arg9 : memref<!tpu.dma_semaphore, #tpu.memory_space<semaphore_mem>>) {add = true}
    %dma_start3A_37 = arith.constant 5 : i32
    %dma_start3A_38 = arith.constant 0 : i32
    %dma_start3A_39 = tpu.memref_slice %arg6[%dma_start3A_37, %dma_start3A_38] : memref<40x250xi32, #tpu.memory_space<vmem>> -> memref<1x250xi32, #tpu.memory_space<vmem>>
    %dma_start3A_40 = tpu.memref_squeeze %dma_start3A_39 : memref<1x250xi32, #tpu.memory_space<vmem>> -> memref<250xi32, #tpu.memory_space<vmem>>
    %dma_start3A_41 = arith.constant 0 : i32
    %dma_start3A_42 = arith.constant 0 : i32
    %dma_start3A_43 = tpu.memref_slice %arg8[%dma_start3A_41, %dma_start3A_42] : memref<10000x8xf32, #tpu.memory_space<vmem_shared>> -> memref<10000x8xf32, #tpu.memory_space<vmem_shared>>
    tpu.enqueue_indirect_dma source(%arg7 : memref<250x8xf32, #tpu.memory_space<vmem>>) target(%dma_start3A_43 : memref<10000x8xf32, #tpu.memory_space<vmem_shared>>) offsets(%dma_start3A_40 : memref<250xi32, #tpu.memory_space<vmem>>) semaphore(%arg9 : memref<!tpu.dma_semaphore, #tpu.memory_space<semaphore_mem>>) {add = true}
    %dma_start3A_44 = arith.constant 6 : i32
    %dma_start3A_45 = arith.constant 0 : i32
    %dma_start3A_46 = tpu.memref_slice %arg6[%dma_start3A_44, %dma_start3A_45] : memref<40x250xi32, #tpu.memory_space<vmem>> -> memref<1x250xi32, #tpu.memory_space<vmem>>
    %dma_start3A_47 = tpu.memref_squeeze %dma_start3A_46 : memref<1x250xi32, #tpu.memory_space<vmem>> -> memref<250xi32, #tpu.memory_space<vmem>>
    %dma_start3A_48 = arith.constant 0 : i32
    %dma_start3A_49 = arith.constant 0 : i32
    %dma_start3A_50 = tpu.memref_slice %arg8[%dma_start3A_48, %dma_start3A_49] : memref<10000x8xf32, #tpu.memory_space<vmem_shared>> -> memref<10000x8xf32, #tpu.memory_space<vmem_shared>>
    tpu.enqueue_indirect_dma source(%arg7 : memref<250x8xf32, #tpu.memory_space<vmem>>) target(%dma_start3A_50 : memref<10000x8xf32, #tpu.memory_space<vmem_shared>>) offsets(%dma_start3A_47 : memref<250xi32, #tpu.memory_space<vmem>>) semaphore(%arg9 : memref<!tpu.dma_semaphore, #tpu.memory_space<semaphore_mem>>) {add = true}
    %dma_start3A_51 = arith.constant 7 : i32
    %dma_start3A_52 = arith.constant 0 : i32
    %dma_start3A_53 = tpu.memref_slice %arg6[%dma_start3A_51, %dma_start3A_52] : memref<40x250xi32, #tpu.memory_space<vmem>> -> memref<1x250xi32, #tpu.memory_space<vmem>>
    %dma_start3A_54 = tpu.memref_squeeze %dma_start3A_53 : memref<1x250xi32, #tpu.memory_space<vmem>> -> memref<250xi32, #tpu.memory_space<vmem>>
    %dma_start3A_55 = arith.constant 0 : i32
    %dma_start3A_56 = arith.constant 0 : i32
    %dma_start3A_57 = tpu.memref_slice %arg8[%dma_start3A_55, %dma_start3A_56] : memref<10000x8xf32, #tpu.memory_space<vmem_shared>> -> memref<10000x8xf32, #tpu.memory_space<vmem_shared>>
    tpu.enqueue_indirect_dma source(%arg7 : memref<250x8xf32, #tpu.memory_space<vmem>>) target(%dma_start3A_57 : memref<10000x8xf32, #tpu.memory_space<vmem_shared>>) offsets(%dma_start3A_54 : memref<250xi32, #tpu.memory_space<vmem>>) semaphore(%arg9 : memref<!tpu.dma_semaphore, #tpu.memory_space<semaphore_mem>>) {add = true}
    %dma_start3A_58 = arith.constant 8 : i32
    %dma_start3A_59 = arith.constant 0 : i32
    %dma_start3A_60 = tpu.memref_slice %arg6[%dma_start3A_58, %dma_start3A_59] : memref<40x250xi32, #tpu.memory_space<vmem>> -> memref<1x250xi32, #tpu.memory_space<vmem>>
    %dma_start3A_61 = tpu.memref_squeeze %dma_start3A_60 : memref<1x250xi32, #tpu.memory_space<vmem>> -> memref<250xi32, #tpu.memory_space<vmem>>
    %dma_start3A_62 = arith.constant 0 : i32
    %dma_start3A_63 = arith.constant 0 : i32
    %dma_start3A_64 = tpu.memref_slice %arg8[%dma_start3A_62, %dma_start3A_63] : memref<10000x8xf32, #tpu.memory_space<vmem_shared>> -> memref<10000x8xf32, #tpu.memory_space<vmem_shared>>
    tpu.enqueue_indirect_dma source(%arg7 : memref<250x8xf32, #tpu.memory_space<vmem>>) target(%dma_start3A_64 : memref<10000x8xf32, #tpu.memory_space<vmem_shared>>) offsets(%dma_start3A_61 : memref<250xi32, #tpu.memory_space<vmem>>) semaphore(%arg9 : memref<!tpu.dma_semaphore, #tpu.memory_space<semaphore_mem>>) {add = true}
    %dma_start3A_65 = arith.constant 9 : i32
    %dma_start3A_66 = arith.constant 0 : i32
    %dma_start3A_67 = tpu.memref_slice %arg6[%dma_start3A_65, %dma_start3A_66] : memref<40x250xi32, #tpu.memory_space<vmem>> -> memref<1x250xi32, #tpu.memory_space<vmem>>
    %dma_start3A_68 = tpu.memref_squeeze %dma_start3A_67 : memref<1x250xi32, #tpu.memory_space<vmem>> -> memref<250xi32, #tpu.memory_space<vmem>>
    %dma_start3A_69 = arith.constant 0 : i32
    %dma_start3A_70 = arith.constant 0 : i32
    %dma_start3A_71 = tpu.memref_slice %arg8[%dma_start3A_69, %dma_start3A_70] : memref<10000x8xf32, #tpu.memory_space<vmem_shared>> -> memref<10000x8xf32, #tpu.memory_space<vmem_shared>>
    tpu.enqueue_indirect_dma source(%arg7 : memref<250x8xf32, #tpu.memory_space<vmem>>) target(%dma_start3A_71 : memref<10000x8xf32, #tpu.memory_space<vmem_shared>>) offsets(%dma_start3A_68 : memref<250xi32, #tpu.memory_space<vmem>>) semaphore(%arg9 : memref<!tpu.dma_semaphore, #tpu.memory_space<semaphore_mem>>) {add = true}
    %dma_start3A_72 = arith.constant 10 : i32
    %dma_start3A_73 = arith.constant 0 : i32
    %dma_start3A_74 = tpu.memref_slice %arg6[%dma_start3A_72, %dma_start3A_73] : memref<40x250xi32, #tpu.memory_space<vmem>> -> memref<1x250xi32, #tpu.memory_space<vmem>>
    %dma_start3A_75 = tpu.memref_squeeze %dma_start3A_74 : memref<1x250xi32, #tpu.memory_space<vmem>> -> memref<250xi32, #tpu.memory_space<vmem>>
    %dma_start3A_76 = arith.constant 0 : i32
    %dma_start3A_77 = arith.constant 0 : i32
    %dma_start3A_78 = tpu.memref_slice %arg8[%dma_start3A_76, %dma_start3A_77] : memref<10000x8xf32, #tpu.memory_space<vmem_shared>> -> memref<10000x8xf32, #tpu.memory_space<vmem_shared>>
    tpu.enqueue_indirect_dma source(%arg7 : memref<250x8xf32, #tpu.memory_space<vmem>>) target(%dma_start3A_78 : memref<10000x8xf32, #tpu.memory_space<vmem_shared>>) offsets(%dma_start3A_75 : memref<250xi32, #tpu.memory_space<vmem>>) semaphore(%arg9 : memref<!tpu.dma_semaphore, #tpu.memory_space<semaphore_mem>>) {add = true}
    %dma_start3A_79 = arith.constant 11 : i32
    %dma_start3A_80 = arith.constant 0 : i32
    %dma_start3A_81 = tpu.memref_slice %arg6[%dma_start3A_79, %dma_start3A_80] : memref<40x250xi32, #tpu.memory_space<vmem>> -> memref<1x250xi32, #tpu.memory_space<vmem>>
    %dma_start3A_82 = tpu.memref_squeeze %dma_start3A_81 : memref<1x250xi32, #tpu.memory_space<vmem>> -> memref<250xi32, #tpu.memory_space<vmem>>
    %dma_start3A_83 = arith.constant 0 : i32
    %dma_start3A_84 = arith.constant 0 : i32
    %dma_start3A_85 = tpu.memref_slice %arg8[%dma_start3A_83, %dma_start3A_84] : memref<10000x8xf32, #tpu.memory_space<vmem_shared>> -> memref<10000x8xf32, #tpu.memory_space<vmem_shared>>
    tpu.enqueue_indirect_dma source(%arg7 : memref<250x8xf32, #tpu.memory_space<vmem>>) target(%dma_start3A_85 : memref<10000x8xf32, #tpu.memory_space<vmem_shared>>) offsets(%dma_start3A_82 : memref<250xi32, #tpu.memory_space<vmem>>) semaphore(%arg9 : memref<!tpu.dma_semaphore, #tpu.memory_space<semaphore_mem>>) {add = true}
    %dma_start3A_86 = arith.constant 12 : i32
    %dma_start3A_87 = arith.constant 0 : i32
    %dma_start3A_88 = tpu.memref_slice %arg6[%dma_start3A_86, %dma_start3A_87] : memref<40x250xi32, #tpu.memory_space<vmem>> -> memref<1x250xi32, #tpu.memory_space<vmem>>
    %dma_start3A_89 = tpu.memref_squeeze %dma_start3A_88 : memref<1x250xi32, #tpu.memory_space<vmem>> -> memref<250xi32, #tpu.memory_space<vmem>>
    %dma_start3A_90 = arith.constant 0 : i32
    %dma_start3A_91 = arith.constant 0 : i32
    %dma_start3A_92 = tpu.memref_slice %arg8[%dma_start3A_90, %dma_start3A_91] : memref<10000x8xf32, #tpu.memory_space<vmem_shared>> -> memref<10000x8xf32, #tpu.memory_space<vmem_shared>>
    tpu.enqueue_indirect_dma source(%arg7 : memref<250x8xf32, #tpu.memory_space<vmem>>) target(%dma_start3A_92 : memref<10000x8xf32, #tpu.memory_space<vmem_shared>>) offsets(%dma_start3A_89 : memref<250xi32, #tpu.memory_space<vmem>>) semaphore(%arg9 : memref<!tpu.dma_semaphore, #tpu.memory_space<semaphore_mem>>) {add = true}
    %dma_start3A_93 = arith.constant 13 : i32
    %dma_start3A_94 = arith.constant 0 : i32
    %dma_start3A_95 = tpu.memref_slice %arg6[%dma_start3A_93, %dma_start3A_94] : memref<40x250xi32, #tpu.memory_space<vmem>> -> memref<1x250xi32, #tpu.memory_space<vmem>>
    %dma_start3A_96 = tpu.memref_squeeze %dma_start3A_95 : memref<1x250xi32, #tpu.memory_space<vmem>> -> memref<250xi32, #tpu.memory_space<vmem>>
    %dma_start3A_97 = arith.constant 0 : i32
    %dma_start3A_98 = arith.constant 0 : i32
    %dma_start3A_99 = tpu.memref_slice %arg8[%dma_start3A_97, %dma_start3A_98] : memref<10000x8xf32, #tpu.memory_space<vmem_shared>> -> memref<10000x8xf32, #tpu.memory_space<vmem_shared>>
    tpu.enqueue_indirect_dma source(%arg7 : memref<250x8xf32, #tpu.memory_space<vmem>>) target(%dma_start3A_99 : memref<10000x8xf32, #tpu.memory_space<vmem_shared>>) offsets(%dma_start3A_96 : memref<250xi32, #tpu.memory_space<vmem>>) semaphore(%arg9 : memref<!tpu.dma_semaphore, #tpu.memory_space<semaphore_mem>>) {add = true}
    %dma_start3A_100 = arith.constant 14 : i32
    %dma_start3A_101 = arith.constant 0 : i32
    %dma_start3A_102 = tpu.memref_slice %arg6[%dma_start3A_100, %dma_start3A_101] : memref<40x250xi32, #tpu.memory_space<vmem>> -> memref<1x250xi32, #tpu.memory_space<vmem>>
    %dma_start3A_103 = tpu.memref_squeeze %dma_start3A_102 : memref<1x250xi32, #tpu.memory_space<vmem>> -> memref<250xi32, #tpu.memory_space<vmem>>
    %dma_start3A_104 = arith.constant 0 : i32
    %dma_start3A_105 = arith.constant 0 : i32
    %dma_start3A_106 = tpu.memref_slice %arg8[%dma_start3A_104, %dma_start3A_105] : memref<10000x8xf32, #tpu.memory_space<vmem_shared>> -> memref<10000x8xf32, #tpu.memory_space<vmem_shared>>
    tpu.enqueue_indirect_dma source(%arg7 : memref<250x8xf32, #tpu.memory_space<vmem>>) target(%dma_start3A_106 : memref<10000x8xf32, #tpu.memory_space<vmem_shared>>) offsets(%dma_start3A_103 : memref<250xi32, #tpu.memory_space<vmem>>) semaphore(%arg9 : memref<!tpu.dma_semaphore, #tpu.memory_space<semaphore_mem>>) {add = true}
    %dma_start3A_107 = arith.constant 15 : i32
    %dma_start3A_108 = arith.constant 0 : i32
    %dma_start3A_109 = tpu.memref_slice %arg6[%dma_start3A_107, %dma_start3A_108] : memref<40x250xi32, #tpu.memory_space<vmem>> -> memref<1x250xi32, #tpu.memory_space<vmem>>
    %dma_start3A_110 = tpu.memref_squeeze %dma_start3A_109 : memref<1x250xi32, #tpu.memory_space<vmem>> -> memref<250xi32, #tpu.memory_space<vmem>>
    %dma_start3A_111 = arith.constant 0 : i32
    %dma_start3A_112 = arith.constant 0 : i32
    %dma_start3A_113 = tpu.memref_slice %arg8[%dma_start3A_111, %dma_start3A_112] : memref<10000x8xf32, #tpu.memory_space<vmem_shared>> -> memref<10000x8xf32, #tpu.memory_space<vmem_shared>>
    tpu.enqueue_indirect_dma source(%arg7 : memref<250x8xf32, #tpu.memory_space<vmem>>) target(%dma_start3A_113 : memref<10000x8xf32, #tpu.memory_space<vmem_shared>>) offsets(%dma_start3A_110 : memref<250xi32, #tpu.memory_space<vmem>>) semaphore(%arg9 : memref<!tpu.dma_semaphore, #tpu.memory_space<semaphore_mem>>) {add = true}
    %dma_start3A_114 = arith.constant 16 : i32
    %dma_start3A_115 = arith.constant 0 : i32
    %dma_start3A_116 = tpu.memref_slice %arg6[%dma_start3A_114, %dma_start3A_115] : memref<40x250xi32, #tpu.memory_space<vmem>> -> memref<1x250xi32, #tpu.memory_space<vmem>>
    %dma_start3A_117 = tpu.memref_squeeze %dma_start3A_116 : memref<1x250xi32, #tpu.memory_space<vmem>> -> memref<250xi32, #tpu.memory_space<vmem>>
    %dma_start3A_118 = arith.constant 0 : i32
    %dma_start3A_119 = arith.constant 0 : i32
    %dma_start3A_120 = tpu.memref_slice %arg8[%dma_start3A_118, %dma_start3A_119] : memref<10000x8xf32, #tpu.memory_space<vmem_shared>> -> memref<10000x8xf32, #tpu.memory_space<vmem_shared>>
    tpu.enqueue_indirect_dma source(%arg7 : memref<250x8xf32, #tpu.memory_space<vmem>>) target(%dma_start3A_120 : memref<10000x8xf32, #tpu.memory_space<vmem_shared>>) offsets(%dma_start3A_117 : memref<250xi32, #tpu.memory_space<vmem>>) semaphore(%arg9 : memref<!tpu.dma_semaphore, #tpu.memory_space<semaphore_mem>>) {add = true}
    %dma_start3A_121 = arith.constant 17 : i32
    %dma_start3A_122 = arith.constant 0 : i32
    %dma_start3A_123 = tpu.memref_slice %arg6[%dma_start3A_121, %dma_start3A_122] : memref<40x250xi32, #tpu.memory_space<vmem>> -> memref<1x250xi32, #tpu.memory_space<vmem>>
    %dma_start3A_124 = tpu.memref_squeeze %dma_start3A_123 : memref<1x250xi32, #tpu.memory_space<vmem>> -> memref<250xi32, #tpu.memory_space<vmem>>
    %dma_start3A_125 = arith.constant 0 : i32
    %dma_start3A_126 = arith.constant 0 : i32
    %dma_start3A_127 = tpu.memref_slice %arg8[%dma_start3A_125, %dma_start3A_126] : memref<10000x8xf32, #tpu.memory_space<vmem_shared>> -> memref<10000x8xf32, #tpu.memory_space<vmem_shared>>
    tpu.enqueue_indirect_dma source(%arg7 : memref<250x8xf32, #tpu.memory_space<vmem>>) target(%dma_start3A_127 : memref<10000x8xf32, #tpu.memory_space<vmem_shared>>) offsets(%dma_start3A_124 : memref<250xi32, #tpu.memory_space<vmem>>) semaphore(%arg9 : memref<!tpu.dma_semaphore, #tpu.memory_space<semaphore_mem>>) {add = true}
    %dma_start3A_128 = arith.constant 18 : i32
    %dma_start3A_129 = arith.constant 0 : i32
    %dma_start3A_130 = tpu.memref_slice %arg6[%dma_start3A_128, %dma_start3A_129] : memref<40x250xi32, #tpu.memory_space<vmem>> -> memref<1x250xi32, #tpu.memory_space<vmem>>
    %dma_start3A_131 = tpu.memref_squeeze %dma_start3A_130 : memref<1x250xi32, #tpu.memory_space<vmem>> -> memref<250xi32, #tpu.memory_space<vmem>>
    %dma_start3A_132 = arith.constant 0 : i32
    %dma_start3A_133 = arith.constant 0 : i32
    %dma_start3A_134 = tpu.memref_slice %arg8[%dma_start3A_132, %dma_start3A_133] : memref<10000x8xf32, #tpu.memory_space<vmem_shared>> -> memref<10000x8xf32, #tpu.memory_space<vmem_shared>>
    tpu.enqueue_indirect_dma source(%arg7 : memref<250x8xf32, #tpu.memory_space<vmem>>) target(%dma_start3A_134 : memref<10000x8xf32, #tpu.memory_space<vmem_shared>>) offsets(%dma_start3A_131 : memref<250xi32, #tpu.memory_space<vmem>>) semaphore(%arg9 : memref<!tpu.dma_semaphore, #tpu.memory_space<semaphore_mem>>) {add = true}
    %dma_start3A_135 = arith.constant 19 : i32
    %dma_start3A_136 = arith.constant 0 : i32
    %dma_start3A_137 = tpu.memref_slice %arg6[%dma_start3A_135, %dma_start3A_136] : memref<40x250xi32, #tpu.memory_space<vmem>> -> memref<1x250xi32, #tpu.memory_space<vmem>>
    %dma_start3A_138 = tpu.memref_squeeze %dma_start3A_137 : memref<1x250xi32, #tpu.memory_space<vmem>> -> memref<250xi32, #tpu.memory_space<vmem>>
    %dma_start3A_139 = arith.constant 0 : i32
    %dma_start3A_140 = arith.constant 0 : i32
    %dma_start3A_141 = tpu.memref_slice %arg8[%dma_start3A_139, %dma_start3A_140] : memref<10000x8xf32, #tpu.memory_space<vmem_shared>> -> memref<10000x8xf32, #tpu.memory_space<vmem_shared>>
    tpu.enqueue_indirect_dma source(%arg7 : memref<250x8xf32, #tpu.memory_space<vmem>>) target(%dma_start3A_141 : memref<10000x8xf32, #tpu.memory_space<vmem_shared>>) offsets(%dma_start3A_138 : memref<250xi32, #tpu.memory_space<vmem>>) semaphore(%arg9 : memref<!tpu.dma_semaphore, #tpu.memory_space<semaphore_mem>>) {add = true}
    %dma_start3A_142 = arith.constant 20 : i32
    %dma_start3A_143 = arith.constant 0 : i32
    %dma_start3A_144 = tpu.memref_slice %arg6[%dma_start3A_142, %dma_start3A_143] : memref<40x250xi32, #tpu.memory_space<vmem>> -> memref<1x250xi32, #tpu.memory_space<vmem>>
    %dma_start3A_145 = tpu.memref_squeeze %dma_start3A_144 : memref<1x250xi32, #tpu.memory_space<vmem>> -> memref<250xi32, #tpu.memory_space<vmem>>
    %dma_start3A_146 = arith.constant 0 : i32
    %dma_start3A_147 = arith.constant 0 : i32
    %dma_start3A_148 = tpu.memref_slice %arg8[%dma_start3A_146, %dma_start3A_147] : memref<10000x8xf32, #tpu.memory_space<vmem_shared>> -> memref<10000x8xf32, #tpu.memory_space<vmem_shared>>
    tpu.enqueue_indirect_dma source(%arg7 : memref<250x8xf32, #tpu.memory_space<vmem>>) target(%dma_start3A_148 : memref<10000x8xf32, #tpu.memory_space<vmem_shared>>) offsets(%dma_start3A_145 : memref<250xi32, #tpu.memory_space<vmem>>) semaphore(%arg9 : memref<!tpu.dma_semaphore, #tpu.memory_space<semaphore_mem>>) {add = true}
    %dma_start3A_149 = arith.constant 21 : i32
    %dma_start3A_150 = arith.constant 0 : i32
    %dma_start3A_151 = tpu.memref_slice %arg6[%dma_start3A_149, %dma_start3A_150] : memref<40x250xi32, #tpu.memory_space<vmem>> -> memref<1x250xi32, #tpu.memory_space<vmem>>
    %dma_start3A_152 = tpu.memref_squeeze %dma_start3A_151 : memref<1x250xi32, #tpu.memory_space<vmem>> -> memref<250xi32, #tpu.memory_space<vmem>>
    %dma_start3A_153 = arith.constant 0 : i32
    %dma_start3A_154 = arith.constant 0 : i32
    %dma_start3A_155 = tpu.memref_slice %arg8[%dma_start3A_153, %dma_start3A_154] : memref<10000x8xf32, #tpu.memory_space<vmem_shared>> -> memref<10000x8xf32, #tpu.memory_space<vmem_shared>>
    tpu.enqueue_indirect_dma source(%arg7 : memref<250x8xf32, #tpu.memory_space<vmem>>) target(%dma_start3A_155 : memref<10000x8xf32, #tpu.memory_space<vmem_shared>>) offsets(%dma_start3A_152 : memref<250xi32, #tpu.memory_space<vmem>>) semaphore(%arg9 : memref<!tpu.dma_semaphore, #tpu.memory_space<semaphore_mem>>) {add = true}
    %dma_start3A_156 = arith.constant 22 : i32
    %dma_start3A_157 = arith.constant 0 : i32
    %dma_start3A_158 = tpu.memref_slice %arg6[%dma_start3A_156, %dma_start3A_157] : memref<40x250xi32, #tpu.memory_space<vmem>> -> memref<1x250xi32, #tpu.memory_space<vmem>>
    %dma_start3A_159 = tpu.memref_squeeze %dma_start3A_158 : memref<1x250xi32, #tpu.memory_space<vmem>> -> memref<250xi32, #tpu.memory_space<vmem>>
    %dma_start3A_160 = arith.constant 0 : i32
    %dma_start3A_161 = arith.constant 0 : i32
    %dma_start3A_162 = tpu.memref_slice %arg8[%dma_start3A_160, %dma_start3A_161] : memref<10000x8xf32, #tpu.memory_space<vmem_shared>> -> memref<10000x8xf32, #tpu.memory_space<vmem_shared>>
    tpu.enqueue_indirect_dma source(%arg7 : memref<250x8xf32, #tpu.memory_space<vmem>>) target(%dma_start3A_162 : memref<10000x8xf32, #tpu.memory_space<vmem_shared>>) offsets(%dma_start3A_159 : memref<250xi32, #tpu.memory_space<vmem>>) semaphore(%arg9 : memref<!tpu.dma_semaphore, #tpu.memory_space<semaphore_mem>>) {add = true}
    %dma_start3A_163 = arith.constant 23 : i32
    %dma_start3A_164 = arith.constant 0 : i32
    %dma_start3A_165 = tpu.memref_slice %arg6[%dma_start3A_163, %dma_start3A_164] : memref<40x250xi32, #tpu.memory_space<vmem>> -> memref<1x250xi32, #tpu.memory_space<vmem>>
    %dma_start3A_166 = tpu.memref_squeeze %dma_start3A_165 : memref<1x250xi32, #tpu.memory_space<vmem>> -> memref<250xi32, #tpu.memory_space<vmem>>
    %dma_start3A_167 = arith.constant 0 : i32
    %dma_start3A_168 = arith.constant 0 : i32
    %dma_start3A_169 = tpu.memref_slice %arg8[%dma_start3A_167, %dma_start3A_168] : memref<10000x8xf32, #tpu.memory_space<vmem_shared>> -> memref<10000x8xf32, #tpu.memory_space<vmem_shared>>
    tpu.enqueue_indirect_dma source(%arg7 : memref<250x8xf32, #tpu.memory_space<vmem>>) target(%dma_start3A_169 : memref<10000x8xf32, #tpu.memory_space<vmem_shared>>) offsets(%dma_start3A_166 : memref<250xi32, #tpu.memory_space<vmem>>) semaphore(%arg9 : memref<!tpu.dma_semaphore, #tpu.memory_space<semaphore_mem>>) {add = true}
    %dma_start3A_170 = arith.constant 24 : i32
    %dma_start3A_171 = arith.constant 0 : i32
    %dma_start3A_172 = tpu.memref_slice %arg6[%dma_start3A_170, %dma_start3A_171] : memref<40x250xi32, #tpu.memory_space<vmem>> -> memref<1x250xi32, #tpu.memory_space<vmem>>
    %dma_start3A_173 = tpu.memref_squeeze %dma_start3A_172 : memref<1x250xi32, #tpu.memory_space<vmem>> -> memref<250xi32, #tpu.memory_space<vmem>>
    %dma_start3A_174 = arith.constant 0 : i32
    %dma_start3A_175 = arith.constant 0 : i32
    %dma_start3A_176 = tpu.memref_slice %arg8[%dma_start3A_174, %dma_start3A_175] : memref<10000x8xf32, #tpu.memory_space<vmem_shared>> -> memref<10000x8xf32, #tpu.memory_space<vmem_shared>>
    tpu.enqueue_indirect_dma source(%arg7 : memref<250x8xf32, #tpu.memory_space<vmem>>) target(%dma_start3A_176 : memref<10000x8xf32, #tpu.memory_space<vmem_shared>>) offsets(%dma_start3A_173 : memref<250xi32, #tpu.memory_space<vmem>>) semaphore(%arg9 : memref<!tpu.dma_semaphore, #tpu.memory_space<semaphore_mem>>) {add = true}
    %dma_start3A_177 = arith.constant 25 : i32
    %dma_start3A_178 = arith.constant 0 : i32
    %dma_start3A_179 = tpu.memref_slice %arg6[%dma_start3A_177, %dma_start3A_178] : memref<40x250xi32, #tpu.memory_space<vmem>> -> memref<1x250xi32, #tpu.memory_space<vmem>>
    %dma_start3A_180 = tpu.memref_squeeze %dma_start3A_179 : memref<1x250xi32, #tpu.memory_space<vmem>> -> memref<250xi32, #tpu.memory_space<vmem>>
    %dma_start3A_181 = arith.constant 0 : i32
    %dma_start3A_182 = arith.constant 0 : i32
    %dma_start3A_183 = tpu.memref_slice %arg8[%dma_start3A_181, %dma_start3A_182] : memref<10000x8xf32, #tpu.memory_space<vmem_shared>> -> memref<10000x8xf32, #tpu.memory_space<vmem_shared>>
    tpu.enqueue_indirect_dma source(%arg7 : memref<250x8xf32, #tpu.memory_space<vmem>>) target(%dma_start3A_183 : memref<10000x8xf32, #tpu.memory_space<vmem_shared>>) offsets(%dma_start3A_180 : memref<250xi32, #tpu.memory_space<vmem>>) semaphore(%arg9 : memref<!tpu.dma_semaphore, #tpu.memory_space<semaphore_mem>>) {add = true}
    %dma_start3A_184 = arith.constant 26 : i32
    %dma_start3A_185 = arith.constant 0 : i32
    %dma_start3A_186 = tpu.memref_slice %arg6[%dma_start3A_184, %dma_start3A_185] : memref<40x250xi32, #tpu.memory_space<vmem>> -> memref<1x250xi32, #tpu.memory_space<vmem>>
    %dma_start3A_187 = tpu.memref_squeeze %dma_start3A_186 : memref<1x250xi32, #tpu.memory_space<vmem>> -> memref<250xi32, #tpu.memory_space<vmem>>
    %dma_start3A_188 = arith.constant 0 : i32
    %dma_start3A_189 = arith.constant 0 : i32
    %dma_start3A_190 = tpu.memref_slice %arg8[%dma_start3A_188, %dma_start3A_189] : memref<10000x8xf32, #tpu.memory_space<vmem_shared>> -> memref<10000x8xf32, #tpu.memory_space<vmem_shared>>
    tpu.enqueue_indirect_dma source(%arg7 : memref<250x8xf32, #tpu.memory_space<vmem>>) target(%dma_start3A_190 : memref<10000x8xf32, #tpu.memory_space<vmem_shared>>) offsets(%dma_start3A_187 : memref<250xi32, #tpu.memory_space<vmem>>) semaphore(%arg9 : memref<!tpu.dma_semaphore, #tpu.memory_space<semaphore_mem>>) {add = true}
    %dma_start3A_191 = arith.constant 27 : i32
    %dma_start3A_192 = arith.constant 0 : i32
    %dma_start3A_193 = tpu.memref_slice %arg6[%dma_start3A_191, %dma_start3A_192] : memref<40x250xi32, #tpu.memory_space<vmem>> -> memref<1x250xi32, #tpu.memory_space<vmem>>
    %dma_start3A_194 = tpu.memref_squeeze %dma_start3A_193 : memref<1x250xi32, #tpu.memory_space<vmem>> -> memref<250xi32, #tpu.memory_space<vmem>>
    %dma_start3A_195 = arith.constant 0 : i32
    %dma_start3A_196 = arith.constant 0 : i32
    %dma_start3A_197 = tpu.memref_slice %arg8[%dma_start3A_195, %dma_start3A_196] : memref<10000x8xf32, #tpu.memory_space<vmem_shared>> -> memref<10000x8xf32, #tpu.memory_space<vmem_shared>>
    tpu.enqueue_indirect_dma source(%arg7 : memref<250x8xf32, #tpu.memory_space<vmem>>) target(%dma_start3A_197 : memref<10000x8xf32, #tpu.memory_space<vmem_shared>>) offsets(%dma_start3A_194 : memref<250xi32, #tpu.memory_space<vmem>>) semaphore(%arg9 : memref<!tpu.dma_semaphore, #tpu.memory_space<semaphore_mem>>) {add = true}
    %dma_start3A_198 = arith.constant 28 : i32
    %dma_start3A_199 = arith.constant 0 : i32
    %dma_start3A_200 = tpu.memref_slice %arg6[%dma_start3A_198, %dma_start3A_199] : memref<40x250xi32, #tpu.memory_space<vmem>> -> memref<1x250xi32, #tpu.memory_space<vmem>>
    %dma_start3A_201 = tpu.memref_squeeze %dma_start3A_200 : memref<1x250xi32, #tpu.memory_space<vmem>> -> memref<250xi32, #tpu.memory_space<vmem>>
    %dma_start3A_202 = arith.constant 0 : i32
    %dma_start3A_203 = arith.constant 0 : i32
    %dma_start3A_204 = tpu.memref_slice %arg8[%dma_start3A_202, %dma_start3A_203] : memref<10000x8xf32, #tpu.memory_space<vmem_shared>> -> memref<10000x8xf32, #tpu.memory_space<vmem_shared>>
    tpu.enqueue_indirect_dma source(%arg7 : memref<250x8xf32, #tpu.memory_space<vmem>>) target(%dma_start3A_204 : memref<10000x8xf32, #tpu.memory_space<vmem_shared>>) offsets(%dma_start3A_201 : memref<250xi32, #tpu.memory_space<vmem>>) semaphore(%arg9 : memref<!tpu.dma_semaphore, #tpu.memory_space<semaphore_mem>>) {add = true}
    %dma_start3A_205 = arith.constant 29 : i32
    %dma_start3A_206 = arith.constant 0 : i32
    %dma_start3A_207 = tpu.memref_slice %arg6[%dma_start3A_205, %dma_start3A_206] : memref<40x250xi32, #tpu.memory_space<vmem>> -> memref<1x250xi32, #tpu.memory_space<vmem>>
    %dma_start3A_208 = tpu.memref_squeeze %dma_start3A_207 : memref<1x250xi32, #tpu.memory_space<vmem>> -> memref<250xi32, #tpu.memory_space<vmem>>
    %dma_start3A_209 = arith.constant 0 : i32
    %dma_start3A_210 = arith.constant 0 : i32
    %dma_start3A_211 = tpu.memref_slice %arg8[%dma_start3A_209, %dma_start3A_210] : memref<10000x8xf32, #tpu.memory_space<vmem_shared>> -> memref<10000x8xf32, #tpu.memory_space<vmem_shared>>
    tpu.enqueue_indirect_dma source(%arg7 : memref<250x8xf32, #tpu.memory_space<vmem>>) target(%dma_start3A_211 : memref<10000x8xf32, #tpu.memory_space<vmem_shared>>) offsets(%dma_start3A_208 : memref<250xi32, #tpu.memory_space<vmem>>) semaphore(%arg9 : memref<!tpu.dma_semaphore, #tpu.memory_space<semaphore_mem>>) {add = true}
    %dma_start3A_212 = arith.constant 30 : i32
    %dma_start3A_213 = arith.constant 0 : i32
    %dma_start3A_214 = tpu.memref_slice %arg6[%dma_start3A_212, %dma_start3A_213] : memref<40x250xi32, #tpu.memory_space<vmem>> -> memref<1x250xi32, #tpu.memory_space<vmem>>
    %dma_start3A_215 = tpu.memref_squeeze %dma_start3A_214 : memref<1x250xi32, #tpu.memory_space<vmem>> -> memref<250xi32, #tpu.memory_space<vmem>>
    %dma_start3A_216 = arith.constant 0 : i32
    %dma_start3A_217 = arith.constant 0 : i32
    %dma_start3A_218 = tpu.memref_slice %arg8[%dma_start3A_216, %dma_start3A_217] : memref<10000x8xf32, #tpu.memory_space<vmem_shared>> -> memref<10000x8xf32, #tpu.memory_space<vmem_shared>>
    tpu.enqueue_indirect_dma source(%arg7 : memref<250x8xf32, #tpu.memory_space<vmem>>) target(%dma_start3A_218 : memref<10000x8xf32, #tpu.memory_space<vmem_shared>>) offsets(%dma_start3A_215 : memref<250xi32, #tpu.memory_space<vmem>>) semaphore(%arg9 : memref<!tpu.dma_semaphore, #tpu.memory_space<semaphore_mem>>) {add = true}
    %dma_start3A_219 = arith.constant 31 : i32
    %dma_start3A_220 = arith.constant 0 : i32
    %dma_start3A_221 = tpu.memref_slice %arg6[%dma_start3A_219, %dma_start3A_220] : memref<40x250xi32, #tpu.memory_space<vmem>> -> memref<1x250xi32, #tpu.memory_space<vmem>>
    %dma_start3A_222 = tpu.memref_squeeze %dma_start3A_221 : memref<1x250xi32, #tpu.memory_space<vmem>> -> memref<250xi32, #tpu.memory_space<vmem>>
    %dma_start3A_223 = arith.constant 0 : i32
    %dma_start3A_224 = arith.constant 0 : i32
    %dma_start3A_225 = tpu.memref_slice %arg8[%dma_start3A_223, %dma_start3A_224] : memref<10000x8xf32, #tpu.memory_space<vmem_shared>> -> memref<10000x8xf32, #tpu.memory_space<vmem_shared>>
    tpu.enqueue_indirect_dma source(%arg7 : memref<250x8xf32, #tpu.memory_space<vmem>>) target(%dma_start3A_225 : memref<10000x8xf32, #tpu.memory_space<vmem_shared>>) offsets(%dma_start3A_222 : memref<250xi32, #tpu.memory_space<vmem>>) semaphore(%arg9 : memref<!tpu.dma_semaphore, #tpu.memory_space<semaphore_mem>>) {add = true}
    %dma_start3A_226 = arith.constant 32 : i32
    %dma_start3A_227 = arith.constant 0 : i32
    %dma_start3A_228 = tpu.memref_slice %arg6[%dma_start3A_226, %dma_start3A_227] : memref<40x250xi32, #tpu.memory_space<vmem>> -> memref<1x250xi32, #tpu.memory_space<vmem>>
    %dma_start3A_229 = tpu.memref_squeeze %dma_start3A_228 : memref<1x250xi32, #tpu.memory_space<vmem>> -> memref<250xi32, #tpu.memory_space<vmem>>
    %dma_start3A_230 = arith.constant 0 : i32
    %dma_start3A_231 = arith.constant 0 : i32
    %dma_start3A_232 = tpu.memref_slice %arg8[%dma_start3A_230, %dma_start3A_231] : memref<10000x8xf32, #tpu.memory_space<vmem_shared>> -> memref<10000x8xf32, #tpu.memory_space<vmem_shared>>
    tpu.enqueue_indirect_dma source(%arg7 : memref<250x8xf32, #tpu.memory_space<vmem>>) target(%dma_start3A_232 : memref<10000x8xf32, #tpu.memory_space<vmem_shared>>) offsets(%dma_start3A_229 : memref<250xi32, #tpu.memory_space<vmem>>) semaphore(%arg9 : memref<!tpu.dma_semaphore, #tpu.memory_space<semaphore_mem>>) {add = true}
    %dma_start3A_233 = arith.constant 33 : i32
    %dma_start3A_234 = arith.constant 0 : i32
    %dma_start3A_235 = tpu.memref_slice %arg6[%dma_start3A_233, %dma_start3A_234] : memref<40x250xi32, #tpu.memory_space<vmem>> -> memref<1x250xi32, #tpu.memory_space<vmem>>
    %dma_start3A_236 = tpu.memref_squeeze %dma_start3A_235 : memref<1x250xi32, #tpu.memory_space<vmem>> -> memref<250xi32, #tpu.memory_space<vmem>>
    %dma_start3A_237 = arith.constant 0 : i32
    %dma_start3A_238 = arith.constant 0 : i32
    %dma_start3A_239 = tpu.memref_slice %arg8[%dma_start3A_237, %dma_start3A_238] : memref<10000x8xf32, #tpu.memory_space<vmem_shared>> -> memref<10000x8xf32, #tpu.memory_space<vmem_shared>>
    tpu.enqueue_indirect_dma source(%arg7 : memref<250x8xf32, #tpu.memory_space<vmem>>) target(%dma_start3A_239 : memref<10000x8xf32, #tpu.memory_space<vmem_shared>>) offsets(%dma_start3A_236 : memref<250xi32, #tpu.memory_space<vmem>>) semaphore(%arg9 : memref<!tpu.dma_semaphore, #tpu.memory_space<semaphore_mem>>) {add = true}
    %dma_start3A_240 = arith.constant 34 : i32
    %dma_start3A_241 = arith.constant 0 : i32
    %dma_start3A_242 = tpu.memref_slice %arg6[%dma_start3A_240, %dma_start3A_241] : memref<40x250xi32, #tpu.memory_space<vmem>> -> memref<1x250xi32, #tpu.memory_space<vmem>>
    %dma_start3A_243 = tpu.memref_squeeze %dma_start3A_242 : memref<1x250xi32, #tpu.memory_space<vmem>> -> memref<250xi32, #tpu.memory_space<vmem>>
    %dma_start3A_244 = arith.constant 0 : i32
    %dma_start3A_245 = arith.constant 0 : i32
    %dma_start3A_246 = tpu.memref_slice %arg8[%dma_start3A_244, %dma_start3A_245] : memref<10000x8xf32, #tpu.memory_space<vmem_shared>> -> memref<10000x8xf32, #tpu.memory_space<vmem_shared>>
    tpu.enqueue_indirect_dma source(%arg7 : memref<250x8xf32, #tpu.memory_space<vmem>>) target(%dma_start3A_246 : memref<10000x8xf32, #tpu.memory_space<vmem_shared>>) offsets(%dma_start3A_243 : memref<250xi32, #tpu.memory_space<vmem>>) semaphore(%arg9 : memref<!tpu.dma_semaphore, #tpu.memory_space<semaphore_mem>>) {add = true}
    %dma_start3A_247 = arith.constant 35 : i32
    %dma_start3A_248 = arith.constant 0 : i32
    %dma_start3A_249 = tpu.memref_slice %arg6[%dma_start3A_247, %dma_start3A_248] : memref<40x250xi32, #tpu.memory_space<vmem>> -> memref<1x250xi32, #tpu.memory_space<vmem>>
    %dma_start3A_250 = tpu.memref_squeeze %dma_start3A_249 : memref<1x250xi32, #tpu.memory_space<vmem>> -> memref<250xi32, #tpu.memory_space<vmem>>
    %dma_start3A_251 = arith.constant 0 : i32
    %dma_start3A_252 = arith.constant 0 : i32
    %dma_start3A_253 = tpu.memref_slice %arg8[%dma_start3A_251, %dma_start3A_252] : memref<10000x8xf32, #tpu.memory_space<vmem_shared>> -> memref<10000x8xf32, #tpu.memory_space<vmem_shared>>
    tpu.enqueue_indirect_dma source(%arg7 : memref<250x8xf32, #tpu.memory_space<vmem>>) target(%dma_start3A_253 : memref<10000x8xf32, #tpu.memory_space<vmem_shared>>) offsets(%dma_start3A_250 : memref<250xi32, #tpu.memory_space<vmem>>) semaphore(%arg9 : memref<!tpu.dma_semaphore, #tpu.memory_space<semaphore_mem>>) {add = true}
    %dma_start3A_254 = arith.constant 36 : i32
    %dma_start3A_255 = arith.constant 0 : i32
    %dma_start3A_256 = tpu.memref_slice %arg6[%dma_start3A_254, %dma_start3A_255] : memref<40x250xi32, #tpu.memory_space<vmem>> -> memref<1x250xi32, #tpu.memory_space<vmem>>
    %dma_start3A_257 = tpu.memref_squeeze %dma_start3A_256 : memref<1x250xi32, #tpu.memory_space<vmem>> -> memref<250xi32, #tpu.memory_space<vmem>>
    %dma_start3A_258 = arith.constant 0 : i32
    %dma_start3A_259 = arith.constant 0 : i32
    %dma_start3A_260 = tpu.memref_slice %arg8[%dma_start3A_258, %dma_start3A_259] : memref<10000x8xf32, #tpu.memory_space<vmem_shared>> -> memref<10000x8xf32, #tpu.memory_space<vmem_shared>>
    tpu.enqueue_indirect_dma source(%arg7 : memref<250x8xf32, #tpu.memory_space<vmem>>) target(%dma_start3A_260 : memref<10000x8xf32, #tpu.memory_space<vmem_shared>>) offsets(%dma_start3A_257 : memref<250xi32, #tpu.memory_space<vmem>>) semaphore(%arg9 : memref<!tpu.dma_semaphore, #tpu.memory_space<semaphore_mem>>) {add = true}
    %dma_start3A_261 = arith.constant 37 : i32
    %dma_start3A_262 = arith.constant 0 : i32
    %dma_start3A_263 = tpu.memref_slice %arg6[%dma_start3A_261, %dma_start3A_262] : memref<40x250xi32, #tpu.memory_space<vmem>> -> memref<1x250xi32, #tpu.memory_space<vmem>>
    %dma_start3A_264 = tpu.memref_squeeze %dma_start3A_263 : memref<1x250xi32, #tpu.memory_space<vmem>> -> memref<250xi32, #tpu.memory_space<vmem>>
    %dma_start3A_265 = arith.constant 0 : i32
    %dma_start3A_266 = arith.constant 0 : i32
    %dma_start3A_267 = tpu.memref_slice %arg8[%dma_start3A_265, %dma_start3A_266] : memref<10000x8xf32, #tpu.memory_space<vmem_shared>> -> memref<10000x8xf32, #tpu.memory_space<vmem_shared>>
    tpu.enqueue_indirect_dma source(%arg7 : memref<250x8xf32, #tpu.memory_space<vmem>>) target(%dma_start3A_267 : memref<10000x8xf32, #tpu.memory_space<vmem_shared>>) offsets(%dma_start3A_264 : memref<250xi32, #tpu.memory_space<vmem>>) semaphore(%arg9 : memref<!tpu.dma_semaphore, #tpu.memory_space<semaphore_mem>>) {add = true}
    %dma_start3A_268 = arith.constant 38 : i32
    %dma_start3A_269 = arith.constant 0 : i32
    %dma_start3A_270 = tpu.memref_slice %arg6[%dma_start3A_268, %dma_start3A_269] : memref<40x250xi32, #tpu.memory_space<vmem>> -> memref<1x250xi32, #tpu.memory_space<vmem>>
    %dma_start3A_271 = tpu.memref_squeeze %dma_start3A_270 : memref<1x250xi32, #tpu.memory_space<vmem>> -> memref<250xi32, #tpu.memory_space<vmem>>
    %dma_start3A_272 = arith.constant 0 : i32
    %dma_start3A_273 = arith.constant 0 : i32
    %dma_start3A_274 = tpu.memref_slice %arg8[%dma_start3A_272, %dma_start3A_273] : memref<10000x8xf32, #tpu.memory_space<vmem_shared>> -> memref<10000x8xf32, #tpu.memory_space<vmem_shared>>
    tpu.enqueue_indirect_dma source(%arg7 : memref<250x8xf32, #tpu.memory_space<vmem>>) target(%dma_start3A_274 : memref<10000x8xf32, #tpu.memory_space<vmem_shared>>) offsets(%dma_start3A_271 : memref<250xi32, #tpu.memory_space<vmem>>) semaphore(%arg9 : memref<!tpu.dma_semaphore, #tpu.memory_space<semaphore_mem>>) {add = true}
    %dma_start3A_275 = arith.constant 39 : i32
    %dma_start3A_276 = arith.constant 0 : i32
    %dma_start3A_277 = tpu.memref_slice %arg6[%dma_start3A_275, %dma_start3A_276] : memref<40x250xi32, #tpu.memory_space<vmem>> -> memref<1x250xi32, #tpu.memory_space<vmem>>
    %dma_start3A_278 = tpu.memref_squeeze %dma_start3A_277 : memref<1x250xi32, #tpu.memory_space<vmem>> -> memref<250xi32, #tpu.memory_space<vmem>>
    %dma_start3A_279 = arith.constant 0 : i32
    %dma_start3A_280 = arith.constant 0 : i32
    %dma_start3A_281 = tpu.memref_slice %arg8[%dma_start3A_279, %dma_start3A_280] : memref<10000x8xf32, #tpu.memory_space<vmem_shared>> -> memref<10000x8xf32, #tpu.memory_space<vmem_shared>>
    tpu.enqueue_indirect_dma source(%arg7 : memref<250x8xf32, #tpu.memory_space<vmem>>) target(%dma_start3A_281 : memref<10000x8xf32, #tpu.memory_space<vmem_shared>>) offsets(%dma_start3A_278 : memref<250xi32, #tpu.memory_space<vmem>>) semaphore(%arg9 : memref<!tpu.dma_semaphore, #tpu.memory_space<semaphore_mem>>) {add = true}
    %dma_wait3A = arith.constant 0 : i32
    %dma_wait3A_282 = arith.constant 0 : i32
    %dma_wait3A_283 = tpu.memref_slice %arg6[%dma_wait3A, %dma_wait3A_282] : memref<40x250xi32, #tpu.memory_space<vmem>> -> memref<1x250xi32, #tpu.memory_space<vmem>>
    %dma_wait3A_284 = tpu.memref_squeeze %dma_wait3A_283 : memref<1x250xi32, #tpu.memory_space<vmem>> -> memref<250xi32, #tpu.memory_space<vmem>>
    %dma_wait3A_285 = arith.constant 0 : i32
    %dma_wait3A_286 = arith.constant 0 : i32
    %dma_wait3A_287 = tpu.memref_slice %arg8[%dma_wait3A_285, %dma_wait3A_286] : memref<10000x8xf32, #tpu.memory_space<vmem_shared>> -> memref<10000x8xf32, #tpu.memory_space<vmem_shared>>
    tpu.wait_indirect_dma semaphore(%arg9 : memref<!tpu.dma_semaphore, #tpu.memory_space<semaphore_mem>>) src(%arg7 : memref<250x8xf32, #tpu.memory_space<vmem>>) dst(%dma_wait3A_287 : memref<10000x8xf32, #tpu.memory_space<vmem_shared>>)
    %dma_wait3A_288 = arith.constant 1 : i32
    %dma_wait3A_289 = arith.constant 0 : i32
    %dma_wait3A_290 = tpu.memref_slice %arg6[%dma_wait3A_288, %dma_wait3A_289] : memref<40x250xi32, #tpu.memory_space<vmem>> -> memref<1x250xi32, #tpu.memory_space<vmem>>
    %dma_wait3A_291 = tpu.memref_squeeze %dma_wait3A_290 : memref<1x250xi32, #tpu.memory_space<vmem>> -> memref<250xi32, #tpu.memory_space<vmem>>
    %dma_wait3A_292 = arith.constant 0 : i32
    %dma_wait3A_293 = arith.constant 0 : i32
    %dma_wait3A_294 = tpu.memref_slice %arg8[%dma_wait3A_292, %dma_wait3A_293] : memref<10000x8xf32, #tpu.memory_space<vmem_shared>> -> memref<10000x8xf32, #tpu.memory_space<vmem_shared>>
    tpu.wait_indirect_dma semaphore(%arg9 : memref<!tpu.dma_semaphore, #tpu.memory_space<semaphore_mem>>) src(%arg7 : memref<250x8xf32, #tpu.memory_space<vmem>>) dst(%dma_wait3A_294 : memref<10000x8xf32, #tpu.memory_space<vmem_shared>>)
    %dma_wait3A_295 = arith.constant 2 : i32
    %dma_wait3A_296 = arith.constant 0 : i32
    %dma_wait3A_297 = tpu.memref_slice %arg6[%dma_wait3A_295, %dma_wait3A_296] : memref<40x250xi32, #tpu.memory_space<vmem>> -> memref<1x250xi32, #tpu.memory_space<vmem>>
    %dma_wait3A_298 = tpu.memref_squeeze %dma_wait3A_297 : memref<1x250xi32, #tpu.memory_space<vmem>> -> memref<250xi32, #tpu.memory_space<vmem>>
    %dma_wait3A_299 = arith.constant 0 : i32
    %dma_wait3A_300 = arith.constant 0 : i32
    %dma_wait3A_301 = tpu.memref_slice %arg8[%dma_wait3A_299, %dma_wait3A_300] : memref<10000x8xf32, #tpu.memory_space<vmem_shared>> -> memref<10000x8xf32, #tpu.memory_space<vmem_shared>>
    tpu.wait_indirect_dma semaphore(%arg9 : memref<!tpu.dma_semaphore, #tpu.memory_space<semaphore_mem>>) src(%arg7 : memref<250x8xf32, #tpu.memory_space<vmem>>) dst(%dma_wait3A_301 : memref<10000x8xf32, #tpu.memory_space<vmem_shared>>)
    %dma_wait3A_302 = arith.constant 3 : i32
    %dma_wait3A_303 = arith.constant 0 : i32
    %dma_wait3A_304 = tpu.memref_slice %arg6[%dma_wait3A_302, %dma_wait3A_303] : memref<40x250xi32, #tpu.memory_space<vmem>> -> memref<1x250xi32, #tpu.memory_space<vmem>>
    %dma_wait3A_305 = tpu.memref_squeeze %dma_wait3A_304 : memref<1x250xi32, #tpu.memory_space<vmem>> -> memref<250xi32, #tpu.memory_space<vmem>>
    %dma_wait3A_306 = arith.constant 0 : i32
    %dma_wait3A_307 = arith.constant 0 : i32
    %dma_wait3A_308 = tpu.memref_slice %arg8[%dma_wait3A_306, %dma_wait3A_307] : memref<10000x8xf32, #tpu.memory_space<vmem_shared>> -> memref<10000x8xf32, #tpu.memory_space<vmem_shared>>
    tpu.wait_indirect_dma semaphore(%arg9 : memref<!tpu.dma_semaphore, #tpu.memory_space<semaphore_mem>>) src(%arg7 : memref<250x8xf32, #tpu.memory_space<vmem>>) dst(%dma_wait3A_308 : memref<10000x8xf32, #tpu.memory_space<vmem_shared>>)
    %dma_wait3A_309 = arith.constant 4 : i32
    %dma_wait3A_310 = arith.constant 0 : i32
    %dma_wait3A_311 = tpu.memref_slice %arg6[%dma_wait3A_309, %dma_wait3A_310] : memref<40x250xi32, #tpu.memory_space<vmem>> -> memref<1x250xi32, #tpu.memory_space<vmem>>
    %dma_wait3A_312 = tpu.memref_squeeze %dma_wait3A_311 : memref<1x250xi32, #tpu.memory_space<vmem>> -> memref<250xi32, #tpu.memory_space<vmem>>
    %dma_wait3A_313 = arith.constant 0 : i32
    %dma_wait3A_314 = arith.constant 0 : i32
    %dma_wait3A_315 = tpu.memref_slice %arg8[%dma_wait3A_313, %dma_wait3A_314] : memref<10000x8xf32, #tpu.memory_space<vmem_shared>> -> memref<10000x8xf32, #tpu.memory_space<vmem_shared>>
    tpu.wait_indirect_dma semaphore(%arg9 : memref<!tpu.dma_semaphore, #tpu.memory_space<semaphore_mem>>) src(%arg7 : memref<250x8xf32, #tpu.memory_space<vmem>>) dst(%dma_wait3A_315 : memref<10000x8xf32, #tpu.memory_space<vmem_shared>>)
    %dma_wait3A_316 = arith.constant 5 : i32
    %dma_wait3A_317 = arith.constant 0 : i32
    %dma_wait3A_318 = tpu.memref_slice %arg6[%dma_wait3A_316, %dma_wait3A_317] : memref<40x250xi32, #tpu.memory_space<vmem>> -> memref<1x250xi32, #tpu.memory_space<vmem>>
    %dma_wait3A_319 = tpu.memref_squeeze %dma_wait3A_318 : memref<1x250xi32, #tpu.memory_space<vmem>> -> memref<250xi32, #tpu.memory_space<vmem>>
    %dma_wait3A_320 = arith.constant 0 : i32
    %dma_wait3A_321 = arith.constant 0 : i32
    %dma_wait3A_322 = tpu.memref_slice %arg8[%dma_wait3A_320, %dma_wait3A_321] : memref<10000x8xf32, #tpu.memory_space<vmem_shared>> -> memref<10000x8xf32, #tpu.memory_space<vmem_shared>>
    tpu.wait_indirect_dma semaphore(%arg9 : memref<!tpu.dma_semaphore, #tpu.memory_space<semaphore_mem>>) src(%arg7 : memref<250x8xf32, #tpu.memory_space<vmem>>) dst(%dma_wait3A_322 : memref<10000x8xf32, #tpu.memory_space<vmem_shared>>)
    %dma_wait3A_323 = arith.constant 6 : i32
    %dma_wait3A_324 = arith.constant 0 : i32
    %dma_wait3A_325 = tpu.memref_slice %arg6[%dma_wait3A_323, %dma_wait3A_324] : memref<40x250xi32, #tpu.memory_space<vmem>> -> memref<1x250xi32, #tpu.memory_space<vmem>>
    %dma_wait3A_326 = tpu.memref_squeeze %dma_wait3A_325 : memref<1x250xi32, #tpu.memory_space<vmem>> -> memref<250xi32, #tpu.memory_space<vmem>>
    %dma_wait3A_327 = arith.constant 0 : i32
    %dma_wait3A_328 = arith.constant 0 : i32
    %dma_wait3A_329 = tpu.memref_slice %arg8[%dma_wait3A_327, %dma_wait3A_328] : memref<10000x8xf32, #tpu.memory_space<vmem_shared>> -> memref<10000x8xf32, #tpu.memory_space<vmem_shared>>
    tpu.wait_indirect_dma semaphore(%arg9 : memref<!tpu.dma_semaphore, #tpu.memory_space<semaphore_mem>>) src(%arg7 : memref<250x8xf32, #tpu.memory_space<vmem>>) dst(%dma_wait3A_329 : memref<10000x8xf32, #tpu.memory_space<vmem_shared>>)
    %dma_wait3A_330 = arith.constant 7 : i32
    %dma_wait3A_331 = arith.constant 0 : i32
    %dma_wait3A_332 = tpu.memref_slice %arg6[%dma_wait3A_330, %dma_wait3A_331] : memref<40x250xi32, #tpu.memory_space<vmem>> -> memref<1x250xi32, #tpu.memory_space<vmem>>
    %dma_wait3A_333 = tpu.memref_squeeze %dma_wait3A_332 : memref<1x250xi32, #tpu.memory_space<vmem>> -> memref<250xi32, #tpu.memory_space<vmem>>
    %dma_wait3A_334 = arith.constant 0 : i32
    %dma_wait3A_335 = arith.constant 0 : i32
    %dma_wait3A_336 = tpu.memref_slice %arg8[%dma_wait3A_334, %dma_wait3A_335] : memref<10000x8xf32, #tpu.memory_space<vmem_shared>> -> memref<10000x8xf32, #tpu.memory_space<vmem_shared>>
    tpu.wait_indirect_dma semaphore(%arg9 : memref<!tpu.dma_semaphore, #tpu.memory_space<semaphore_mem>>) src(%arg7 : memref<250x8xf32, #tpu.memory_space<vmem>>) dst(%dma_wait3A_336 : memref<10000x8xf32, #tpu.memory_space<vmem_shared>>)
    %dma_wait3A_337 = arith.constant 8 : i32
    %dma_wait3A_338 = arith.constant 0 : i32
    %dma_wait3A_339 = tpu.memref_slice %arg6[%dma_wait3A_337, %dma_wait3A_338] : memref<40x250xi32, #tpu.memory_space<vmem>> -> memref<1x250xi32, #tpu.memory_space<vmem>>
    %dma_wait3A_340 = tpu.memref_squeeze %dma_wait3A_339 : memref<1x250xi32, #tpu.memory_space<vmem>> -> memref<250xi32, #tpu.memory_space<vmem>>
    %dma_wait3A_341 = arith.constant 0 : i32
    %dma_wait3A_342 = arith.constant 0 : i32
    %dma_wait3A_343 = tpu.memref_slice %arg8[%dma_wait3A_341, %dma_wait3A_342] : memref<10000x8xf32, #tpu.memory_space<vmem_shared>> -> memref<10000x8xf32, #tpu.memory_space<vmem_shared>>
    tpu.wait_indirect_dma semaphore(%arg9 : memref<!tpu.dma_semaphore, #tpu.memory_space<semaphore_mem>>) src(%arg7 : memref<250x8xf32, #tpu.memory_space<vmem>>) dst(%dma_wait3A_343 : memref<10000x8xf32, #tpu.memory_space<vmem_shared>>)
    %dma_wait3A_344 = arith.constant 9 : i32
    %dma_wait3A_345 = arith.constant 0 : i32
    %dma_wait3A_346 = tpu.memref_slice %arg6[%dma_wait3A_344, %dma_wait3A_345] : memref<40x250xi32, #tpu.memory_space<vmem>> -> memref<1x250xi32, #tpu.memory_space<vmem>>
    %dma_wait3A_347 = tpu.memref_squeeze %dma_wait3A_346 : memref<1x250xi32, #tpu.memory_space<vmem>> -> memref<250xi32, #tpu.memory_space<vmem>>
    %dma_wait3A_348 = arith.constant 0 : i32
    %dma_wait3A_349 = arith.constant 0 : i32
    %dma_wait3A_350 = tpu.memref_slice %arg8[%dma_wait3A_348, %dma_wait3A_349] : memref<10000x8xf32, #tpu.memory_space<vmem_shared>> -> memref<10000x8xf32, #tpu.memory_space<vmem_shared>>
    tpu.wait_indirect_dma semaphore(%arg9 : memref<!tpu.dma_semaphore, #tpu.memory_space<semaphore_mem>>) src(%arg7 : memref<250x8xf32, #tpu.memory_space<vmem>>) dst(%dma_wait3A_350 : memref<10000x8xf32, #tpu.memory_space<vmem_shared>>)
    %dma_wait3A_351 = arith.constant 10 : i32
    %dma_wait3A_352 = arith.constant 0 : i32
    %dma_wait3A_353 = tpu.memref_slice %arg6[%dma_wait3A_351, %dma_wait3A_352] : memref<40x250xi32, #tpu.memory_space<vmem>> -> memref<1x250xi32, #tpu.memory_space<vmem>>
    %dma_wait3A_354 = tpu.memref_squeeze %dma_wait3A_353 : memref<1x250xi32, #tpu.memory_space<vmem>> -> memref<250xi32, #tpu.memory_space<vmem>>
    %dma_wait3A_355 = arith.constant 0 : i32
    %dma_wait3A_356 = arith.constant 0 : i32
    %dma_wait3A_357 = tpu.memref_slice %arg8[%dma_wait3A_355, %dma_wait3A_356] : memref<10000x8xf32, #tpu.memory_space<vmem_shared>> -> memref<10000x8xf32, #tpu.memory_space<vmem_shared>>
    tpu.wait_indirect_dma semaphore(%arg9 : memref<!tpu.dma_semaphore, #tpu.memory_space<semaphore_mem>>) src(%arg7 : memref<250x8xf32, #tpu.memory_space<vmem>>) dst(%dma_wait3A_357 : memref<10000x8xf32, #tpu.memory_space<vmem_shared>>)
    %dma_wait3A_358 = arith.constant 11 : i32
    %dma_wait3A_359 = arith.constant 0 : i32
    %dma_wait3A_360 = tpu.memref_slice %arg6[%dma_wait3A_358, %dma_wait3A_359] : memref<40x250xi32, #tpu.memory_space<vmem>> -> memref<1x250xi32, #tpu.memory_space<vmem>>
    %dma_wait3A_361 = tpu.memref_squeeze %dma_wait3A_360 : memref<1x250xi32, #tpu.memory_space<vmem>> -> memref<250xi32, #tpu.memory_space<vmem>>
    %dma_wait3A_362 = arith.constant 0 : i32
    %dma_wait3A_363 = arith.constant 0 : i32
    %dma_wait3A_364 = tpu.memref_slice %arg8[%dma_wait3A_362, %dma_wait3A_363] : memref<10000x8xf32, #tpu.memory_space<vmem_shared>> -> memref<10000x8xf32, #tpu.memory_space<vmem_shared>>
    tpu.wait_indirect_dma semaphore(%arg9 : memref<!tpu.dma_semaphore, #tpu.memory_space<semaphore_mem>>) src(%arg7 : memref<250x8xf32, #tpu.memory_space<vmem>>) dst(%dma_wait3A_364 : memref<10000x8xf32, #tpu.memory_space<vmem_shared>>)
    %dma_wait3A_365 = arith.constant 12 : i32
    %dma_wait3A_366 = arith.constant 0 : i32
    %dma_wait3A_367 = tpu.memref_slice %arg6[%dma_wait3A_365, %dma_wait3A_366] : memref<40x250xi32, #tpu.memory_space<vmem>> -> memref<1x250xi32, #tpu.memory_space<vmem>>
    %dma_wait3A_368 = tpu.memref_squeeze %dma_wait3A_367 : memref<1x250xi32, #tpu.memory_space<vmem>> -> memref<250xi32, #tpu.memory_space<vmem>>
    %dma_wait3A_369 = arith.constant 0 : i32
    %dma_wait3A_370 = arith.constant 0 : i32
    %dma_wait3A_371 = tpu.memref_slice %arg8[%dma_wait3A_369, %dma_wait3A_370] : memref<10000x8xf32, #tpu.memory_space<vmem_shared>> -> memref<10000x8xf32, #tpu.memory_space<vmem_shared>>
    tpu.wait_indirect_dma semaphore(%arg9 : memref<!tpu.dma_semaphore, #tpu.memory_space<semaphore_mem>>) src(%arg7 : memref<250x8xf32, #tpu.memory_space<vmem>>) dst(%dma_wait3A_371 : memref<10000x8xf32, #tpu.memory_space<vmem_shared>>)
    %dma_wait3A_372 = arith.constant 13 : i32
    %dma_wait3A_373 = arith.constant 0 : i32
    %dma_wait3A_374 = tpu.memref_slice %arg6[%dma_wait3A_372, %dma_wait3A_373] : memref<40x250xi32, #tpu.memory_space<vmem>> -> memref<1x250xi32, #tpu.memory_space<vmem>>
    %dma_wait3A_375 = tpu.memref_squeeze %dma_wait3A_374 : memref<1x250xi32, #tpu.memory_space<vmem>> -> memref<250xi32, #tpu.memory_space<vmem>>
    %dma_wait3A_376 = arith.constant 0 : i32
    %dma_wait3A_377 = arith.constant 0 : i32
    %dma_wait3A_378 = tpu.memref_slice %arg8[%dma_wait3A_376, %dma_wait3A_377] : memref<10000x8xf32, #tpu.memory_space<vmem_shared>> -> memref<10000x8xf32, #tpu.memory_space<vmem_shared>>
    tpu.wait_indirect_dma semaphore(%arg9 : memref<!tpu.dma_semaphore, #tpu.memory_space<semaphore_mem>>) src(%arg7 : memref<250x8xf32, #tpu.memory_space<vmem>>) dst(%dma_wait3A_378 : memref<10000x8xf32, #tpu.memory_space<vmem_shared>>)
    %dma_wait3A_379 = arith.constant 14 : i32
    %dma_wait3A_380 = arith.constant 0 : i32
    %dma_wait3A_381 = tpu.memref_slice %arg6[%dma_wait3A_379, %dma_wait3A_380] : memref<40x250xi32, #tpu.memory_space<vmem>> -> memref<1x250xi32, #tpu.memory_space<vmem>>
    %dma_wait3A_382 = tpu.memref_squeeze %dma_wait3A_381 : memref<1x250xi32, #tpu.memory_space<vmem>> -> memref<250xi32, #tpu.memory_space<vmem>>
    %dma_wait3A_383 = arith.constant 0 : i32
    %dma_wait3A_384 = arith.constant 0 : i32
    %dma_wait3A_385 = tpu.memref_slice %arg8[%dma_wait3A_383, %dma_wait3A_384] : memref<10000x8xf32, #tpu.memory_space<vmem_shared>> -> memref<10000x8xf32, #tpu.memory_space<vmem_shared>>
    tpu.wait_indirect_dma semaphore(%arg9 : memref<!tpu.dma_semaphore, #tpu.memory_space<semaphore_mem>>) src(%arg7 : memref<250x8xf32, #tpu.memory_space<vmem>>) dst(%dma_wait3A_385 : memref<10000x8xf32, #tpu.memory_space<vmem_shared>>)
    %dma_wait3A_386 = arith.constant 15 : i32
    %dma_wait3A_387 = arith.constant 0 : i32
    %dma_wait3A_388 = tpu.memref_slice %arg6[%dma_wait3A_386, %dma_wait3A_387] : memref<40x250xi32, #tpu.memory_space<vmem>> -> memref<1x250xi32, #tpu.memory_space<vmem>>
    %dma_wait3A_389 = tpu.memref_squeeze %dma_wait3A_388 : memref<1x250xi32, #tpu.memory_space<vmem>> -> memref<250xi32, #tpu.memory_space<vmem>>
    %dma_wait3A_390 = arith.constant 0 : i32
    %dma_wait3A_391 = arith.constant 0 : i32
    %dma_wait3A_392 = tpu.memref_slice %arg8[%dma_wait3A_390, %dma_wait3A_391] : memref<10000x8xf32, #tpu.memory_space<vmem_shared>> -> memref<10000x8xf32, #tpu.memory_space<vmem_shared>>
    tpu.wait_indirect_dma semaphore(%arg9 : memref<!tpu.dma_semaphore, #tpu.memory_space<semaphore_mem>>) src(%arg7 : memref<250x8xf32, #tpu.memory_space<vmem>>) dst(%dma_wait3A_392 : memref<10000x8xf32, #tpu.memory_space<vmem_shared>>)
    %dma_wait3A_393 = arith.constant 16 : i32
    %dma_wait3A_394 = arith.constant 0 : i32
    %dma_wait3A_395 = tpu.memref_slice %arg6[%dma_wait3A_393, %dma_wait3A_394] : memref<40x250xi32, #tpu.memory_space<vmem>> -> memref<1x250xi32, #tpu.memory_space<vmem>>
    %dma_wait3A_396 = tpu.memref_squeeze %dma_wait3A_395 : memref<1x250xi32, #tpu.memory_space<vmem>> -> memref<250xi32, #tpu.memory_space<vmem>>
    %dma_wait3A_397 = arith.constant 0 : i32
    %dma_wait3A_398 = arith.constant 0 : i32
    %dma_wait3A_399 = tpu.memref_slice %arg8[%dma_wait3A_397, %dma_wait3A_398] : memref<10000x8xf32, #tpu.memory_space<vmem_shared>> -> memref<10000x8xf32, #tpu.memory_space<vmem_shared>>
    tpu.wait_indirect_dma semaphore(%arg9 : memref<!tpu.dma_semaphore, #tpu.memory_space<semaphore_mem>>) src(%arg7 : memref<250x8xf32, #tpu.memory_space<vmem>>) dst(%dma_wait3A_399 : memref<10000x8xf32, #tpu.memory_space<vmem_shared>>)
    %dma_wait3A_400 = arith.constant 17 : i32
    %dma_wait3A_401 = arith.constant 0 : i32
    %dma_wait3A_402 = tpu.memref_slice %arg6[%dma_wait3A_400, %dma_wait3A_401] : memref<40x250xi32, #tpu.memory_space<vmem>> -> memref<1x250xi32, #tpu.memory_space<vmem>>
    %dma_wait3A_403 = tpu.memref_squeeze %dma_wait3A_402 : memref<1x250xi32, #tpu.memory_space<vmem>> -> memref<250xi32, #tpu.memory_space<vmem>>
    %dma_wait3A_404 = arith.constant 0 : i32
    %dma_wait3A_405 = arith.constant 0 : i32
    %dma_wait3A_406 = tpu.memref_slice %arg8[%dma_wait3A_404, %dma_wait3A_405] : memref<10000x8xf32, #tpu.memory_space<vmem_shared>> -> memref<10000x8xf32, #tpu.memory_space<vmem_shared>>
    tpu.wait_indirect_dma semaphore(%arg9 : memref<!tpu.dma_semaphore, #tpu.memory_space<semaphore_mem>>) src(%arg7 : memref<250x8xf32, #tpu.memory_space<vmem>>) dst(%dma_wait3A_406 : memref<10000x8xf32, #tpu.memory_space<vmem_shared>>)
    %dma_wait3A_407 = arith.constant 18 : i32
    %dma_wait3A_408 = arith.constant 0 : i32
    %dma_wait3A_409 = tpu.memref_slice %arg6[%dma_wait3A_407, %dma_wait3A_408] : memref<40x250xi32, #tpu.memory_space<vmem>> -> memref<1x250xi32, #tpu.memory_space<vmem>>
    %dma_wait3A_410 = tpu.memref_squeeze %dma_wait3A_409 : memref<1x250xi32, #tpu.memory_space<vmem>> -> memref<250xi32, #tpu.memory_space<vmem>>
    %dma_wait3A_411 = arith.constant 0 : i32
    %dma_wait3A_412 = arith.constant 0 : i32
    %dma_wait3A_413 = tpu.memref_slice %arg8[%dma_wait3A_411, %dma_wait3A_412] : memref<10000x8xf32, #tpu.memory_space<vmem_shared>> -> memref<10000x8xf32, #tpu.memory_space<vmem_shared>>
    tpu.wait_indirect_dma semaphore(%arg9 : memref<!tpu.dma_semaphore, #tpu.memory_space<semaphore_mem>>) src(%arg7 : memref<250x8xf32, #tpu.memory_space<vmem>>) dst(%dma_wait3A_413 : memref<10000x8xf32, #tpu.memory_space<vmem_shared>>)
    %dma_wait3A_414 = arith.constant 19 : i32
    %dma_wait3A_415 = arith.constant 0 : i32
    %dma_wait3A_416 = tpu.memref_slice %arg6[%dma_wait3A_414, %dma_wait3A_415] : memref<40x250xi32, #tpu.memory_space<vmem>> -> memref<1x250xi32, #tpu.memory_space<vmem>>
    %dma_wait3A_417 = tpu.memref_squeeze %dma_wait3A_416 : memref<1x250xi32, #tpu.memory_space<vmem>> -> memref<250xi32, #tpu.memory_space<vmem>>
    %dma_wait3A_418 = arith.constant 0 : i32
    %dma_wait3A_419 = arith.constant 0 : i32
    %dma_wait3A_420 = tpu.memref_slice %arg8[%dma_wait3A_418, %dma_wait3A_419] : memref<10000x8xf32, #tpu.memory_space<vmem_shared>> -> memref<10000x8xf32, #tpu.memory_space<vmem_shared>>
    tpu.wait_indirect_dma semaphore(%arg9 : memref<!tpu.dma_semaphore, #tpu.memory_space<semaphore_mem>>) src(%arg7 : memref<250x8xf32, #tpu.memory_space<vmem>>) dst(%dma_wait3A_420 : memref<10000x8xf32, #tpu.memory_space<vmem_shared>>)
    %dma_wait3A_421 = arith.constant 20 : i32
    %dma_wait3A_422 = arith.constant 0 : i32
    %dma_wait3A_423 = tpu.memref_slice %arg6[%dma_wait3A_421, %dma_wait3A_422] : memref<40x250xi32, #tpu.memory_space<vmem>> -> memref<1x250xi32, #tpu.memory_space<vmem>>
    %dma_wait3A_424 = tpu.memref_squeeze %dma_wait3A_423 : memref<1x250xi32, #tpu.memory_space<vmem>> -> memref<250xi32, #tpu.memory_space<vmem>>
    %dma_wait3A_425 = arith.constant 0 : i32
    %dma_wait3A_426 = arith.constant 0 : i32
    %dma_wait3A_427 = tpu.memref_slice %arg8[%dma_wait3A_425, %dma_wait3A_426] : memref<10000x8xf32, #tpu.memory_space<vmem_shared>> -> memref<10000x8xf32, #tpu.memory_space<vmem_shared>>
    tpu.wait_indirect_dma semaphore(%arg9 : memref<!tpu.dma_semaphore, #tpu.memory_space<semaphore_mem>>) src(%arg7 : memref<250x8xf32, #tpu.memory_space<vmem>>) dst(%dma_wait3A_427 : memref<10000x8xf32, #tpu.memory_space<vmem_shared>>)
    %dma_wait3A_428 = arith.constant 21 : i32
    %dma_wait3A_429 = arith.constant 0 : i32
    %dma_wait3A_430 = tpu.memref_slice %arg6[%dma_wait3A_428, %dma_wait3A_429] : memref<40x250xi32, #tpu.memory_space<vmem>> -> memref<1x250xi32, #tpu.memory_space<vmem>>
    %dma_wait3A_431 = tpu.memref_squeeze %dma_wait3A_430 : memref<1x250xi32, #tpu.memory_space<vmem>> -> memref<250xi32, #tpu.memory_space<vmem>>
    %dma_wait3A_432 = arith.constant 0 : i32
    %dma_wait3A_433 = arith.constant 0 : i32
    %dma_wait3A_434 = tpu.memref_slice %arg8[%dma_wait3A_432, %dma_wait3A_433] : memref<10000x8xf32, #tpu.memory_space<vmem_shared>> -> memref<10000x8xf32, #tpu.memory_space<vmem_shared>>
    tpu.wait_indirect_dma semaphore(%arg9 : memref<!tpu.dma_semaphore, #tpu.memory_space<semaphore_mem>>) src(%arg7 : memref<250x8xf32, #tpu.memory_space<vmem>>) dst(%dma_wait3A_434 : memref<10000x8xf32, #tpu.memory_space<vmem_shared>>)
    %dma_wait3A_435 = arith.constant 22 : i32
    %dma_wait3A_436 = arith.constant 0 : i32
    %dma_wait3A_437 = tpu.memref_slice %arg6[%dma_wait3A_435, %dma_wait3A_436] : memref<40x250xi32, #tpu.memory_space<vmem>> -> memref<1x250xi32, #tpu.memory_space<vmem>>
    %dma_wait3A_438 = tpu.memref_squeeze %dma_wait3A_437 : memref<1x250xi32, #tpu.memory_space<vmem>> -> memref<250xi32, #tpu.memory_space<vmem>>
    %dma_wait3A_439 = arith.constant 0 : i32
    %dma_wait3A_440 = arith.constant 0 : i32
    %dma_wait3A_441 = tpu.memref_slice %arg8[%dma_wait3A_439, %dma_wait3A_440] : memref<10000x8xf32, #tpu.memory_space<vmem_shared>> -> memref<10000x8xf32, #tpu.memory_space<vmem_shared>>
    tpu.wait_indirect_dma semaphore(%arg9 : memref<!tpu.dma_semaphore, #tpu.memory_space<semaphore_mem>>) src(%arg7 : memref<250x8xf32, #tpu.memory_space<vmem>>) dst(%dma_wait3A_441 : memref<10000x8xf32, #tpu.memory_space<vmem_shared>>)
    %dma_wait3A_442 = arith.constant 23 : i32
    %dma_wait3A_443 = arith.constant 0 : i32
    %dma_wait3A_444 = tpu.memref_slice %arg6[%dma_wait3A_442, %dma_wait3A_443] : memref<40x250xi32, #tpu.memory_space<vmem>> -> memref<1x250xi32, #tpu.memory_space<vmem>>
    %dma_wait3A_445 = tpu.memref_squeeze %dma_wait3A_444 : memref<1x250xi32, #tpu.memory_space<vmem>> -> memref<250xi32, #tpu.memory_space<vmem>>
    %dma_wait3A_446 = arith.constant 0 : i32
    %dma_wait3A_447 = arith.constant 0 : i32
    %dma_wait3A_448 = tpu.memref_slice %arg8[%dma_wait3A_446, %dma_wait3A_447] : memref<10000x8xf32, #tpu.memory_space<vmem_shared>> -> memref<10000x8xf32, #tpu.memory_space<vmem_shared>>
    tpu.wait_indirect_dma semaphore(%arg9 : memref<!tpu.dma_semaphore, #tpu.memory_space<semaphore_mem>>) src(%arg7 : memref<250x8xf32, #tpu.memory_space<vmem>>) dst(%dma_wait3A_448 : memref<10000x8xf32, #tpu.memory_space<vmem_shared>>)
    %dma_wait3A_449 = arith.constant 24 : i32
    %dma_wait3A_450 = arith.constant 0 : i32
    %dma_wait3A_451 = tpu.memref_slice %arg6[%dma_wait3A_449, %dma_wait3A_450] : memref<40x250xi32, #tpu.memory_space<vmem>> -> memref<1x250xi32, #tpu.memory_space<vmem>>
    %dma_wait3A_452 = tpu.memref_squeeze %dma_wait3A_451 : memref<1x250xi32, #tpu.memory_space<vmem>> -> memref<250xi32, #tpu.memory_space<vmem>>
    %dma_wait3A_453 = arith.constant 0 : i32
    %dma_wait3A_454 = arith.constant 0 : i32
    %dma_wait3A_455 = tpu.memref_slice %arg8[%dma_wait3A_453, %dma_wait3A_454] : memref<10000x8xf32, #tpu.memory_space<vmem_shared>> -> memref<10000x8xf32, #tpu.memory_space<vmem_shared>>
    tpu.wait_indirect_dma semaphore(%arg9 : memref<!tpu.dma_semaphore, #tpu.memory_space<semaphore_mem>>) src(%arg7 : memref<250x8xf32, #tpu.memory_space<vmem>>) dst(%dma_wait3A_455 : memref<10000x8xf32, #tpu.memory_space<vmem_shared>>)
    %dma_wait3A_456 = arith.constant 25 : i32
    %dma_wait3A_457 = arith.constant 0 : i32
    %dma_wait3A_458 = tpu.memref_slice %arg6[%dma_wait3A_456, %dma_wait3A_457] : memref<40x250xi32, #tpu.memory_space<vmem>> -> memref<1x250xi32, #tpu.memory_space<vmem>>
    %dma_wait3A_459 = tpu.memref_squeeze %dma_wait3A_458 : memref<1x250xi32, #tpu.memory_space<vmem>> -> memref<250xi32, #tpu.memory_space<vmem>>
    %dma_wait3A_460 = arith.constant 0 : i32
    %dma_wait3A_461 = arith.constant 0 : i32
    %dma_wait3A_462 = tpu.memref_slice %arg8[%dma_wait3A_460, %dma_wait3A_461] : memref<10000x8xf32, #tpu.memory_space<vmem_shared>> -> memref<10000x8xf32, #tpu.memory_space<vmem_shared>>
    tpu.wait_indirect_dma semaphore(%arg9 : memref<!tpu.dma_semaphore, #tpu.memory_space<semaphore_mem>>) src(%arg7 : memref<250x8xf32, #tpu.memory_space<vmem>>) dst(%dma_wait3A_462 : memref<10000x8xf32, #tpu.memory_space<vmem_shared>>)
    %dma_wait3A_463 = arith.constant 26 : i32
    %dma_wait3A_464 = arith.constant 0 : i32
    %dma_wait3A_465 = tpu.memref_slice %arg6[%dma_wait3A_463, %dma_wait3A_464] : memref<40x250xi32, #tpu.memory_space<vmem>> -> memref<1x250xi32, #tpu.memory_space<vmem>>
    %dma_wait3A_466 = tpu.memref_squeeze %dma_wait3A_465 : memref<1x250xi32, #tpu.memory_space<vmem>> -> memref<250xi32, #tpu.memory_space<vmem>>
    %dma_wait3A_467 = arith.constant 0 : i32
    %dma_wait3A_468 = arith.constant 0 : i32
    %dma_wait3A_469 = tpu.memref_slice %arg8[%dma_wait3A_467, %dma_wait3A_468] : memref<10000x8xf32, #tpu.memory_space<vmem_shared>> -> memref<10000x8xf32, #tpu.memory_space<vmem_shared>>
    tpu.wait_indirect_dma semaphore(%arg9 : memref<!tpu.dma_semaphore, #tpu.memory_space<semaphore_mem>>) src(%arg7 : memref<250x8xf32, #tpu.memory_space<vmem>>) dst(%dma_wait3A_469 : memref<10000x8xf32, #tpu.memory_space<vmem_shared>>)
    %dma_wait3A_470 = arith.constant 27 : i32
    %dma_wait3A_471 = arith.constant 0 : i32
    %dma_wait3A_472 = tpu.memref_slice %arg6[%dma_wait3A_470, %dma_wait3A_471] : memref<40x250xi32, #tpu.memory_space<vmem>> -> memref<1x250xi32, #tpu.memory_space<vmem>>
    %dma_wait3A_473 = tpu.memref_squeeze %dma_wait3A_472 : memref<1x250xi32, #tpu.memory_space<vmem>> -> memref<250xi32, #tpu.memory_space<vmem>>
    %dma_wait3A_474 = arith.constant 0 : i32
    %dma_wait3A_475 = arith.constant 0 : i32
    %dma_wait3A_476 = tpu.memref_slice %arg8[%dma_wait3A_474, %dma_wait3A_475] : memref<10000x8xf32, #tpu.memory_space<vmem_shared>> -> memref<10000x8xf32, #tpu.memory_space<vmem_shared>>
    tpu.wait_indirect_dma semaphore(%arg9 : memref<!tpu.dma_semaphore, #tpu.memory_space<semaphore_mem>>) src(%arg7 : memref<250x8xf32, #tpu.memory_space<vmem>>) dst(%dma_wait3A_476 : memref<10000x8xf32, #tpu.memory_space<vmem_shared>>)
    %dma_wait3A_477 = arith.constant 28 : i32
    %dma_wait3A_478 = arith.constant 0 : i32
    %dma_wait3A_479 = tpu.memref_slice %arg6[%dma_wait3A_477, %dma_wait3A_478] : memref<40x250xi32, #tpu.memory_space<vmem>> -> memref<1x250xi32, #tpu.memory_space<vmem>>
    %dma_wait3A_480 = tpu.memref_squeeze %dma_wait3A_479 : memref<1x250xi32, #tpu.memory_space<vmem>> -> memref<250xi32, #tpu.memory_space<vmem>>
    %dma_wait3A_481 = arith.constant 0 : i32
    %dma_wait3A_482 = arith.constant 0 : i32
    %dma_wait3A_483 = tpu.memref_slice %arg8[%dma_wait3A_481, %dma_wait3A_482] : memref<10000x8xf32, #tpu.memory_space<vmem_shared>> -> memref<10000x8xf32, #tpu.memory_space<vmem_shared>>
    tpu.wait_indirect_dma semaphore(%arg9 : memref<!tpu.dma_semaphore, #tpu.memory_space<semaphore_mem>>) src(%arg7 : memref<250x8xf32, #tpu.memory_space<vmem>>) dst(%dma_wait3A_483 : memref<10000x8xf32, #tpu.memory_space<vmem_shared>>)
    %dma_wait3A_484 = arith.constant 29 : i32
    %dma_wait3A_485 = arith.constant 0 : i32
    %dma_wait3A_486 = tpu.memref_slice %arg6[%dma_wait3A_484, %dma_wait3A_485] : memref<40x250xi32, #tpu.memory_space<vmem>> -> memref<1x250xi32, #tpu.memory_space<vmem>>
    %dma_wait3A_487 = tpu.memref_squeeze %dma_wait3A_486 : memref<1x250xi32, #tpu.memory_space<vmem>> -> memref<250xi32, #tpu.memory_space<vmem>>
    %dma_wait3A_488 = arith.constant 0 : i32
    %dma_wait3A_489 = arith.constant 0 : i32
    %dma_wait3A_490 = tpu.memref_slice %arg8[%dma_wait3A_488, %dma_wait3A_489] : memref<10000x8xf32, #tpu.memory_space<vmem_shared>> -> memref<10000x8xf32, #tpu.memory_space<vmem_shared>>
    tpu.wait_indirect_dma semaphore(%arg9 : memref<!tpu.dma_semaphore, #tpu.memory_space<semaphore_mem>>) src(%arg7 : memref<250x8xf32, #tpu.memory_space<vmem>>) dst(%dma_wait3A_490 : memref<10000x8xf32, #tpu.memory_space<vmem_shared>>)
    %dma_wait3A_491 = arith.constant 30 : i32
    %dma_wait3A_492 = arith.constant 0 : i32
    %dma_wait3A_493 = tpu.memref_slice %arg6[%dma_wait3A_491, %dma_wait3A_492] : memref<40x250xi32, #tpu.memory_space<vmem>> -> memref<1x250xi32, #tpu.memory_space<vmem>>
    %dma_wait3A_494 = tpu.memref_squeeze %dma_wait3A_493 : memref<1x250xi32, #tpu.memory_space<vmem>> -> memref<250xi32, #tpu.memory_space<vmem>>
    %dma_wait3A_495 = arith.constant 0 : i32
    %dma_wait3A_496 = arith.constant 0 : i32
    %dma_wait3A_497 = tpu.memref_slice %arg8[%dma_wait3A_495, %dma_wait3A_496] : memref<10000x8xf32, #tpu.memory_space<vmem_shared>> -> memref<10000x8xf32, #tpu.memory_space<vmem_shared>>
    tpu.wait_indirect_dma semaphore(%arg9 : memref<!tpu.dma_semaphore, #tpu.memory_space<semaphore_mem>>) src(%arg7 : memref<250x8xf32, #tpu.memory_space<vmem>>) dst(%dma_wait3A_497 : memref<10000x8xf32, #tpu.memory_space<vmem_shared>>)
    %dma_wait3A_498 = arith.constant 31 : i32
    %dma_wait3A_499 = arith.constant 0 : i32
    %dma_wait3A_500 = tpu.memref_slice %arg6[%dma_wait3A_498, %dma_wait3A_499] : memref<40x250xi32, #tpu.memory_space<vmem>> -> memref<1x250xi32, #tpu.memory_space<vmem>>
    %dma_wait3A_501 = tpu.memref_squeeze %dma_wait3A_500 : memref<1x250xi32, #tpu.memory_space<vmem>> -> memref<250xi32, #tpu.memory_space<vmem>>
    %dma_wait3A_502 = arith.constant 0 : i32
    %dma_wait3A_503 = arith.constant 0 : i32
    %dma_wait3A_504 = tpu.memref_slice %arg8[%dma_wait3A_502, %dma_wait3A_503] : memref<10000x8xf32, #tpu.memory_space<vmem_shared>> -> memref<10000x8xf32, #tpu.memory_space<vmem_shared>>
    tpu.wait_indirect_dma semaphore(%arg9 : memref<!tpu.dma_semaphore, #tpu.memory_space<semaphore_mem>>) src(%arg7 : memref<250x8xf32, #tpu.memory_space<vmem>>) dst(%dma_wait3A_504 : memref<10000x8xf32, #tpu.memory_space<vmem_shared>>)
    %dma_wait3A_505 = arith.constant 32 : i32
    %dma_wait3A_506 = arith.constant 0 : i32
    %dma_wait3A_507 = tpu.memref_slice %arg6[%dma_wait3A_505, %dma_wait3A_506] : memref<40x250xi32, #tpu.memory_space<vmem>> -> memref<1x250xi32, #tpu.memory_space<vmem>>
    %dma_wait3A_508 = tpu.memref_squeeze %dma_wait3A_507 : memref<1x250xi32, #tpu.memory_space<vmem>> -> memref<250xi32, #tpu.memory_space<vmem>>
    %dma_wait3A_509 = arith.constant 0 : i32
    %dma_wait3A_510 = arith.constant 0 : i32
    %dma_wait3A_511 = tpu.memref_slice %arg8[%dma_wait3A_509, %dma_wait3A_510] : memref<10000x8xf32, #tpu.memory_space<vmem_shared>> -> memref<10000x8xf32, #tpu.memory_space<vmem_shared>>
    tpu.wait_indirect_dma semaphore(%arg9 : memref<!tpu.dma_semaphore, #tpu.memory_space<semaphore_mem>>) src(%arg7 : memref<250x8xf32, #tpu.memory_space<vmem>>) dst(%dma_wait3A_511 : memref<10000x8xf32, #tpu.memory_space<vmem_shared>>)
    %dma_wait3A_512 = arith.constant 33 : i32
    %dma_wait3A_513 = arith.constant 0 : i32
    %dma_wait3A_514 = tpu.memref_slice %arg6[%dma_wait3A_512, %dma_wait3A_513] : memref<40x250xi32, #tpu.memory_space<vmem>> -> memref<1x250xi32, #tpu.memory_space<vmem>>
    %dma_wait3A_515 = tpu.memref_squeeze %dma_wait3A_514 : memref<1x250xi32, #tpu.memory_space<vmem>> -> memref<250xi32, #tpu.memory_space<vmem>>
    %dma_wait3A_516 = arith.constant 0 : i32
    %dma_wait3A_517 = arith.constant 0 : i32
    %dma_wait3A_518 = tpu.memref_slice %arg8[%dma_wait3A_516, %dma_wait3A_517] : memref<10000x8xf32, #tpu.memory_space<vmem_shared>> -> memref<10000x8xf32, #tpu.memory_space<vmem_shared>>
    tpu.wait_indirect_dma semaphore(%arg9 : memref<!tpu.dma_semaphore, #tpu.memory_space<semaphore_mem>>) src(%arg7 : memref<250x8xf32, #tpu.memory_space<vmem>>) dst(%dma_wait3A_518 : memref<10000x8xf32, #tpu.memory_space<vmem_shared>>)
    %dma_wait3A_519 = arith.constant 34 : i32
    %dma_wait3A_520 = arith.constant 0 : i32
    %dma_wait3A_521 = tpu.memref_slice %arg6[%dma_wait3A_519, %dma_wait3A_520] : memref<40x250xi32, #tpu.memory_space<vmem>> -> memref<1x250xi32, #tpu.memory_space<vmem>>
    %dma_wait3A_522 = tpu.memref_squeeze %dma_wait3A_521 : memref<1x250xi32, #tpu.memory_space<vmem>> -> memref<250xi32, #tpu.memory_space<vmem>>
    %dma_wait3A_523 = arith.constant 0 : i32
    %dma_wait3A_524 = arith.constant 0 : i32
    %dma_wait3A_525 = tpu.memref_slice %arg8[%dma_wait3A_523, %dma_wait3A_524] : memref<10000x8xf32, #tpu.memory_space<vmem_shared>> -> memref<10000x8xf32, #tpu.memory_space<vmem_shared>>
    tpu.wait_indirect_dma semaphore(%arg9 : memref<!tpu.dma_semaphore, #tpu.memory_space<semaphore_mem>>) src(%arg7 : memref<250x8xf32, #tpu.memory_space<vmem>>) dst(%dma_wait3A_525 : memref<10000x8xf32, #tpu.memory_space<vmem_shared>>)
    %dma_wait3A_526 = arith.constant 35 : i32
    %dma_wait3A_527 = arith.constant 0 : i32
    %dma_wait3A_528 = tpu.memref_slice %arg6[%dma_wait3A_526, %dma_wait3A_527] : memref<40x250xi32, #tpu.memory_space<vmem>> -> memref<1x250xi32, #tpu.memory_space<vmem>>
    %dma_wait3A_529 = tpu.memref_squeeze %dma_wait3A_528 : memref<1x250xi32, #tpu.memory_space<vmem>> -> memref<250xi32, #tpu.memory_space<vmem>>
    %dma_wait3A_530 = arith.constant 0 : i32
    %dma_wait3A_531 = arith.constant 0 : i32
    %dma_wait3A_532 = tpu.memref_slice %arg8[%dma_wait3A_530, %dma_wait3A_531] : memref<10000x8xf32, #tpu.memory_space<vmem_shared>> -> memref<10000x8xf32, #tpu.memory_space<vmem_shared>>
    tpu.wait_indirect_dma semaphore(%arg9 : memref<!tpu.dma_semaphore, #tpu.memory_space<semaphore_mem>>) src(%arg7 : memref<250x8xf32, #tpu.memory_space<vmem>>) dst(%dma_wait3A_532 : memref<10000x8xf32, #tpu.memory_space<vmem_shared>>)
    %dma_wait3A_533 = arith.constant 36 : i32
    %dma_wait3A_534 = arith.constant 0 : i32
    %dma_wait3A_535 = tpu.memref_slice %arg6[%dma_wait3A_533, %dma_wait3A_534] : memref<40x250xi32, #tpu.memory_space<vmem>> -> memref<1x250xi32, #tpu.memory_space<vmem>>
    %dma_wait3A_536 = tpu.memref_squeeze %dma_wait3A_535 : memref<1x250xi32, #tpu.memory_space<vmem>> -> memref<250xi32, #tpu.memory_space<vmem>>
    %dma_wait3A_537 = arith.constant 0 : i32
    %dma_wait3A_538 = arith.constant 0 : i32
    %dma_wait3A_539 = tpu.memref_slice %arg8[%dma_wait3A_537, %dma_wait3A_538] : memref<10000x8xf32, #tpu.memory_space<vmem_shared>> -> memref<10000x8xf32, #tpu.memory_space<vmem_shared>>
    tpu.wait_indirect_dma semaphore(%arg9 : memref<!tpu.dma_semaphore, #tpu.memory_space<semaphore_mem>>) src(%arg7 : memref<250x8xf32, #tpu.memory_space<vmem>>) dst(%dma_wait3A_539 : memref<10000x8xf32, #tpu.memory_space<vmem_shared>>)
    %dma_wait3A_540 = arith.constant 37 : i32
    %dma_wait3A_541 = arith.constant 0 : i32
    %dma_wait3A_542 = tpu.memref_slice %arg6[%dma_wait3A_540, %dma_wait3A_541] : memref<40x250xi32, #tpu.memory_space<vmem>> -> memref<1x250xi32, #tpu.memory_space<vmem>>
    %dma_wait3A_543 = tpu.memref_squeeze %dma_wait3A_542 : memref<1x250xi32, #tpu.memory_space<vmem>> -> memref<250xi32, #tpu.memory_space<vmem>>
    %dma_wait3A_544 = arith.constant 0 : i32
    %dma_wait3A_545 = arith.constant 0 : i32
    %dma_wait3A_546 = tpu.memref_slice %arg8[%dma_wait3A_544, %dma_wait3A_545] : memref<10000x8xf32, #tpu.memory_space<vmem_shared>> -> memref<10000x8xf32, #tpu.memory_space<vmem_shared>>
    tpu.wait_indirect_dma semaphore(%arg9 : memref<!tpu.dma_semaphore, #tpu.memory_space<semaphore_mem>>) src(%arg7 : memref<250x8xf32, #tpu.memory_space<vmem>>) dst(%dma_wait3A_546 : memref<10000x8xf32, #tpu.memory_space<vmem_shared>>)
    %dma_wait3A_547 = arith.constant 38 : i32
    %dma_wait3A_548 = arith.constant 0 : i32
    %dma_wait3A_549 = tpu.memref_slice %arg6[%dma_wait3A_547, %dma_wait3A_548] : memref<40x250xi32, #tpu.memory_space<vmem>> -> memref<1x250xi32, #tpu.memory_space<vmem>>
    %dma_wait3A_550 = tpu.memref_squeeze %dma_wait3A_549 : memref<1x250xi32, #tpu.memory_space<vmem>> -> memref<250xi32, #tpu.memory_space<vmem>>
    %dma_wait3A_551 = arith.constant 0 : i32
    %dma_wait3A_552 = arith.constant 0 : i32
    %dma_wait3A_553 = tpu.memref_slice %arg8[%dma_wait3A_551, %dma_wait3A_552] : memref<10000x8xf32, #tpu.memory_space<vmem_shared>> -> memref<10000x8xf32, #tpu.memory_space<vmem_shared>>
    tpu.wait_indirect_dma semaphore(%arg9 : memref<!tpu.dma_semaphore, #tpu.memory_space<semaphore_mem>>) src(%arg7 : memref<250x8xf32, #tpu.memory_space<vmem>>) dst(%dma_wait3A_553 : memref<10000x8xf32, #tpu.memory_space<vmem_shared>>)
    %dma_wait3A_554 = arith.constant 39 : i32
    %dma_wait3A_555 = arith.constant 0 : i32
    %dma_wait3A_556 = tpu.memref_slice %arg6[%dma_wait3A_554, %dma_wait3A_555] : memref<40x250xi32, #tpu.memory_space<vmem>> -> memref<1x250xi32, #tpu.memory_space<vmem>>
    %dma_wait3A_557 = tpu.memref_squeeze %dma_wait3A_556 : memref<1x250xi32, #tpu.memory_space<vmem>> -> memref<250xi32, #tpu.memory_space<vmem>>
    %dma_wait3A_558 = arith.constant 0 : i32
    %dma_wait3A_559 = arith.constant 0 : i32
    %dma_wait3A_560 = tpu.memref_slice %arg8[%dma_wait3A_558, %dma_wait3A_559] : memref<10000x8xf32, #tpu.memory_space<vmem_shared>> -> memref<10000x8xf32, #tpu.memory_space<vmem_shared>>
    tpu.wait_indirect_dma semaphore(%arg9 : memref<!tpu.dma_semaphore, #tpu.memory_space<semaphore_mem>>) src(%arg7 : memref<250x8xf32, #tpu.memory_space<vmem>>) dst(%dma_wait3A_560 : memref<10000x8xf32, #tpu.memory_space<vmem_shared>>)
    %barrier3A_561 = arith.constant 0 : index
    tpu.barrier barrier_id(%barrier3A_561)
    %lt3A_562 = arith.constant 10 : i32
    %lt3A_563 = arith.cmpi slt, %arg1, %lt3A_562 : i32
    %convert_element_type3A_564 = arith.extui %lt3A_563 : i1 to i32
    %cond3A_565 = arith.constant 0 : i32
    %cond3A_566 = arith.cmpi ne, %convert_element_type3A_564, %cond3A_565 : i32
    scf.if %cond3A_566 {
      %mul3A_567 = arith.constant 1000 : i32
      %mul3A_568 = arith.muli %arg1, %mul3A_567 : i32
      %mul3A_569 = arith.constant 1000 : i32
      %mul3A_570 = arith.muli %arg1, %mul3A_569 : i32
      "tpu.region"() ({
        %run_scoped3A_571 = tpu.sem_alloc : memref<!tpu.dma_semaphore, #tpu.memory_space<semaphore_mem>>
        %dma_start3A_572 = arith.constant 0 : i32
        %dma_start3A_573 = tpu.memref_slice %arg5[%arg0, %mul3A_570, %dma_start3A_572] : memref<2x10000x8xf32, #tpu.memory_space<hbm>> -> memref<1x1000x8xf32, #tpu.memory_space<hbm>>
        %dma_start3A_574 = tpu.memref_squeeze %dma_start3A_573 : memref<1x1000x8xf32, #tpu.memory_space<hbm>> -> memref<1000x8xf32, #tpu.memory_space<hbm>>
        %dma_start3A_575 = arith.constant 0 : i32
        %dma_start3A_576 = tpu.memref_slice %arg8[%mul3A_568, %dma_start3A_575] : memref<10000x8xf32, #tpu.memory_space<vmem_shared>> -> memref<1000x8xf32, #tpu.memory_space<vmem_shared>>
        tpu.enqueue_dma source(%dma_start3A_576 : memref<1000x8xf32, #tpu.memory_space<vmem_shared>>) target(%dma_start3A_574 : memref<1000x8xf32, #tpu.memory_space<hbm>>) target_semaphore(%run_scoped3A_571 : memref<!tpu.dma_semaphore, #tpu.memory_space<semaphore_mem>>)
        %dma_wait3A_577 = arith.constant 0 : i32
        %dma_wait3A_578 = tpu.memref_slice %arg5[%arg0, %mul3A_570, %dma_wait3A_577] : memref<2x10000x8xf32, #tpu.memory_space<hbm>> -> memref<1x1000x8xf32, #tpu.memory_space<hbm>>
        %dma_wait3A_579 = tpu.memref_squeeze %dma_wait3A_578 : memref<1x1000x8xf32, #tpu.memory_space<hbm>> -> memref<1000x8xf32, #tpu.memory_space<hbm>>
        %dma_wait3A_580 = arith.constant 0 : i32
        %dma_wait3A_581 = tpu.memref_slice %arg8[%mul3A_568, %dma_wait3A_580] : memref<10000x8xf32, #tpu.memory_space<vmem_shared>> -> memref<1000x8xf32, #tpu.memory_space<vmem_shared>>
        tpu.wait_dma2 semaphore(%run_scoped3A_571 : memref<!tpu.dma_semaphore, #tpu.memory_space<semaphore_mem>>) src(%dma_wait3A_581 : memref<1000x8xf32, #tpu.memory_space<vmem_shared>>) dst(%dma_wait3A_579 : memref<1000x8xf32, #tpu.memory_space<hbm>>)
        tpu.yield
      }) : () -> ()
    } else {
    }
    return
  }
}

#map = affine_map<(d0, d1) -> (0, 0, 0, 0)>
#map1 = affine_map<(d0, d1) -> (0, 0)>
#map2 = affine_map<(d0, d1) -> (0, 0, 0)>
module attributes {stable_mosaic.version = 14 : i64} {
  func.func @_step_body(%arg0: i32, %arg1: i32, %arg2: memref<2x32x40x250xi32, #tpu.memory_space<hbm>>, %arg3: memref<10000x64xf32, #tpu.memory_space<hbm>>, %arg4: memref<2x10000x64xf32, #tpu.memory_space<hbm>>, %arg5: memref<40x250xi32, #tpu.memory_space<vmem>>, %arg6: memref<40x250xi32, #tpu.memory_space<vmem>>, %arg7: memref<4x250x64xf32, #tpu.memory_space<vmem>>, %arg8: memref<10000x64xf32, #tpu.memory_space<vmem_shared>>, %arg9: memref<!tpu.dma_semaphore, #tpu.memory_space<semaphore_mem>>, %arg10: memref<!tpu.dma_semaphore, #tpu.memory_space<semaphore_mem>>, %arg11: memref<!tpu.dma_semaphore, #tpu.memory_space<semaphore_mem>>) attributes {dimension_semantics = [#tpu.dimension_semantics<core_parallel>, #tpu.dimension_semantics<subcore_parallel>], iteration_bounds = array<i64: 2, 16>, scalar_prefetch = 0 : i64, scratch_operands = 7 : i64, tpu.core_type = #tpu.core_type<sc_vector_subcore>, window_params = [{transform_indices = #map}, {transform_indices = #map1}, {transform_indices = #map2}]} {
    %mul3A = arith.constant 16 : i32
    %mul3A_0 = arith.muli %arg0, %mul3A : i32
    %add3A = arith.addi %mul3A_0, %arg1 : i32
    %run_scoped3A = arith.constant 0 : i32
    "tpu.region"() ({
      %run_scoped3A_38 = tpu.sem_alloc : memref<!tpu.dma_semaphore, #tpu.memory_space<semaphore_mem>>
      %dma_start3A_39 = arith.constant 0 : i32
      %dma_start3A_40 = arith.constant 0 : i32
      %dma_start3A_41 = tpu.memref_slice %arg2[%run_scoped3A, %add3A, %dma_start3A_39, %dma_start3A_40] : memref<2x32x40x250xi32, #tpu.memory_space<hbm>> -> memref<1x1x40x250xi32, #tpu.memory_space<hbm>>
      %dma_start3A_42 = tpu.memref_squeeze %dma_start3A_41 : memref<1x1x40x250xi32, #tpu.memory_space<hbm>> -> memref<40x250xi32, #tpu.memory_space<hbm>>
      %dma_start3A_43 = arith.constant 0 : i32
      %dma_start3A_44 = arith.constant 0 : i32
      %dma_start3A_45 = tpu.memref_slice %arg2[%run_scoped3A, %add3A, %dma_start3A_43, %dma_start3A_44] : memref<2x32x40x250xi32, #tpu.memory_space<hbm>> -> memref<1x1x40x250xi32, #tpu.memory_space<hbm>>
      %dma_start3A_46 = tpu.memref_squeeze %dma_start3A_45 : memref<1x1x40x250xi32, #tpu.memory_space<hbm>> -> memref<40x250xi32, #tpu.memory_space<hbm>>
      tpu.enqueue_dma source(%dma_start3A_46 : memref<40x250xi32, #tpu.memory_space<hbm>>) target(%arg5 : memref<40x250xi32, #tpu.memory_space<vmem>>) target_semaphore(%run_scoped3A_38 : memref<!tpu.dma_semaphore, #tpu.memory_space<semaphore_mem>>)
      %dma_wait3A = arith.constant 0 : i32
      %dma_wait3A_47 = arith.constant 0 : i32
      %dma_wait3A_48 = tpu.memref_slice %arg2[%run_scoped3A, %add3A, %dma_wait3A, %dma_wait3A_47] : memref<2x32x40x250xi32, #tpu.memory_space<hbm>> -> memref<1x1x40x250xi32, #tpu.memory_space<hbm>>
      %dma_wait3A_49 = tpu.memref_squeeze %dma_wait3A_48 : memref<1x1x40x250xi32, #tpu.memory_space<hbm>> -> memref<40x250xi32, #tpu.memory_space<hbm>>
      %dma_wait3A_50 = arith.constant 0 : i32
      %dma_wait3A_51 = arith.constant 0 : i32
      %dma_wait3A_52 = tpu.memref_slice %arg2[%run_scoped3A, %add3A, %dma_wait3A_50, %dma_wait3A_51] : memref<2x32x40x250xi32, #tpu.memory_space<hbm>> -> memref<1x1x40x250xi32, #tpu.memory_space<hbm>>
      %dma_wait3A_53 = tpu.memref_squeeze %dma_wait3A_52 : memref<1x1x40x250xi32, #tpu.memory_space<hbm>> -> memref<40x250xi32, #tpu.memory_space<hbm>>
      tpu.wait_dma2 semaphore(%run_scoped3A_38 : memref<!tpu.dma_semaphore, #tpu.memory_space<semaphore_mem>>) src(%dma_wait3A_53 : memref<40x250xi32, #tpu.memory_space<hbm>>) dst(%arg5 : memref<40x250xi32, #tpu.memory_space<vmem>>)
      tpu.yield
    }) : () -> ()
    %run_scoped3A_1 = arith.constant 1 : i32
    "tpu.region"() ({
      %run_scoped3A_38 = tpu.sem_alloc : memref<!tpu.dma_semaphore, #tpu.memory_space<semaphore_mem>>
      %dma_start3A_39 = arith.constant 0 : i32
      %dma_start3A_40 = arith.constant 0 : i32
      %dma_start3A_41 = tpu.memref_slice %arg2[%run_scoped3A_1, %add3A, %dma_start3A_39, %dma_start3A_40] : memref<2x32x40x250xi32, #tpu.memory_space<hbm>> -> memref<1x1x40x250xi32, #tpu.memory_space<hbm>>
      %dma_start3A_42 = tpu.memref_squeeze %dma_start3A_41 : memref<1x1x40x250xi32, #tpu.memory_space<hbm>> -> memref<40x250xi32, #tpu.memory_space<hbm>>
      %dma_start3A_43 = arith.constant 0 : i32
      %dma_start3A_44 = arith.constant 0 : i32
      %dma_start3A_45 = tpu.memref_slice %arg2[%run_scoped3A_1, %add3A, %dma_start3A_43, %dma_start3A_44] : memref<2x32x40x250xi32, #tpu.memory_space<hbm>> -> memref<1x1x40x250xi32, #tpu.memory_space<hbm>>
      %dma_start3A_46 = tpu.memref_squeeze %dma_start3A_45 : memref<1x1x40x250xi32, #tpu.memory_space<hbm>> -> memref<40x250xi32, #tpu.memory_space<hbm>>
      tpu.enqueue_dma source(%dma_start3A_46 : memref<40x250xi32, #tpu.memory_space<hbm>>) target(%arg6 : memref<40x250xi32, #tpu.memory_space<vmem>>) target_semaphore(%run_scoped3A_38 : memref<!tpu.dma_semaphore, #tpu.memory_space<semaphore_mem>>)
      %dma_wait3A = arith.constant 0 : i32
      %dma_wait3A_47 = arith.constant 0 : i32
      %dma_wait3A_48 = tpu.memref_slice %arg2[%run_scoped3A_1, %add3A, %dma_wait3A, %dma_wait3A_47] : memref<2x32x40x250xi32, #tpu.memory_space<hbm>> -> memref<1x1x40x250xi32, #tpu.memory_space<hbm>>
      %dma_wait3A_49 = tpu.memref_squeeze %dma_wait3A_48 : memref<1x1x40x250xi32, #tpu.memory_space<hbm>> -> memref<40x250xi32, #tpu.memory_space<hbm>>
      %dma_wait3A_50 = arith.constant 0 : i32
      %dma_wait3A_51 = arith.constant 0 : i32
      %dma_wait3A_52 = tpu.memref_slice %arg2[%run_scoped3A_1, %add3A, %dma_wait3A_50, %dma_wait3A_51] : memref<2x32x40x250xi32, #tpu.memory_space<hbm>> -> memref<1x1x40x250xi32, #tpu.memory_space<hbm>>
      %dma_wait3A_53 = tpu.memref_squeeze %dma_wait3A_52 : memref<1x1x40x250xi32, #tpu.memory_space<hbm>> -> memref<40x250xi32, #tpu.memory_space<hbm>>
      tpu.wait_dma2 semaphore(%run_scoped3A_38 : memref<!tpu.dma_semaphore, #tpu.memory_space<semaphore_mem>>) src(%dma_wait3A_53 : memref<40x250xi32, #tpu.memory_space<hbm>>) dst(%arg6 : memref<40x250xi32, #tpu.memory_space<vmem>>)
      tpu.yield
    }) : () -> ()
    %lt3A = arith.constant 10 : i32
    %lt3A_2 = arith.cmpi slt, %arg1, %lt3A : i32
    %convert_element_type3A = arith.extui %lt3A_2 : i1 to i32
    %cond3A = arith.constant 0 : i32
    %cond3A_3 = arith.cmpi ne, %convert_element_type3A, %cond3A : i32
    scf.if %cond3A_3 {
      %mul3A_38 = arith.constant 1000 : i32
      %mul3A_39 = arith.muli %arg1, %mul3A_38 : i32
      %mul3A_40 = arith.constant 1000 : i32
      %mul3A_41 = arith.muli %arg1, %mul3A_40 : i32
      "tpu.region"() ({
        %run_scoped3A_42 = tpu.sem_alloc : memref<!tpu.dma_semaphore, #tpu.memory_space<semaphore_mem>>
        %dma_start3A_43 = arith.constant 0 : i32
        %dma_start3A_44 = tpu.memref_slice %arg8[%mul3A_41, %dma_start3A_43] : memref<10000x64xf32, #tpu.memory_space<vmem_shared>> -> memref<1000x64xf32, #tpu.memory_space<vmem_shared>>
        %dma_start3A_45 = arith.constant 0 : i32
        %dma_start3A_46 = tpu.memref_slice %arg3[%mul3A_39, %dma_start3A_45] : memref<10000x64xf32, #tpu.memory_space<hbm>> -> memref<1000x64xf32, #tpu.memory_space<hbm>>
        tpu.enqueue_dma source(%dma_start3A_46 : memref<1000x64xf32, #tpu.memory_space<hbm>>) target(%dma_start3A_44 : memref<1000x64xf32, #tpu.memory_space<vmem_shared>>) target_semaphore(%run_scoped3A_42 : memref<!tpu.dma_semaphore, #tpu.memory_space<semaphore_mem>>)
        %dma_wait3A = arith.constant 0 : i32
        %dma_wait3A_47 = tpu.memref_slice %arg8[%mul3A_41, %dma_wait3A] : memref<10000x64xf32, #tpu.memory_space<vmem_shared>> -> memref<1000x64xf32, #tpu.memory_space<vmem_shared>>
        %dma_wait3A_48 = arith.constant 0 : i32
        %dma_wait3A_49 = tpu.memref_slice %arg3[%mul3A_39, %dma_wait3A_48] : memref<10000x64xf32, #tpu.memory_space<hbm>> -> memref<1000x64xf32, #tpu.memory_space<hbm>>
        tpu.wait_dma2 semaphore(%run_scoped3A_42 : memref<!tpu.dma_semaphore, #tpu.memory_space<semaphore_mem>>) src(%dma_wait3A_49 : memref<1000x64xf32, #tpu.memory_space<hbm>>) dst(%dma_wait3A_47 : memref<1000x64xf32, #tpu.memory_space<vmem_shared>>)
        tpu.yield
      }) : () -> ()
    } else {
    }
    %barrier3A = arith.constant 0 : index
    tpu.barrier barrier_id(%barrier3A)
    %dma_start3A = arith.constant 0 : i32
    %dma_start3A_4 = arith.constant 0 : i32
    %dma_start3A_5 = arith.constant 0 : i32
    %dma_start3A_6 = arith.constant 0 : i32
    %dma_start3A_7 = tpu.memref_slice %arg7[%dma_start3A_4, %dma_start3A_5, %dma_start3A_6] : memref<4x250x64xf32, #tpu.memory_space<vmem>> -> memref<1x250x64xf32, #tpu.memory_space<vmem>>
    %dma_start3A_8 = tpu.memref_squeeze %dma_start3A_7 : memref<1x250x64xf32, #tpu.memory_space<vmem>> -> memref<250x64xf32, #tpu.memory_space<vmem>>
    %dma_start3A_9 = arith.constant 0 : i32
    %dma_start3A_10 = tpu.memref_slice %arg5[%dma_start3A, %dma_start3A_9] : memref<40x250xi32, #tpu.memory_space<vmem>> -> memref<1x250xi32, #tpu.memory_space<vmem>>
    %dma_start3A_11 = tpu.memref_squeeze %dma_start3A_10 : memref<1x250xi32, #tpu.memory_space<vmem>> -> memref<250xi32, #tpu.memory_space<vmem>>
    %dma_start3A_12 = arith.constant 0 : i32
    %dma_start3A_13 = arith.constant 0 : i32
    %dma_start3A_14 = tpu.memref_slice %arg3[%dma_start3A_12, %dma_start3A_13] : memref<10000x64xf32, #tpu.memory_space<hbm>> -> memref<10000x64xf32, #tpu.memory_space<hbm>>
    tpu.enqueue_indirect_dma source(%dma_start3A_14 : memref<10000x64xf32, #tpu.memory_space<hbm>>) target(%dma_start3A_8 : memref<250x64xf32, #tpu.memory_space<vmem>>) offsets(%dma_start3A_11 : memref<250xi32, #tpu.memory_space<vmem>>) semaphore(%arg9 : memref<!tpu.dma_semaphore, #tpu.memory_space<semaphore_mem>>)
    %dma_start3A_15 = arith.constant 1 : i32
    %dma_start3A_16 = arith.constant 1 : i32
    %dma_start3A_17 = arith.constant 0 : i32
    %dma_start3A_18 = arith.constant 0 : i32
    %dma_start3A_19 = tpu.memref_slice %arg7[%dma_start3A_16, %dma_start3A_17, %dma_start3A_18] : memref<4x250x64xf32, #tpu.memory_space<vmem>> -> memref<1x250x64xf32, #tpu.memory_space<vmem>>
    %dma_start3A_20 = tpu.memref_squeeze %dma_start3A_19 : memref<1x250x64xf32, #tpu.memory_space<vmem>> -> memref<250x64xf32, #tpu.memory_space<vmem>>
    %dma_start3A_21 = arith.constant 0 : i32
    %dma_start3A_22 = tpu.memref_slice %arg5[%dma_start3A_15, %dma_start3A_21] : memref<40x250xi32, #tpu.memory_space<vmem>> -> memref<1x250xi32, #tpu.memory_space<vmem>>
    %dma_start3A_23 = tpu.memref_squeeze %dma_start3A_22 : memref<1x250xi32, #tpu.memory_space<vmem>> -> memref<250xi32, #tpu.memory_space<vmem>>
    %dma_start3A_24 = arith.constant 0 : i32
    %dma_start3A_25 = arith.constant 0 : i32
    %dma_start3A_26 = tpu.memref_slice %arg3[%dma_start3A_24, %dma_start3A_25] : memref<10000x64xf32, #tpu.memory_space<hbm>> -> memref<10000x64xf32, #tpu.memory_space<hbm>>
    tpu.enqueue_indirect_dma source(%dma_start3A_26 : memref<10000x64xf32, #tpu.memory_space<hbm>>) target(%dma_start3A_20 : memref<250x64xf32, #tpu.memory_space<vmem>>) offsets(%dma_start3A_23 : memref<250xi32, #tpu.memory_space<vmem>>) semaphore(%arg9 : memref<!tpu.dma_semaphore, #tpu.memory_space<semaphore_mem>>)
    %scan3A = arith.constant 0 : i32
    %scan3A_27 = arith.constant 0 : i32
    %scan3A_28 = arith.constant 10 : i32
    %scan3A_29 = arith.addi %scan3A_27, %scan3A_28 : i32
    %scan3A_30 = arith.constant 1 : i32
    scf.for %scan3A_38 = %scan3A_27 to %scan3A_29 step %scan3A_30  : i32 {
      %mul3A_39 = arith.constant 2 : i32
      %mul3A_40 = arith.muli %mul3A_39, %scan3A_38 : i32
      %mul3A_41 = arith.constant 2 : i32
      %mul3A_42 = arith.muli %mul3A_41, %scan3A_38 : i32
      %add3A_43 = arith.constant 1 : i32
      %add3A_44 = arith.addi %mul3A_42, %add3A_43 : i32
      %mul3A_45 = arith.constant 2 : i32
      %mul3A_46 = arith.muli %mul3A_40, %mul3A_45 : i32
      %add3A_47 = arith.constant 0 : i32
      %add3A_48 = arith.addi %mul3A_46, %add3A_47 : i32
      %dma_wait3A = arith.constant 0 : i32
      %dma_wait3A_49 = arith.constant 0 : i32
      %dma_wait3A_50 = arith.constant 0 : i32
      %dma_wait3A_51 = tpu.memref_slice %arg7[%dma_wait3A, %dma_wait3A_49, %dma_wait3A_50] : memref<4x250x64xf32, #tpu.memory_space<vmem>> -> memref<1x250x64xf32, #tpu.memory_space<vmem>>
      %dma_wait3A_52 = tpu.memref_squeeze %dma_wait3A_51 : memref<1x250x64xf32, #tpu.memory_space<vmem>> -> memref<250x64xf32, #tpu.memory_space<vmem>>
      %dma_wait3A_53 = arith.constant 0 : i32
      %dma_wait3A_54 = tpu.memref_slice %arg5[%add3A_48, %dma_wait3A_53] : memref<40x250xi32, #tpu.memory_space<vmem>> -> memref<1x250xi32, #tpu.memory_space<vmem>>
      %dma_wait3A_55 = tpu.memref_squeeze %dma_wait3A_54 : memref<1x250xi32, #tpu.memory_space<vmem>> -> memref<250xi32, #tpu.memory_space<vmem>>
      %dma_wait3A_56 = arith.constant 0 : i32
      %dma_wait3A_57 = arith.constant 0 : i32
      %dma_wait3A_58 = tpu.memref_slice %arg3[%dma_wait3A_56, %dma_wait3A_57] : memref<10000x64xf32, #tpu.memory_space<hbm>> -> memref<10000x64xf32, #tpu.memory_space<hbm>>
      tpu.wait_indirect_dma semaphore(%arg9 : memref<!tpu.dma_semaphore, #tpu.memory_space<semaphore_mem>>) src(%dma_wait3A_58 : memref<10000x64xf32, #tpu.memory_space<hbm>>) dst(%dma_wait3A_52 : memref<250x64xf32, #tpu.memory_space<vmem>>)
      %mul3A_59 = arith.constant 2 : i32
      %mul3A_60 = arith.muli %mul3A_40, %mul3A_59 : i32
      %add3A_61 = arith.constant 1 : i32
      %add3A_62 = arith.addi %mul3A_60, %add3A_61 : i32
      %dma_wait3A_63 = arith.constant 1 : i32
      %dma_wait3A_64 = arith.constant 0 : i32
      %dma_wait3A_65 = arith.constant 0 : i32
      %dma_wait3A_66 = tpu.memref_slice %arg7[%dma_wait3A_63, %dma_wait3A_64, %dma_wait3A_65] : memref<4x250x64xf32, #tpu.memory_space<vmem>> -> memref<1x250x64xf32, #tpu.memory_space<vmem>>
      %dma_wait3A_67 = tpu.memref_squeeze %dma_wait3A_66 : memref<1x250x64xf32, #tpu.memory_space<vmem>> -> memref<250x64xf32, #tpu.memory_space<vmem>>
      %dma_wait3A_68 = arith.constant 0 : i32
      %dma_wait3A_69 = tpu.memref_slice %arg5[%add3A_62, %dma_wait3A_68] : memref<40x250xi32, #tpu.memory_space<vmem>> -> memref<1x250xi32, #tpu.memory_space<vmem>>
      %dma_wait3A_70 = tpu.memref_squeeze %dma_wait3A_69 : memref<1x250xi32, #tpu.memory_space<vmem>> -> memref<250xi32, #tpu.memory_space<vmem>>
      %dma_wait3A_71 = arith.constant 0 : i32
      %dma_wait3A_72 = arith.constant 0 : i32
      %dma_wait3A_73 = tpu.memref_slice %arg3[%dma_wait3A_71, %dma_wait3A_72] : memref<10000x64xf32, #tpu.memory_space<hbm>> -> memref<10000x64xf32, #tpu.memory_space<hbm>>
      tpu.wait_indirect_dma semaphore(%arg9 : memref<!tpu.dma_semaphore, #tpu.memory_space<semaphore_mem>>) src(%dma_wait3A_73 : memref<10000x64xf32, #tpu.memory_space<hbm>>) dst(%dma_wait3A_67 : memref<250x64xf32, #tpu.memory_space<vmem>>)
      %mul3A_74 = arith.constant 2 : i32
      %mul3A_75 = arith.muli %add3A_44, %mul3A_74 : i32
      %add3A_76 = arith.constant 0 : i32
      %add3A_77 = arith.addi %mul3A_75, %add3A_76 : i32
      %dma_start3A_78 = arith.constant 2 : i32
      %dma_start3A_79 = arith.constant 0 : i32
      %dma_start3A_80 = arith.constant 0 : i32
      %dma_start3A_81 = tpu.memref_slice %arg7[%dma_start3A_78, %dma_start3A_79, %dma_start3A_80] : memref<4x250x64xf32, #tpu.memory_space<vmem>> -> memref<1x250x64xf32, #tpu.memory_space<vmem>>
      %dma_start3A_82 = tpu.memref_squeeze %dma_start3A_81 : memref<1x250x64xf32, #tpu.memory_space<vmem>> -> memref<250x64xf32, #tpu.memory_space<vmem>>
      %dma_start3A_83 = arith.constant 0 : i32
      %dma_start3A_84 = tpu.memref_slice %arg5[%add3A_77, %dma_start3A_83] : memref<40x250xi32, #tpu.memory_space<vmem>> -> memref<1x250xi32, #tpu.memory_space<vmem>>
      %dma_start3A_85 = tpu.memref_squeeze %dma_start3A_84 : memref<1x250xi32, #tpu.memory_space<vmem>> -> memref<250xi32, #tpu.memory_space<vmem>>
      %dma_start3A_86 = arith.constant 0 : i32
      %dma_start3A_87 = arith.constant 0 : i32
      %dma_start3A_88 = tpu.memref_slice %arg3[%dma_start3A_86, %dma_start3A_87] : memref<10000x64xf32, #tpu.memory_space<hbm>> -> memref<10000x64xf32, #tpu.memory_space<hbm>>
      tpu.enqueue_indirect_dma source(%dma_start3A_88 : memref<10000x64xf32, #tpu.memory_space<hbm>>) target(%dma_start3A_82 : memref<250x64xf32, #tpu.memory_space<vmem>>) offsets(%dma_start3A_85 : memref<250xi32, #tpu.memory_space<vmem>>) semaphore(%arg10 : memref<!tpu.dma_semaphore, #tpu.memory_space<semaphore_mem>>)
      %mul3A_89 = arith.constant 2 : i32
      %mul3A_90 = arith.muli %add3A_44, %mul3A_89 : i32
      %add3A_91 = arith.constant 1 : i32
      %add3A_92 = arith.addi %mul3A_90, %add3A_91 : i32
      %dma_start3A_93 = arith.constant 3 : i32
      %dma_start3A_94 = arith.constant 0 : i32
      %dma_start3A_95 = arith.constant 0 : i32
      %dma_start3A_96 = tpu.memref_slice %arg7[%dma_start3A_93, %dma_start3A_94, %dma_start3A_95] : memref<4x250x64xf32, #tpu.memory_space<vmem>> -> memref<1x250x64xf32, #tpu.memory_space<vmem>>
      %dma_start3A_97 = tpu.memref_squeeze %dma_start3A_96 : memref<1x250x64xf32, #tpu.memory_space<vmem>> -> memref<250x64xf32, #tpu.memory_space<vmem>>
      %dma_start3A_98 = arith.constant 0 : i32
      %dma_start3A_99 = tpu.memref_slice %arg5[%add3A_92, %dma_start3A_98] : memref<40x250xi32, #tpu.memory_space<vmem>> -> memref<1x250xi32, #tpu.memory_space<vmem>>
      %dma_start3A_100 = tpu.memref_squeeze %dma_start3A_99 : memref<1x250xi32, #tpu.memory_space<vmem>> -> memref<250xi32, #tpu.memory_space<vmem>>
      %dma_start3A_101 = arith.constant 0 : i32
      %dma_start3A_102 = arith.constant 0 : i32
      %dma_start3A_103 = tpu.memref_slice %arg3[%dma_start3A_101, %dma_start3A_102] : memref<10000x64xf32, #tpu.memory_space<hbm>> -> memref<10000x64xf32, #tpu.memory_space<hbm>>
      tpu.enqueue_indirect_dma source(%dma_start3A_103 : memref<10000x64xf32, #tpu.memory_space<hbm>>) target(%dma_start3A_97 : memref<250x64xf32, #tpu.memory_space<vmem>>) offsets(%dma_start3A_100 : memref<250xi32, #tpu.memory_space<vmem>>) semaphore(%arg10 : memref<!tpu.dma_semaphore, #tpu.memory_space<semaphore_mem>>)
      %mul3A_104 = arith.constant 2 : i32
      %mul3A_105 = arith.muli %mul3A_40, %mul3A_104 : i32
      %add3A_106 = arith.constant 0 : i32
      %add3A_107 = arith.addi %mul3A_105, %add3A_106 : i32
      %dma_start3A_108 = arith.constant 0 : i32
      %dma_start3A_109 = arith.constant 0 : i32
      %dma_start3A_110 = arith.constant 0 : i32
      %dma_start3A_111 = tpu.memref_slice %arg7[%dma_start3A_108, %dma_start3A_109, %dma_start3A_110] : memref<4x250x64xf32, #tpu.memory_space<vmem>> -> memref<1x250x64xf32, #tpu.memory_space<vmem>>
      %dma_start3A_112 = tpu.memref_squeeze %dma_start3A_111 : memref<1x250x64xf32, #tpu.memory_space<vmem>> -> memref<250x64xf32, #tpu.memory_space<vmem>>
      %dma_start3A_113 = arith.constant 0 : i32
      %dma_start3A_114 = tpu.memref_slice %arg6[%add3A_107, %dma_start3A_113] : memref<40x250xi32, #tpu.memory_space<vmem>> -> memref<1x250xi32, #tpu.memory_space<vmem>>
      %dma_start3A_115 = tpu.memref_squeeze %dma_start3A_114 : memref<1x250xi32, #tpu.memory_space<vmem>> -> memref<250xi32, #tpu.memory_space<vmem>>
      %dma_start3A_116 = arith.constant 0 : i32
      %dma_start3A_117 = arith.constant 0 : i32
      %dma_start3A_118 = tpu.memref_slice %arg8[%dma_start3A_116, %dma_start3A_117] : memref<10000x64xf32, #tpu.memory_space<vmem_shared>> -> memref<10000x64xf32, #tpu.memory_space<vmem_shared>>
      tpu.enqueue_indirect_dma source(%dma_start3A_112 : memref<250x64xf32, #tpu.memory_space<vmem>>) target(%dma_start3A_118 : memref<10000x64xf32, #tpu.memory_space<vmem_shared>>) offsets(%dma_start3A_115 : memref<250xi32, #tpu.memory_space<vmem>>) semaphore(%arg11 : memref<!tpu.dma_semaphore, #tpu.memory_space<semaphore_mem>>) {add = true}
      %mul3A_119 = arith.constant 2 : i32
      %mul3A_120 = arith.muli %mul3A_40, %mul3A_119 : i32
      %add3A_121 = arith.constant 1 : i32
      %add3A_122 = arith.addi %mul3A_120, %add3A_121 : i32
      %dma_start3A_123 = arith.constant 1 : i32
      %dma_start3A_124 = arith.constant 0 : i32
      %dma_start3A_125 = arith.constant 0 : i32
      %dma_start3A_126 = tpu.memref_slice %arg7[%dma_start3A_123, %dma_start3A_124, %dma_start3A_125] : memref<4x250x64xf32, #tpu.memory_space<vmem>> -> memref<1x250x64xf32, #tpu.memory_space<vmem>>
      %dma_start3A_127 = tpu.memref_squeeze %dma_start3A_126 : memref<1x250x64xf32, #tpu.memory_space<vmem>> -> memref<250x64xf32, #tpu.memory_space<vmem>>
      %dma_start3A_128 = arith.constant 0 : i32
      %dma_start3A_129 = tpu.memref_slice %arg6[%add3A_122, %dma_start3A_128] : memref<40x250xi32, #tpu.memory_space<vmem>> -> memref<1x250xi32, #tpu.memory_space<vmem>>
      %dma_start3A_130 = tpu.memref_squeeze %dma_start3A_129 : memref<1x250xi32, #tpu.memory_space<vmem>> -> memref<250xi32, #tpu.memory_space<vmem>>
      %dma_start3A_131 = arith.constant 0 : i32
      %dma_start3A_132 = arith.constant 0 : i32
      %dma_start3A_133 = tpu.memref_slice %arg8[%dma_start3A_131, %dma_start3A_132] : memref<10000x64xf32, #tpu.memory_space<vmem_shared>> -> memref<10000x64xf32, #tpu.memory_space<vmem_shared>>
      tpu.enqueue_indirect_dma source(%dma_start3A_127 : memref<250x64xf32, #tpu.memory_space<vmem>>) target(%dma_start3A_133 : memref<10000x64xf32, #tpu.memory_space<vmem_shared>>) offsets(%dma_start3A_130 : memref<250xi32, #tpu.memory_space<vmem>>) semaphore(%arg11 : memref<!tpu.dma_semaphore, #tpu.memory_space<semaphore_mem>>) {add = true}
      %dma_wait3A_134 = arith.constant 0 : i32
      %dma_wait3A_135 = arith.constant 0 : i32
      %dma_wait3A_136 = arith.constant 0 : i32
      %dma_wait3A_137 = tpu.memref_slice %arg7[%dma_wait3A_134, %dma_wait3A_135, %dma_wait3A_136] : memref<4x250x64xf32, #tpu.memory_space<vmem>> -> memref<1x250x64xf32, #tpu.memory_space<vmem>>
      %dma_wait3A_138 = tpu.memref_squeeze %dma_wait3A_137 : memref<1x250x64xf32, #tpu.memory_space<vmem>> -> memref<250x64xf32, #tpu.memory_space<vmem>>
      %dma_wait3A_139 = arith.constant 0 : i32
      %dma_wait3A_140 = tpu.memref_slice %arg6[%add3A_107, %dma_wait3A_139] : memref<40x250xi32, #tpu.memory_space<vmem>> -> memref<1x250xi32, #tpu.memory_space<vmem>>
      %dma_wait3A_141 = tpu.memref_squeeze %dma_wait3A_140 : memref<1x250xi32, #tpu.memory_space<vmem>> -> memref<250xi32, #tpu.memory_space<vmem>>
      %dma_wait3A_142 = arith.constant 0 : i32
      %dma_wait3A_143 = arith.constant 0 : i32
      %dma_wait3A_144 = tpu.memref_slice %arg8[%dma_wait3A_142, %dma_wait3A_143] : memref<10000x64xf32, #tpu.memory_space<vmem_shared>> -> memref<10000x64xf32, #tpu.memory_space<vmem_shared>>
      tpu.wait_indirect_dma semaphore(%arg11 : memref<!tpu.dma_semaphore, #tpu.memory_space<semaphore_mem>>) src(%dma_wait3A_138 : memref<250x64xf32, #tpu.memory_space<vmem>>) dst(%dma_wait3A_144 : memref<10000x64xf32, #tpu.memory_space<vmem_shared>>)
      %dma_wait3A_145 = arith.constant 1 : i32
      %dma_wait3A_146 = arith.constant 0 : i32
      %dma_wait3A_147 = arith.constant 0 : i32
      %dma_wait3A_148 = tpu.memref_slice %arg7[%dma_wait3A_145, %dma_wait3A_146, %dma_wait3A_147] : memref<4x250x64xf32, #tpu.memory_space<vmem>> -> memref<1x250x64xf32, #tpu.memory_space<vmem>>
      %dma_wait3A_149 = tpu.memref_squeeze %dma_wait3A_148 : memref<1x250x64xf32, #tpu.memory_space<vmem>> -> memref<250x64xf32, #tpu.memory_space<vmem>>
      %dma_wait3A_150 = arith.constant 0 : i32
      %dma_wait3A_151 = tpu.memref_slice %arg6[%add3A_122, %dma_wait3A_150] : memref<40x250xi32, #tpu.memory_space<vmem>> -> memref<1x250xi32, #tpu.memory_space<vmem>>
      %dma_wait3A_152 = tpu.memref_squeeze %dma_wait3A_151 : memref<1x250xi32, #tpu.memory_space<vmem>> -> memref<250xi32, #tpu.memory_space<vmem>>
      %dma_wait3A_153 = arith.constant 0 : i32
      %dma_wait3A_154 = arith.constant 0 : i32
      %dma_wait3A_155 = tpu.memref_slice %arg8[%dma_wait3A_153, %dma_wait3A_154] : memref<10000x64xf32, #tpu.memory_space<vmem_shared>> -> memref<10000x64xf32, #tpu.memory_space<vmem_shared>>
      tpu.wait_indirect_dma semaphore(%arg11 : memref<!tpu.dma_semaphore, #tpu.memory_space<semaphore_mem>>) src(%dma_wait3A_149 : memref<250x64xf32, #tpu.memory_space<vmem>>) dst(%dma_wait3A_155 : memref<10000x64xf32, #tpu.memory_space<vmem_shared>>)
      %mul3A_156 = arith.constant 2 : i32
      %mul3A_157 = arith.muli %add3A_44, %mul3A_156 : i32
      %add3A_158 = arith.constant 0 : i32
      %add3A_159 = arith.addi %mul3A_157, %add3A_158 : i32
      %dma_wait3A_160 = arith.constant 2 : i32
      %dma_wait3A_161 = arith.constant 0 : i32
      %dma_wait3A_162 = arith.constant 0 : i32
      %dma_wait3A_163 = tpu.memref_slice %arg7[%dma_wait3A_160, %dma_wait3A_161, %dma_wait3A_162] : memref<4x250x64xf32, #tpu.memory_space<vmem>> -> memref<1x250x64xf32, #tpu.memory_space<vmem>>
      %dma_wait3A_164 = tpu.memref_squeeze %dma_wait3A_163 : memref<1x250x64xf32, #tpu.memory_space<vmem>> -> memref<250x64xf32, #tpu.memory_space<vmem>>
      %dma_wait3A_165 = arith.constant 0 : i32
      %dma_wait3A_166 = tpu.memref_slice %arg5[%add3A_159, %dma_wait3A_165] : memref<40x250xi32, #tpu.memory_space<vmem>> -> memref<1x250xi32, #tpu.memory_space<vmem>>
      %dma_wait3A_167 = tpu.memref_squeeze %dma_wait3A_166 : memref<1x250xi32, #tpu.memory_space<vmem>> -> memref<250xi32, #tpu.memory_space<vmem>>
      %dma_wait3A_168 = arith.constant 0 : i32
      %dma_wait3A_169 = arith.constant 0 : i32
      %dma_wait3A_170 = tpu.memref_slice %arg3[%dma_wait3A_168, %dma_wait3A_169] : memref<10000x64xf32, #tpu.memory_space<hbm>> -> memref<10000x64xf32, #tpu.memory_space<hbm>>
      tpu.wait_indirect_dma semaphore(%arg10 : memref<!tpu.dma_semaphore, #tpu.memory_space<semaphore_mem>>) src(%dma_wait3A_170 : memref<10000x64xf32, #tpu.memory_space<hbm>>) dst(%dma_wait3A_164 : memref<250x64xf32, #tpu.memory_space<vmem>>)
      %mul3A_171 = arith.constant 2 : i32
      %mul3A_172 = arith.muli %add3A_44, %mul3A_171 : i32
      %add3A_173 = arith.constant 1 : i32
      %add3A_174 = arith.addi %mul3A_172, %add3A_173 : i32
      %dma_wait3A_175 = arith.constant 3 : i32
      %dma_wait3A_176 = arith.constant 0 : i32
      %dma_wait3A_177 = arith.constant 0 : i32
      %dma_wait3A_178 = tpu.memref_slice %arg7[%dma_wait3A_175, %dma_wait3A_176, %dma_wait3A_177] : memref<4x250x64xf32, #tpu.memory_space<vmem>> -> memref<1x250x64xf32, #tpu.memory_space<vmem>>
      %dma_wait3A_179 = tpu.memref_squeeze %dma_wait3A_178 : memref<1x250x64xf32, #tpu.memory_space<vmem>> -> memref<250x64xf32, #tpu.memory_space<vmem>>
      %dma_wait3A_180 = arith.constant 0 : i32
      %dma_wait3A_181 = tpu.memref_slice %arg5[%add3A_174, %dma_wait3A_180] : memref<40x250xi32, #tpu.memory_space<vmem>> -> memref<1x250xi32, #tpu.memory_space<vmem>>
      %dma_wait3A_182 = tpu.memref_squeeze %dma_wait3A_181 : memref<1x250xi32, #tpu.memory_space<vmem>> -> memref<250xi32, #tpu.memory_space<vmem>>
      %dma_wait3A_183 = arith.constant 0 : i32
      %dma_wait3A_184 = arith.constant 0 : i32
      %dma_wait3A_185 = tpu.memref_slice %arg3[%dma_wait3A_183, %dma_wait3A_184] : memref<10000x64xf32, #tpu.memory_space<hbm>> -> memref<10000x64xf32, #tpu.memory_space<hbm>>
      tpu.wait_indirect_dma semaphore(%arg10 : memref<!tpu.dma_semaphore, #tpu.memory_space<semaphore_mem>>) src(%dma_wait3A_185 : memref<10000x64xf32, #tpu.memory_space<hbm>>) dst(%dma_wait3A_179 : memref<250x64xf32, #tpu.memory_space<vmem>>)
      %lt3A_186 = arith.constant 9 : i32
      %lt3A_187 = arith.cmpi slt, %scan3A_38, %lt3A_186 : i32
      %convert_element_type3A_188 = arith.extui %lt3A_187 : i1 to i32
      %cond3A_189 = arith.constant 0 : i32
      %cond3A_190 = arith.cmpi ne, %convert_element_type3A_188, %cond3A_189 : i32
      scf.if %cond3A_190 {
        %add3A_243 = arith.constant 1 : i32
        %add3A_244 = arith.addi %add3A_44, %add3A_243 : i32
        %mul3A_245 = arith.constant 2 : i32
        %mul3A_246 = arith.muli %add3A_244, %mul3A_245 : i32
        %add3A_247 = arith.constant 0 : i32
        %add3A_248 = arith.addi %mul3A_246, %add3A_247 : i32
        %dma_start3A_249 = arith.constant 0 : i32
        %dma_start3A_250 = arith.constant 0 : i32
        %dma_start3A_251 = arith.constant 0 : i32
        %dma_start3A_252 = tpu.memref_slice %arg7[%dma_start3A_249, %dma_start3A_250, %dma_start3A_251] : memref<4x250x64xf32, #tpu.memory_space<vmem>> -> memref<1x250x64xf32, #tpu.memory_space<vmem>>
        %dma_start3A_253 = tpu.memref_squeeze %dma_start3A_252 : memref<1x250x64xf32, #tpu.memory_space<vmem>> -> memref<250x64xf32, #tpu.memory_space<vmem>>
        %dma_start3A_254 = arith.constant 0 : i32
        %dma_start3A_255 = tpu.memref_slice %arg5[%add3A_248, %dma_start3A_254] : memref<40x250xi32, #tpu.memory_space<vmem>> -> memref<1x250xi32, #tpu.memory_space<vmem>>
        %dma_start3A_256 = tpu.memref_squeeze %dma_start3A_255 : memref<1x250xi32, #tpu.memory_space<vmem>> -> memref<250xi32, #tpu.memory_space<vmem>>
        %dma_start3A_257 = arith.constant 0 : i32
        %dma_start3A_258 = arith.constant 0 : i32
        %dma_start3A_259 = tpu.memref_slice %arg3[%dma_start3A_257, %dma_start3A_258] : memref<10000x64xf32, #tpu.memory_space<hbm>> -> memref<10000x64xf32, #tpu.memory_space<hbm>>
        tpu.enqueue_indirect_dma source(%dma_start3A_259 : memref<10000x64xf32, #tpu.memory_space<hbm>>) target(%dma_start3A_253 : memref<250x64xf32, #tpu.memory_space<vmem>>) offsets(%dma_start3A_256 : memref<250xi32, #tpu.memory_space<vmem>>) semaphore(%arg9 : memref<!tpu.dma_semaphore, #tpu.memory_space<semaphore_mem>>)
        %mul3A_260 = arith.constant 2 : i32
        %mul3A_261 = arith.muli %add3A_244, %mul3A_260 : i32
        %add3A_262 = arith.constant 1 : i32
        %add3A_263 = arith.addi %mul3A_261, %add3A_262 : i32
        %dma_start3A_264 = arith.constant 1 : i32
        %dma_start3A_265 = arith.constant 0 : i32
        %dma_start3A_266 = arith.constant 0 : i32
        %dma_start3A_267 = tpu.memref_slice %arg7[%dma_start3A_264, %dma_start3A_265, %dma_start3A_266] : memref<4x250x64xf32, #tpu.memory_space<vmem>> -> memref<1x250x64xf32, #tpu.memory_space<vmem>>
        %dma_start3A_268 = tpu.memref_squeeze %dma_start3A_267 : memref<1x250x64xf32, #tpu.memory_space<vmem>> -> memref<250x64xf32, #tpu.memory_space<vmem>>
        %dma_start3A_269 = arith.constant 0 : i32
        %dma_start3A_270 = tpu.memref_slice %arg5[%add3A_263, %dma_start3A_269] : memref<40x250xi32, #tpu.memory_space<vmem>> -> memref<1x250xi32, #tpu.memory_space<vmem>>
        %dma_start3A_271 = tpu.memref_squeeze %dma_start3A_270 : memref<1x250xi32, #tpu.memory_space<vmem>> -> memref<250xi32, #tpu.memory_space<vmem>>
        %dma_start3A_272 = arith.constant 0 : i32
        %dma_start3A_273 = arith.constant 0 : i32
        %dma_start3A_274 = tpu.memref_slice %arg3[%dma_start3A_272, %dma_start3A_273] : memref<10000x64xf32, #tpu.memory_space<hbm>> -> memref<10000x64xf32, #tpu.memory_space<hbm>>
        tpu.enqueue_indirect_dma source(%dma_start3A_274 : memref<10000x64xf32, #tpu.memory_space<hbm>>) target(%dma_start3A_268 : memref<250x64xf32, #tpu.memory_space<vmem>>) offsets(%dma_start3A_271 : memref<250xi32, #tpu.memory_space<vmem>>) semaphore(%arg9 : memref<!tpu.dma_semaphore, #tpu.memory_space<semaphore_mem>>)
      } else {
      }
      %mul3A_191 = arith.constant 2 : i32
      %mul3A_192 = arith.muli %add3A_44, %mul3A_191 : i32
      %add3A_193 = arith.constant 0 : i32
      %add3A_194 = arith.addi %mul3A_192, %add3A_193 : i32
      %dma_start3A_195 = arith.constant 2 : i32
      %dma_start3A_196 = arith.constant 0 : i32
      %dma_start3A_197 = arith.constant 0 : i32
      %dma_start3A_198 = tpu.memref_slice %arg7[%dma_start3A_195, %dma_start3A_196, %dma_start3A_197] : memref<4x250x64xf32, #tpu.memory_space<vmem>> -> memref<1x250x64xf32, #tpu.memory_space<vmem>>
      %dma_start3A_199 = tpu.memref_squeeze %dma_start3A_198 : memref<1x250x64xf32, #tpu.memory_space<vmem>> -> memref<250x64xf32, #tpu.memory_space<vmem>>
      %dma_start3A_200 = arith.constant 0 : i32
      %dma_start3A_201 = tpu.memref_slice %arg6[%add3A_194, %dma_start3A_200] : memref<40x250xi32, #tpu.memory_space<vmem>> -> memref<1x250xi32, #tpu.memory_space<vmem>>
      %dma_start3A_202 = tpu.memref_squeeze %dma_start3A_201 : memref<1x250xi32, #tpu.memory_space<vmem>> -> memref<250xi32, #tpu.memory_space<vmem>>
      %dma_start3A_203 = arith.constant 0 : i32
      %dma_start3A_204 = arith.constant 0 : i32
      %dma_start3A_205 = tpu.memref_slice %arg8[%dma_start3A_203, %dma_start3A_204] : memref<10000x64xf32, #tpu.memory_space<vmem_shared>> -> memref<10000x64xf32, #tpu.memory_space<vmem_shared>>
      tpu.enqueue_indirect_dma source(%dma_start3A_199 : memref<250x64xf32, #tpu.memory_space<vmem>>) target(%dma_start3A_205 : memref<10000x64xf32, #tpu.memory_space<vmem_shared>>) offsets(%dma_start3A_202 : memref<250xi32, #tpu.memory_space<vmem>>) semaphore(%arg11 : memref<!tpu.dma_semaphore, #tpu.memory_space<semaphore_mem>>) {add = true}
      %mul3A_206 = arith.constant 2 : i32
      %mul3A_207 = arith.muli %add3A_44, %mul3A_206 : i32
      %add3A_208 = arith.constant 1 : i32
      %add3A_209 = arith.addi %mul3A_207, %add3A_208 : i32
      %dma_start3A_210 = arith.constant 3 : i32
      %dma_start3A_211 = arith.constant 0 : i32
      %dma_start3A_212 = arith.constant 0 : i32
      %dma_start3A_213 = tpu.memref_slice %arg7[%dma_start3A_210, %dma_start3A_211, %dma_start3A_212] : memref<4x250x64xf32, #tpu.memory_space<vmem>> -> memref<1x250x64xf32, #tpu.memory_space<vmem>>
      %dma_start3A_214 = tpu.memref_squeeze %dma_start3A_213 : memref<1x250x64xf32, #tpu.memory_space<vmem>> -> memref<250x64xf32, #tpu.memory_space<vmem>>
      %dma_start3A_215 = arith.constant 0 : i32
      %dma_start3A_216 = tpu.memref_slice %arg6[%add3A_209, %dma_start3A_215] : memref<40x250xi32, #tpu.memory_space<vmem>> -> memref<1x250xi32, #tpu.memory_space<vmem>>
      %dma_start3A_217 = tpu.memref_squeeze %dma_start3A_216 : memref<1x250xi32, #tpu.memory_space<vmem>> -> memref<250xi32, #tpu.memory_space<vmem>>
      %dma_start3A_218 = arith.constant 0 : i32
      %dma_start3A_219 = arith.constant 0 : i32
      %dma_start3A_220 = tpu.memref_slice %arg8[%dma_start3A_218, %dma_start3A_219] : memref<10000x64xf32, #tpu.memory_space<vmem_shared>> -> memref<10000x64xf32, #tpu.memory_space<vmem_shared>>
      tpu.enqueue_indirect_dma source(%dma_start3A_214 : memref<250x64xf32, #tpu.memory_space<vmem>>) target(%dma_start3A_220 : memref<10000x64xf32, #tpu.memory_space<vmem_shared>>) offsets(%dma_start3A_217 : memref<250xi32, #tpu.memory_space<vmem>>) semaphore(%arg11 : memref<!tpu.dma_semaphore, #tpu.memory_space<semaphore_mem>>) {add = true}
      %dma_wait3A_221 = arith.constant 2 : i32
      %dma_wait3A_222 = arith.constant 0 : i32
      %dma_wait3A_223 = arith.constant 0 : i32
      %dma_wait3A_224 = tpu.memref_slice %arg7[%dma_wait3A_221, %dma_wait3A_222, %dma_wait3A_223] : memref<4x250x64xf32, #tpu.memory_space<vmem>> -> memref<1x250x64xf32, #tpu.memory_space<vmem>>
      %dma_wait3A_225 = tpu.memref_squeeze %dma_wait3A_224 : memref<1x250x64xf32, #tpu.memory_space<vmem>> -> memref<250x64xf32, #tpu.memory_space<vmem>>
      %dma_wait3A_226 = arith.constant 0 : i32
      %dma_wait3A_227 = tpu.memref_slice %arg6[%add3A_194, %dma_wait3A_226] : memref<40x250xi32, #tpu.memory_space<vmem>> -> memref<1x250xi32, #tpu.memory_space<vmem>>
      %dma_wait3A_228 = tpu.memref_squeeze %dma_wait3A_227 : memref<1x250xi32, #tpu.memory_space<vmem>> -> memref<250xi32, #tpu.memory_space<vmem>>
      %dma_wait3A_229 = arith.constant 0 : i32
      %dma_wait3A_230 = arith.constant 0 : i32
      %dma_wait3A_231 = tpu.memref_slice %arg8[%dma_wait3A_229, %dma_wait3A_230] : memref<10000x64xf32, #tpu.memory_space<vmem_shared>> -> memref<10000x64xf32, #tpu.memory_space<vmem_shared>>
      tpu.wait_indirect_dma semaphore(%arg11 : memref<!tpu.dma_semaphore, #tpu.memory_space<semaphore_mem>>) src(%dma_wait3A_225 : memref<250x64xf32, #tpu.memory_space<vmem>>) dst(%dma_wait3A_231 : memref<10000x64xf32, #tpu.memory_space<vmem_shared>>)
      %dma_wait3A_232 = arith.constant 3 : i32
      %dma_wait3A_233 = arith.constant 0 : i32
      %dma_wait3A_234 = arith.constant 0 : i32
      %dma_wait3A_235 = tpu.memref_slice %arg7[%dma_wait3A_232, %dma_wait3A_233, %dma_wait3A_234] : memref<4x250x64xf32, #tpu.memory_space<vmem>> -> memref<1x250x64xf32, #tpu.memory_space<vmem>>
      %dma_wait3A_236 = tpu.memref_squeeze %dma_wait3A_235 : memref<1x250x64xf32, #tpu.memory_space<vmem>> -> memref<250x64xf32, #tpu.memory_space<vmem>>
      %dma_wait3A_237 = arith.constant 0 : i32
      %dma_wait3A_238 = tpu.memref_slice %arg6[%add3A_209, %dma_wait3A_237] : memref<40x250xi32, #tpu.memory_space<vmem>> -> memref<1x250xi32, #tpu.memory_space<vmem>>
      %dma_wait3A_239 = tpu.memref_squeeze %dma_wait3A_238 : memref<1x250xi32, #tpu.memory_space<vmem>> -> memref<250xi32, #tpu.memory_space<vmem>>
      %dma_wait3A_240 = arith.constant 0 : i32
      %dma_wait3A_241 = arith.constant 0 : i32
      %dma_wait3A_242 = tpu.memref_slice %arg8[%dma_wait3A_240, %dma_wait3A_241] : memref<10000x64xf32, #tpu.memory_space<vmem_shared>> -> memref<10000x64xf32, #tpu.memory_space<vmem_shared>>
      tpu.wait_indirect_dma semaphore(%arg11 : memref<!tpu.dma_semaphore, #tpu.memory_space<semaphore_mem>>) src(%dma_wait3A_236 : memref<250x64xf32, #tpu.memory_space<vmem>>) dst(%dma_wait3A_242 : memref<10000x64xf32, #tpu.memory_space<vmem_shared>>)
    }
    %scan3A_31 = arith.constant 10 : i32
    %barrier3A_32 = arith.constant 0 : index
    tpu.barrier barrier_id(%barrier3A_32)
    %lt3A_33 = arith.constant 10 : i32
    %lt3A_34 = arith.cmpi slt, %arg1, %lt3A_33 : i32
    %convert_element_type3A_35 = arith.extui %lt3A_34 : i1 to i32
    %cond3A_36 = arith.constant 0 : i32
    %cond3A_37 = arith.cmpi ne, %convert_element_type3A_35, %cond3A_36 : i32
    scf.if %cond3A_37 {
      %mul3A_38 = arith.constant 1000 : i32
      %mul3A_39 = arith.muli %arg1, %mul3A_38 : i32
      %mul3A_40 = arith.constant 1000 : i32
      %mul3A_41 = arith.muli %arg1, %mul3A_40 : i32
      "tpu.region"() ({
        %run_scoped3A_42 = tpu.sem_alloc : memref<!tpu.dma_semaphore, #tpu.memory_space<semaphore_mem>>
        %dma_start3A_43 = arith.constant 0 : i32
        %dma_start3A_44 = tpu.memref_slice %arg4[%arg0, %mul3A_41, %dma_start3A_43] : memref<2x10000x64xf32, #tpu.memory_space<hbm>> -> memref<1x1000x64xf32, #tpu.memory_space<hbm>>
        %dma_start3A_45 = tpu.memref_squeeze %dma_start3A_44 : memref<1x1000x64xf32, #tpu.memory_space<hbm>> -> memref<1000x64xf32, #tpu.memory_space<hbm>>
        %dma_start3A_46 = arith.constant 0 : i32
        %dma_start3A_47 = tpu.memref_slice %arg8[%mul3A_39, %dma_start3A_46] : memref<10000x64xf32, #tpu.memory_space<vmem_shared>> -> memref<1000x64xf32, #tpu.memory_space<vmem_shared>>
        tpu.enqueue_dma source(%dma_start3A_47 : memref<1000x64xf32, #tpu.memory_space<vmem_shared>>) target(%dma_start3A_45 : memref<1000x64xf32, #tpu.memory_space<hbm>>) target_semaphore(%run_scoped3A_42 : memref<!tpu.dma_semaphore, #tpu.memory_space<semaphore_mem>>)
        %dma_wait3A = arith.constant 0 : i32
        %dma_wait3A_48 = tpu.memref_slice %arg4[%arg0, %mul3A_41, %dma_wait3A] : memref<2x10000x64xf32, #tpu.memory_space<hbm>> -> memref<1x1000x64xf32, #tpu.memory_space<hbm>>
        %dma_wait3A_49 = tpu.memref_squeeze %dma_wait3A_48 : memref<1x1000x64xf32, #tpu.memory_space<hbm>> -> memref<1000x64xf32, #tpu.memory_space<hbm>>
        %dma_wait3A_50 = arith.constant 0 : i32
        %dma_wait3A_51 = tpu.memref_slice %arg8[%mul3A_39, %dma_wait3A_50] : memref<10000x64xf32, #tpu.memory_space<vmem_shared>> -> memref<1000x64xf32, #tpu.memory_space<vmem_shared>>
        tpu.wait_dma2 semaphore(%run_scoped3A_42 : memref<!tpu.dma_semaphore, #tpu.memory_space<semaphore_mem>>) src(%dma_wait3A_51 : memref<1000x64xf32, #tpu.memory_space<vmem_shared>>) dst(%dma_wait3A_49 : memref<1000x64xf32, #tpu.memory_space<hbm>>)
        tpu.yield
      }) : () -> ()
    } else {
    }
    return
  }
}

module attributes {stable_mosaic.version = 14 : i64} {
  func.func @_mlp_body(%arg0: i32, %arg1: memref<5000x256xf32, #tpu.memory_space<vmem>>, %arg2: memref<128x128xf32, #tpu.memory_space<vmem>>, %arg3: memref<128x128xf32, #tpu.memory_space<vmem>>, %arg4: memref<1x128xf32, #tpu.memory_space<vmem>>, %arg5: memref<128x128xf32, #tpu.memory_space<vmem>>, %arg6: memref<1x128xf32, #tpu.memory_space<vmem>>, %arg7: memref<2x5000x16xf32, #tpu.memory_space<vmem>>, %arg8: memref<16x128xf32, #tpu.memory_space<vmem>>, %arg9: memref<5000x128xf32, #tpu.memory_space<vmem>>, %arg10: memref<5000x128xf32, #tpu.memory_space<vmem>>, %arg11: memref<5000x128xf32, #tpu.memory_space<vmem>>) attributes {dimension_semantics = [#tpu.dimension_semantics<arbitrary>], iteration_bounds = array<i64: 1>, scalar_prefetch = 0 : i64, scratch_operands = 0 : i64, tpu.core_type = #tpu.core_type<tc>, window_params = [{transform_indices = @transform_0, window_bounds = array<i64: 5000, 256>}, {pipeline_mode = #tpu.pipeline_mode<synchronous>, transform_indices = @transform_1, window_bounds = array<i64: 128, 128>}, {pipeline_mode = #tpu.pipeline_mode<synchronous>, transform_indices = @transform_2, window_bounds = array<i64: 128, 128>}, {pipeline_mode = #tpu.pipeline_mode<synchronous>, transform_indices = @transform_3, window_bounds = array<i64: 1, 128>}, {pipeline_mode = #tpu.pipeline_mode<synchronous>, transform_indices = @transform_4, window_bounds = array<i64: 128, 128>}, {pipeline_mode = #tpu.pipeline_mode<synchronous>, transform_indices = @transform_5, window_bounds = array<i64: 1, 128>}, {transform_indices = @transform_6, window_bounds = array<i64: 2, 5000, 16>}, {pipeline_mode = #tpu.pipeline_mode<synchronous>, transform_indices = @transform_7, window_bounds = array<i64: 16, 128>}, {transform_indices = @transform_8, window_bounds = array<i64: 5000, 128>}, {transform_indices = @transform_9, window_bounds = array<i64: 5000, 128>}, {transform_indices = @transform_10, window_bounds = array<i64: 5000, 128>}]} {
    %get3A = arith.constant 0 : index
    %get3A_0 = arith.constant 0 : index
    %get3A_1 = vector.load %arg1[%get3A, %get3A_0] : memref<5000x256xf32, #tpu.memory_space<vmem>>, vector<5000x256xf32>
    %slice3A = vector.extract_strided_slice %get3A_1 {offsets = [0, 0], sizes = [5000, 128], strides = [1, 1]} : vector<5000x256xf32> to vector<5000x128xf32>
    %slice3A_2 = vector.extract_strided_slice %get3A_1 {offsets = [0, 128], sizes = [5000, 128], strides = [1, 1]} : vector<5000x256xf32> to vector<5000x128xf32>
    %get3A_3 = arith.constant 0 : index
    %get3A_4 = arith.constant 0 : index
    %get3A_5 = vector.load %arg2[%get3A_3, %get3A_4] : memref<128x128xf32, #tpu.memory_space<vmem>>, vector<128x128xf32>
    %dot_general3A = arith.constant dense<0.000000e+00> : vector<5000x128xf32>
    %dot_general3A_6 = tpu.matmul %slice3A, %get3A_5, %dot_general3A {dimension_numbers = #tpu.dot_dimension_numbers<[1], [0], [0], [1], [0, 0, 1, 1], [], []>, transpose_lhs_hint = false} : vector<5000x128xf32>, vector<128x128xf32>, vector<5000x128xf32> -> vector<5000x128xf32>
    %get3A_7 = arith.constant 0 : index
    %get3A_8 = arith.constant 0 : index
    %get3A_9 = vector.load %arg3[%get3A_7, %get3A_8] : memref<128x128xf32, #tpu.memory_space<vmem>>, vector<128x128xf32>
    %dot_general3A_10 = arith.constant dense<0.000000e+00> : vector<5000x128xf32>
    %dot_general3A_11 = tpu.matmul %slice3A_2, %get3A_9, %dot_general3A_10 {dimension_numbers = #tpu.dot_dimension_numbers<[1], [0], [0], [1], [0, 0, 1, 1], [], []>, transpose_lhs_hint = false} : vector<5000x128xf32>, vector<128x128xf32>, vector<5000x128xf32> -> vector<5000x128xf32>
    %add3A = arith.addf %dot_general3A_6, %dot_general3A_11 : vector<5000x128xf32>
    %get3A_12 = arith.constant 0 : index
    %get3A_13 = arith.constant 0 : index
    %get3A_14 = vector.load %arg4[%get3A_12, %get3A_13] : memref<1x128xf32, #tpu.memory_space<vmem>>, vector<1x128xf32>
    %add3A_15 = vector.broadcast %get3A_14 : vector<1x128xf32> to vector<5000x128xf32>
    %add3A_16 = arith.addf %add3A, %add3A_15 : vector<5000x128xf32>
    %max3A = arith.constant 0.000000e+00 : f32
    %max3A_17 = vector.broadcast %max3A : f32 to vector<5000x128xf32>
    %max3A_18 = arith.maximumf %add3A_16, %max3A_17 : vector<5000x128xf32>
    %get3A_19 = arith.constant 0 : index
    %get3A_20 = arith.constant 0 : index
    %get3A_21 = vector.load %arg5[%get3A_19, %get3A_20] : memref<128x128xf32, #tpu.memory_space<vmem>>, vector<128x128xf32>
    %dot_general3A_22 = arith.constant dense<0.000000e+00> : vector<5000x128xf32>
    %dot_general3A_23 = tpu.matmul %max3A_18, %get3A_21, %dot_general3A_22 {dimension_numbers = #tpu.dot_dimension_numbers<[1], [0], [0], [1], [0, 0, 1, 1], [], []>, transpose_lhs_hint = false} : vector<5000x128xf32>, vector<128x128xf32>, vector<5000x128xf32> -> vector<5000x128xf32>
    %get3A_24 = arith.constant 0 : index
    %get3A_25 = arith.constant 0 : index
    %get3A_26 = vector.load %arg6[%get3A_24, %get3A_25] : memref<1x128xf32, #tpu.memory_space<vmem>>, vector<1x128xf32>
    %add3A_27 = vector.broadcast %get3A_26 : vector<1x128xf32> to vector<5000x128xf32>
    %add3A_28 = arith.addf %dot_general3A_23, %add3A_27 : vector<5000x128xf32>
    %get3A_29 = arith.constant 0 : index
    %get3A_30 = arith.constant 0 : index
    %get3A_31 = arith.constant 0 : index
    %get3A_32 = vector.load %arg7[%get3A_29, %get3A_30, %get3A_31] : memref<2x5000x16xf32, #tpu.memory_space<vmem>>, vector<2x5000x16xf32>
    %slice3A_33 = vector.extract_strided_slice %get3A_32 {offsets = [0, 0, 0], sizes = [1, 5000, 16], strides = [1, 1, 1]} : vector<2x5000x16xf32> to vector<1x5000x16xf32>
    %squeeze3A = vector.shape_cast %slice3A_33 : vector<1x5000x16xf32> to vector<5000x16xf32>
    %slice3A_34 = vector.extract_strided_slice %get3A_32 {offsets = [1, 0, 0], sizes = [1, 5000, 16], strides = [1, 1, 1]} : vector<2x5000x16xf32> to vector<1x5000x16xf32>
    %squeeze3A_35 = vector.shape_cast %slice3A_34 : vector<1x5000x16xf32> to vector<5000x16xf32>
    %add3A_36 = arith.addf %squeeze3A, %squeeze3A_35 : vector<5000x16xf32>
    %get3A_37 = arith.constant 0 : index
    %get3A_38 = arith.constant 0 : index
    %get3A_39 = vector.load %arg8[%get3A_37, %get3A_38] : memref<16x128xf32, #tpu.memory_space<vmem>>, vector<16x128xf32>
    %dot_general3A_40 = arith.constant dense<0.000000e+00> : vector<5000x128xf32>
    %dot_general3A_41 = tpu.matmul %add3A_36, %get3A_39, %dot_general3A_40 {dimension_numbers = #tpu.dot_dimension_numbers<[1], [0], [0], [1], [0, 0, 1, 1], [], []>, transpose_lhs_hint = false} : vector<5000x16xf32>, vector<16x128xf32>, vector<5000x128xf32> -> vector<5000x128xf32>
    %add3A_42 = arith.constant 1.000000e+00 : f32
    %add3A_43 = vector.broadcast %add3A_42 : f32 to vector<5000x128xf32>
    %add3A_44 = arith.addf %dot_general3A_41, %add3A_43 : vector<5000x128xf32>
    %rsqrt3A = math.rsqrt %add3A_44 : vector<5000x128xf32>
    %swap3A = arith.constant 0 : index
    %swap3A_45 = arith.constant 0 : index
    %swap3A_46 = vector.load %arg9[%swap3A, %swap3A_45] : memref<5000x128xf32, #tpu.memory_space<vmem>>, vector<5000x128xf32>
    tpu.vector_store %arg9[%swap3A, %swap3A_45], %add3A_28 {strides = array<i32>} : memref<5000x128xf32, #tpu.memory_space<vmem>>, vector<5000x128xf32>,
    %mul3A = arith.mulf %add3A_28, %rsqrt3A : vector<5000x128xf32>
    %swap3A_47 = arith.constant 0 : index
    %swap3A_48 = arith.constant 0 : index
    %swap3A_49 = vector.load %arg10[%swap3A_47, %swap3A_48] : memref<5000x128xf32, #tpu.memory_space<vmem>>, vector<5000x128xf32>
    tpu.vector_store %arg10[%swap3A_47, %swap3A_48], %mul3A {strides = array<i32>} : memref<5000x128xf32, #tpu.memory_space<vmem>>, vector<5000x128xf32>,
    %swap3A_50 = arith.constant 0 : index
    %swap3A_51 = arith.constant 0 : index
    %swap3A_52 = vector.load %arg11[%swap3A_50, %swap3A_51] : memref<5000x128xf32, #tpu.memory_space<vmem>>, vector<5000x128xf32>
    tpu.vector_store %arg11[%swap3A_50, %swap3A_51], %rsqrt3A {strides = array<i32>} : memref<5000x128xf32, #tpu.memory_space<vmem>>, vector<5000x128xf32>,
    return
  }
  func.func @transform_0(%arg0: i32) -> (i32, i32) {
    %c0_i32 = arith.constant 0 : i32
    %c0_i32_0 = arith.constant 0 : i32
    return %arg0, %c0_i32 : i32, i32
  }
  func.func @transform_1(%arg0: i32) -> (i32, i32) {
    %c0_i32 = arith.constant 0 : i32
    %c0_i32_0 = arith.constant 0 : i32
    %c0_i32_1 = arith.constant 0 : i32
    return %c0_i32, %c0_i32_0 : i32, i32
  }
  func.func @transform_2(%arg0: i32) -> (i32, i32) {
    %c0_i32 = arith.constant 0 : i32
    %c0_i32_0 = arith.constant 0 : i32
    %c0_i32_1 = arith.constant 0 : i32
    return %c0_i32, %c0_i32_0 : i32, i32
  }
  func.func @transform_3(%arg0: i32) -> (i32, i32) {
    %c0_i32 = arith.constant 0 : i32
    %c0_i32_0 = arith.constant 0 : i32
    %c0_i32_1 = arith.constant 0 : i32
    return %c0_i32, %c0_i32_0 : i32, i32
  }
  func.func @transform_4(%arg0: i32) -> (i32, i32) {
    %c0_i32 = arith.constant 0 : i32
    %c0_i32_0 = arith.constant 0 : i32
    %c0_i32_1 = arith.constant 0 : i32
    return %c0_i32, %c0_i32_0 : i32, i32
  }
  func.func @transform_5(%arg0: i32) -> (i32, i32) {
    %c0_i32 = arith.constant 0 : i32
    %c0_i32_0 = arith.constant 0 : i32
    %c0_i32_1 = arith.constant 0 : i32
    return %c0_i32, %c0_i32_0 : i32, i32
  }
  func.func @transform_6(%arg0: i32) -> (i32, i32, i32) {
    %c0_i32 = arith.constant 0 : i32
    %c0_i32_0 = arith.constant 0 : i32
    %c0_i32_1 = arith.constant 0 : i32
    return %c0_i32, %arg0, %c0_i32_0 : i32, i32, i32
  }
  func.func @transform_7(%arg0: i32) -> (i32, i32) {
    %c0_i32 = arith.constant 0 : i32
    %c0_i32_0 = arith.constant 0 : i32
    %c0_i32_1 = arith.constant 0 : i32
    return %c0_i32, %c0_i32_0 : i32, i32
  }
  func.func @transform_8(%arg0: i32) -> (i32, i32) {
    %c0_i32 = arith.constant 0 : i32
    %c0_i32_0 = arith.constant 0 : i32
    return %arg0, %c0_i32 : i32, i32
  }
  func.func @transform_9(%arg0: i32) -> (i32, i32) {
    %c0_i32 = arith.constant 0 : i32
    %c0_i32_0 = arith.constant 0 : i32
    return %arg0, %c0_i32 : i32, i32
  }
  func.func @transform_10(%arg0: i32) -> (i32, i32) {
    %c0_i32 = arith.constant 0 : i32
    %c0_i32_0 = arith.constant 0 : i32
    return %arg0, %c0_i32 : i32, i32
  }
}

module attributes {stable_mosaic.version = 14 : i64} {
  func.func @_blend_body(%arg0: memref<2x5000x128xf32, #tpu.memory_space<vmem>>, %arg1: memref<5000x128xf32, #tpu.memory_space<vmem>>, %arg2: memref<5000x128xf32, #tpu.memory_space<vmem>>, %arg3: memref<5000x128xf32, #tpu.memory_space<vmem>>, %arg4: memref<5000x128xf32, #tpu.memory_space<vmem>>) attributes {dimension_semantics = [], scalar_prefetch = 0 : i64, scratch_operands = 0 : i64, tpu.core_type = #tpu.core_type<tc>} {
    %get3A = arith.constant 0 : index
    %get3A_0 = arith.constant 0 : index
    %get3A_1 = arith.constant 0 : index
    %get3A_2 = vector.load %arg0[%get3A, %get3A_0, %get3A_1] : memref<2x5000x128xf32, #tpu.memory_space<vmem>>, vector<2x5000x128xf32>
    %slice3A = vector.extract_strided_slice %get3A_2 {offsets = [0, 0, 0], sizes = [1, 5000, 128], strides = [1, 1, 1]} : vector<2x5000x128xf32> to vector<1x5000x128xf32>
    %squeeze3A = vector.shape_cast %slice3A : vector<1x5000x128xf32> to vector<5000x128xf32>
    %slice3A_3 = vector.extract_strided_slice %get3A_2 {offsets = [1, 0, 0], sizes = [1, 5000, 128], strides = [1, 1, 1]} : vector<2x5000x128xf32> to vector<1x5000x128xf32>
    %squeeze3A_4 = vector.shape_cast %slice3A_3 : vector<1x5000x128xf32> to vector<5000x128xf32>
    %add3A = arith.addf %squeeze3A, %squeeze3A_4 : vector<5000x128xf32>
    %get3A_5 = arith.constant 0 : index
    %get3A_6 = arith.constant 0 : index
    %get3A_7 = vector.load %arg1[%get3A_5, %get3A_6] : memref<5000x128xf32, #tpu.memory_space<vmem>>, vector<5000x128xf32>
    %sub3A = arith.subf %add3A, %get3A_7 : vector<5000x128xf32>
    %get3A_8 = arith.constant 0 : index
    %get3A_9 = arith.constant 0 : index
    %get3A_10 = vector.load %arg3[%get3A_8, %get3A_9] : memref<5000x128xf32, #tpu.memory_space<vmem>>, vector<5000x128xf32>
    %mul3A = arith.mulf %get3A_10, %sub3A : vector<5000x128xf32>
    %mul3A_11 = arith.constant 0.899999976 : f32
    %mul3A_12 = vector.broadcast %mul3A_11 : f32 to vector<5000x128xf32>
    %mul3A_13 = arith.mulf %mul3A_12, %mul3A : vector<5000x128xf32>
    %get3A_14 = arith.constant 0 : index
    %get3A_15 = arith.constant 0 : index
    %get3A_16 = vector.load %arg2[%get3A_14, %get3A_15] : memref<5000x128xf32, #tpu.memory_space<vmem>>, vector<5000x128xf32>
    %mul3A_17 = arith.constant 1.000000e-01 : f32
    %mul3A_18 = vector.broadcast %mul3A_17 : f32 to vector<5000x128xf32>
    %mul3A_19 = arith.mulf %mul3A_18, %get3A_16 : vector<5000x128xf32>
    %add3A_20 = arith.addf %mul3A_13, %mul3A_19 : vector<5000x128xf32>
    %mul3A_21 = arith.mulf %get3A_10, %add3A_20 : vector<5000x128xf32>
    %swap3A = arith.constant 0 : index
    %swap3A_22 = arith.constant 0 : index
    %swap3A_23 = vector.load %arg4[%swap3A, %swap3A_22] : memref<5000x128xf32, #tpu.memory_space<vmem>>, vector<5000x128xf32>
    tpu.vector_store %arg4[%swap3A, %swap3A_22], %mul3A_21 {strides = array<i32>} : memref<5000x128xf32, #tpu.memory_space<vmem>>, vector<5000x128xf32>,
    return
  }
}

module attributes {stable_mosaic.version = 14 : i64} {
  func.func @_final_body(%arg0: memref<2x5000x128xf32, #tpu.memory_space<vmem>>, %arg1: memref<5000x128xf32, #tpu.memory_space<vmem>>, %arg2: memref<5000x128xf32, #tpu.memory_space<vmem>>, %arg3: memref<5000x128xf32, #tpu.memory_space<vmem>>, %arg4: memref<1x5000xi32, #tpu.memory_space<vmem>>, %arg5: memref<1x5000xi32, #tpu.memory_space<vmem>>, %arg6: memref<10x64xf32, #tpu.memory_space<vmem>>, %arg7: memref<1x10xf32, #tpu.memory_space<vmem>>, %arg8: memref<64x10xf32, #tpu.memory_space<vmem>>) attributes {dimension_semantics = [], scalar_prefetch = 0 : i64, scratch_operands = 0 : i64, tpu.core_type = #tpu.core_type<tc>} {
    %get3A = arith.constant 0 : index
    %get3A_0 = arith.constant 0 : index
    %get3A_1 = arith.constant 0 : index
    %get3A_2 = vector.load %arg0[%get3A, %get3A_0, %get3A_1] : memref<2x5000x128xf32, #tpu.memory_space<vmem>>, vector<2x5000x128xf32>
    %slice3A = vector.extract_strided_slice %get3A_2 {offsets = [0, 0, 0], sizes = [1, 5000, 128], strides = [1, 1, 1]} : vector<2x5000x128xf32> to vector<1x5000x128xf32>
    %squeeze3A = vector.shape_cast %slice3A : vector<1x5000x128xf32> to vector<5000x128xf32>
    %slice3A_3 = vector.extract_strided_slice %get3A_2 {offsets = [1, 0, 0], sizes = [1, 5000, 128], strides = [1, 1, 1]} : vector<2x5000x128xf32> to vector<1x5000x128xf32>
    %squeeze3A_4 = vector.shape_cast %slice3A_3 : vector<1x5000x128xf32> to vector<5000x128xf32>
    %add3A = arith.addf %squeeze3A, %squeeze3A_4 : vector<5000x128xf32>
    %get3A_5 = arith.constant 0 : index
    %get3A_6 = arith.constant 0 : index
    %get3A_7 = vector.load %arg1[%get3A_5, %get3A_6] : memref<5000x128xf32, #tpu.memory_space<vmem>>, vector<5000x128xf32>
    %sub3A = arith.subf %add3A, %get3A_7 : vector<5000x128xf32>
    %get3A_8 = arith.constant 0 : index
    %get3A_9 = arith.constant 0 : index
    %get3A_10 = vector.load %arg3[%get3A_8, %get3A_9] : memref<5000x128xf32, #tpu.memory_space<vmem>>, vector<5000x128xf32>
    %mul3A = arith.mulf %get3A_10, %sub3A : vector<5000x128xf32>
    %mul3A_11 = arith.constant 0.899999976 : f32
    %mul3A_12 = vector.broadcast %mul3A_11 : f32 to vector<5000x128xf32>
    %mul3A_13 = arith.mulf %mul3A_12, %mul3A : vector<5000x128xf32>
    %get3A_14 = arith.constant 0 : index
    %get3A_15 = arith.constant 0 : index
    %get3A_16 = vector.load %arg2[%get3A_14, %get3A_15] : memref<5000x128xf32, #tpu.memory_space<vmem>>, vector<5000x128xf32>
    %mul3A_17 = arith.constant 1.000000e-01 : f32
    %mul3A_18 = vector.broadcast %mul3A_17 : f32 to vector<5000x128xf32>
    %mul3A_19 = arith.mulf %mul3A_18, %get3A_16 : vector<5000x128xf32>
    %add3A_20 = arith.addf %mul3A_13, %mul3A_19 : vector<5000x128xf32>
    %slice3A_21 = vector.extract_strided_slice %add3A_20 {offsets = [0, 0], sizes = [5000, 64], strides = [1, 1]} : vector<5000x128xf32> to vector<5000x64xf32>
    %slice3A_22 = vector.extract_strided_slice %add3A_20 {offsets = [0, 64], sizes = [5000, 64], strides = [1, 1]} : vector<5000x128xf32> to vector<5000x64xf32>
    %iota3A = tpu.iota {dimensions = array<i32: 0>} : vector<64x1xi32>
    %get3A_23 = arith.constant 0 : index
    %get3A_24 = arith.constant 0 : index
    %get3A_25 = vector.load %arg4[%get3A_23, %get3A_24] : memref<1x5000xi32, #tpu.memory_space<vmem>>, vector<1x5000xi32>
    %eq3A = vector.broadcast %get3A_25 : vector<1x5000xi32> to vector<64x5000xi32>
    %eq3A_26 = vector.broadcast %iota3A : vector<64x1xi32> to vector<64x5000xi32>
    %eq3A_27 = arith.cmpi eq, %eq3A, %eq3A_26 : vector<64x5000xi32>
    %convert_element_type3A = arith.extui %eq3A_27 : vector<64x5000xi1> to vector<64x5000xi32>
    %convert_element_type3A_28 = arith.sitofp %convert_element_type3A : vector<64x5000xi32> to vector<64x5000xf32>
    %get3A_29 = arith.constant 0 : index
    %get3A_30 = arith.constant 0 : index
    %get3A_31 = vector.load %arg5[%get3A_29, %get3A_30] : memref<1x5000xi32, #tpu.memory_space<vmem>>, vector<1x5000xi32>
    %eq3A_32 = vector.broadcast %get3A_31 : vector<1x5000xi32> to vector<64x5000xi32>
    %eq3A_33 = vector.broadcast %iota3A : vector<64x1xi32> to vector<64x5000xi32>
    %eq3A_34 = arith.cmpi eq, %eq3A_32, %eq3A_33 : vector<64x5000xi32>
    %convert_element_type3A_35 = arith.extui %eq3A_34 : vector<64x5000xi1> to vector<64x5000xi32>
    %convert_element_type3A_36 = arith.sitofp %convert_element_type3A_35 : vector<64x5000xi32> to vector<64x5000xf32>
    %dot_general3A = arith.constant dense<0.000000e+00> : vector<64x64xf32>
    %dot_general3A_37 = tpu.matmul %convert_element_type3A_28, %slice3A_21, %dot_general3A {dimension_numbers = #tpu.dot_dimension_numbers<[1], [0], [0], [1], [0, 0, 1, 1], [], []>, transpose_lhs_hint = false} : vector<64x5000xf32>, vector<5000x64xf32>, vector<64x64xf32> -> vector<64x64xf32>
    %dot_general3A_38 = arith.constant dense<0.000000e+00> : vector<64x64xf32>
    %dot_general3A_39 = tpu.matmul %convert_element_type3A_36, %slice3A_22, %dot_general3A_38 {dimension_numbers = #tpu.dot_dimension_numbers<[1], [0], [0], [1], [0, 0, 1, 1], [], []>, transpose_lhs_hint = false} : vector<64x5000xf32>, vector<5000x64xf32>, vector<64x64xf32> -> vector<64x64xf32>
    %add3A_40 = arith.addf %dot_general3A_37, %dot_general3A_39 : vector<64x64xf32>
    %broadcast_in_dim3A = arith.constant 1.000000e+00 : f32
    %broadcast_in_dim3A_41 = vector.broadcast %broadcast_in_dim3A : f32 to vector<5000x1xf32>
    %dot_general3A_42 = arith.constant dense<0.000000e+00> : vector<64x1xf32>
    %dot_general3A_43 = tpu.matmul %convert_element_type3A_28, %broadcast_in_dim3A_41, %dot_general3A_42 {dimension_numbers = #tpu.dot_dimension_numbers<[1], [0], [0], [1], [0, 0, 1, 1], [], []>, transpose_lhs_hint = false} : vector<64x5000xf32>, vector<5000x1xf32>, vector<64x1xf32> -> vector<64x1xf32>
    %dot_general3A_44 = arith.constant dense<0.000000e+00> : vector<64x1xf32>
    %dot_general3A_45 = tpu.matmul %convert_element_type3A_36, %broadcast_in_dim3A_41, %dot_general3A_44 {dimension_numbers = #tpu.dot_dimension_numbers<[1], [0], [0], [1], [0, 0, 1, 1], [], []>, transpose_lhs_hint = false} : vector<64x5000xf32>, vector<5000x1xf32>, vector<64x1xf32> -> vector<64x1xf32>
    %add3A_46 = arith.addf %dot_general3A_43, %dot_general3A_45 : vector<64x1xf32>
    %max3A = arith.constant 1.000000e+00 : f32
    %max3A_47 = vector.broadcast %max3A : f32 to vector<64x1xf32>
    %max3A_48 = arith.maximumf %add3A_46, %max3A_47 : vector<64x1xf32>
    %div3A = vector.broadcast %max3A_48 : vector<64x1xf32> to vector<64x64xf32>
    %div3A_49 = arith.divf %add3A_40, %div3A : vector<64x64xf32>
    %get3A_50 = arith.constant 0 : index
    %get3A_51 = arith.constant 0 : index
    %get3A_52 = vector.load %arg6[%get3A_50, %get3A_51] : memref<10x64xf32, #tpu.memory_space<vmem>>, vector<10x64xf32>
    %dot_general3A_53 = arith.constant dense<0.000000e+00> : vector<64x10xf32>
    %dot_general3A_54 = tpu.matmul %div3A_49, %get3A_52, %dot_general3A_53 {dimension_numbers = #tpu.dot_dimension_numbers<[1], [1], [0], [0], [0, 0, 1, 0], [], []>, transpose_lhs_hint = false} : vector<64x64xf32>, vector<10x64xf32>, vector<64x10xf32> -> vector<64x10xf32>
    %get3A_55 = arith.constant 0 : index
    %get3A_56 = arith.constant 0 : index
    %get3A_57 = vector.load %arg7[%get3A_55, %get3A_56] : memref<1x10xf32, #tpu.memory_space<vmem>>, vector<1x10xf32>
    %add3A_58 = vector.broadcast %get3A_57 : vector<1x10xf32> to vector<64x10xf32>
    %add3A_59 = arith.addf %dot_general3A_54, %add3A_58 : vector<64x10xf32>
    %swap3A = arith.constant 0 : index
    %swap3A_60 = arith.constant 0 : index
    %swap3A_61 = vector.load %arg8[%swap3A, %swap3A_60] : memref<64x10xf32, #tpu.memory_space<vmem>>, vector<64x10xf32>
    tpu.vector_store %arg8[%swap3A, %swap3A_60], %add3A_59 {strides = array<i32>} : memref<64x10xf32, #tpu.memory_space<vmem>>, vector<64x10xf32>,
    return
  }
}

</mosaic_0001>

<sc_bundles>
// kernel: kernel.11.cloned.1.call-start
scs
__scs_entry_jumppad:
0x0: {  	(pc) =	sbr.rel $0x88, $3  }
0x1: {  	(tag) =	ssettag $0x0;
	lr =	simm.s32 $0x1  }
0x2: {  	[smem:$0x3F98] =	sst lr;
	_ =	strace $0xD0000000  }
0x3: {  	_ = 	snop  }
0x4: {  	_ = 	snop  }
0x5: {  	_ = 	snop  }
0x6: {  	_ = 	snop  }
0x7: {  	_ = 	snop  }
__scs_overlays_trampoline_lowered:
0x8: {  	[smem:$0x3FA7] =	sst s0  }
0x9: {  	[smem:$0x3FA8] =	sst s1  }
0xa: {  	[smem:$0x3FA9] =	sst s2  }
0xb: {  	[smem:$0x3FAA] =	sst s3  }
0xc: {  	[smem:$0x3FAB] =	sst s4  }
0xd: {  	[smem:$0x3FAC] =	sst s5  }
0xe: {  	[smem:$0x3FAD] =	sst s6  }
0xf: {  	[smem:$0x3FAE] =	sst s7  }
0x10: {  	[smem:$0x3FAF] =	sst s8  }
0x11: {  	[smem:$0x3FB0] =	sst s9;
	s0 =	simm.s32 @!p0 $0x0  }
0x12: {  	s1 =	sld [smem:$0x3F96];
	s0 =	simm.s32 @p0 $0x1  }
0x13: {  	[smem:$0x3FB1] =	sst s0;
	s0 =	simm.s32 @!p1 $0x0  }
0x14: {  	s2 =	sld [smem:$0x3F95];
	s0 =	simm.s32 @p1 $0x1  }
0x15: {  	[smem:$0x3FB2] =	sst s0;
	s0 =	simm.s32 @!p2 $0x0  }
0x16: {  	s3 =	sld [smem:$0x3FDB];
	s0 =	simm.s32 @p2 $0x1  }
0x17: {  	s4 =	simm.s32 $0x1BF5;
	[smem:$0x3FB4] =	sst s0  }
0x18: {  	s0 =	sld [smem:$0x3F97];
	_ =	swait.ge [sflag:s4], $0x0  }
0x19: {  	s7 =	sld [smem:$0x3F98]  }
0x1a: {  	s8 =	sadd.s32 $0xFFFFE003, lr  }
0x1b: {  	s9 =	sadd.s32 $0xFFFFFEF7, lr;
	s5 =	simm.s32 $0xFFFFFFFF;
	p2 =	slt.u32 s8, $0xFFFFF086  }
0x1c: {  	p1 =	slt.u32 s9, $0xF7A;
	s5 =	simm.s32 @!p2 $0x0  }
0x1d: {  	s5 =	simm.s32 @p1 $0x1;
	p0 =	seq.s32 s7, s2  }
0x1e: {  	s7 =	smul.u32 @!p0 $0xF7A, s2;
	p2 =	seq.s32 @!p0 s5, $0x0  }
0x1f: {  	s9 =	smul.u32 $0xF7A, s1;
	s8 =	simm.s32 @!p0 $0x1BF5;
	p2 =	por !p2, p0  }
0x20: {  	[sflag:s8] =	ssyncset.s32 @!p0 $0xFFFFF086;
	s6 =	sadd.s32 @!p0 s3, s7;
	s7 =	simm.s32 @!p0 $0x108  }
0x21: {  	s3 =	sadd.s32 s3, s9;
	s6 =	sadd.s32 @!p0 $0x88, s6;
	s7 =	simm.s32 @p2 $0x1082  }
0x22: {  	[simem:s7], [sflag:s8] =	dma.local @!p0 [hbm:s6], $0xF7A  }
0x23: {  	s9 =	sor.u32 $0xD0000000, s2;
	s6 =	simm.s32 $0x108;
	_ =	swait.ge @!p0 [sflag:s8], $0x0  }
0x24: {  	s3 =	sadd.s32 $0x88, s3;
	s6 =	simm.s32 @!p1 $0x1082;
	[sflag:s4] =	ssyncset.s32 $0xFFFFF086  }
0x25: {  	[simem:s6], [sflag:s4] =	dma.local [hbm:s3], $0xF7A  }
0x26: {  	[smem:$0x3F98] =	sst s1;
	(tag) =	ssettag s2;
	_ =	strace s9  }
0x27: {  	s1 =	sld [smem:$0x3FA8]  }
0x28: {  	s2 =	sld [smem:$0x3FA9]  }
0x29: {  	s4 =	sld [smem:$0x3FAB]  }
0x2a: {  	p0 =	seq.s32 s5, $0x0;
	s5 =	sld [smem:$0x3FAC]  }
0x2b: {  	s6 =	sld [smem:$0x3FAD]  }
0x2c: {  	s7 =	sld [smem:$0x3FAE]  }
0x2d: {  	s3 =	simm.s32 $0x108;
	s8 =	sld [smem:$0x3FAF]  }
0x2e: {  	s3 =	simm.s32 @!p0 $0x1082;
	s9 =	sld [smem:$0x3FB0]  }
0x2f: {  	lr =	sadd.s32 s0, s3;
	s0 =	sld [smem:$0x3FA7]  }
0x30: {  	s3 =	sld [smem:$0x3FAA]  }
0x31: {  	[smem:$0x3FB3] =	sst s10  }
0x32: {  	s10 =	sld [smem:$0x3FB1];
	_ =	sdelay $0x3  }
0x33: {  	p0 =	seq.s32 s10, $0x1;
	s10 =	sld [smem:$0x3FB3];
	_ =	sdelay $0x3  }
0x34: {  	[smem:$0x3FB3] =	sst s10  }
0x35: {  	s10 =	sld [smem:$0x3FB2];
	_ =	sdelay $0x3  }
0x36: {  	p1 =	seq.s32 s10, $0x1;
	s10 =	sld [smem:$0x3FB3];
	_ =	sdelay $0x3  }
0x37: {  	[smem:$0x3FB3] =	sst s10  }
0x38: {  	s10 =	sld [smem:$0x3FB4]  }
0x39: {  	_ = 	snop;
	(pc) =	sbr.ind lr, $3  }
0x3a: {  	_ = 	snop  }
0x3b: {  	_ = 	snop  }
0x3c: {  	p2 =	seq.s32 s10, $0x1;
	s10 =	sld [smem:$0x3FB3]  }
0x3d: {  	_ =	shalt  }
0x3e: {  	_ =	shalt  }
0x3f: {  	_ =	shalt  }
0x40: {  	_ =	shalt  }
0x41: {  	_ =	shalt  }
0x42: {  	_ =	shalt  }
0x43: {  	_ =	shalt  }
0x44: {  	_ =	shalt  }
0x45: {  	_ =	shalt  }
0x46: {  	_ =	shalt  }
0x47: {  	_ =	shalt  }
0x48: {  	_ =	shalt  }
0x49: {  	_ =	shalt  }
0x4a: {  	_ =	shalt  }
0x4b: {  	_ =	shalt  }
0x4c: {  	_ =	shalt  }
0x4d: {  	_ =	shalt  }
0x4e: {  	_ =	shalt  }
0x4f: {  	_ =	shalt  }
0x50: {  	_ =	shalt  }
0x51: {  	_ =	shalt  }
0x52: {  	_ =	shalt  }
0x53: {  	_ =	shalt  }
0x54: {  	_ =	shalt  }
0x55: {  	_ =	shalt  }
0x56: {  	_ =	shalt  }
0x57: {  	_ =	shalt  }
0x58: {  	_ =	shalt  }
0x59: {  	_ =	shalt  }
0x5a: {  	_ =	shalt  }
0x5b: {  	_ =	shalt  }
0x5c: {  	_ =	shalt  }
0x5d: {  	_ =	shalt  }
0x5e: {  	_ =	shalt  }
0x5f: {  	_ =	shalt  }
0x60: {  	_ =	shalt  }
0x61: {  	_ =	shalt  }
0x62: {  	_ =	shalt  }
0x63: {  	_ =	shalt  }
0x64: {  	_ =	shalt  }
0x65: {  	_ =	shalt  }
0x66: {  	_ =	shalt  }
0x67: {  	_ =	shalt  }
0x68: {  	_ =	shalt  }
0x69: {  	_ =	shalt  }
0x6a: {  	_ =	shalt  }
0x6b: {  	_ =	shalt  }
0x6c: {  	_ =	shalt  }
0x6d: {  	_ =	shalt  }
0x6e: {  	_ =	shalt  }
0x6f: {  	_ =	shalt  }
0x70: {  	_ =	shalt  }
0x71: {  	_ =	shalt  }
0x72: {  	_ =	shalt  }
0x73: {  	_ =	shalt  }
0x74: {  	_ =	shalt  }
0x75: {  	_ =	shalt  }
0x76: {  	_ =	shalt  }
0x77: {  	_ =	shalt  }
0x78: {  	_ =	shalt  }
0x79: {  	_ =	shalt  }
0x7a: {  	_ =	shalt  }
0x7b: {  	_ =	shalt  }
0x7c: {  	_ =	shalt  }
0x7d: {  	_ =	shalt  }
0x7e: {  	_ =	shalt  }
0x7f: {  	_ =	shalt  }
0x80: {  	_ =	shalt  }
0x81: {  	_ =	shalt  }
0x82: {  	_ =	shalt  }
0x83: {  	_ =	shalt  }
0x84: {  	_ =	shalt  }
0x85: {  	_ =	shalt  }
0x86: {  	_ =	shalt  }
0x87: {  	_ =	shalt  }
.Lfunc_end0:
.L_simem_size_0:
called_computation.1_lowered:
.L_overlay_start_0:
0x88: {  	s2 =	sld [smem:$0x3FD9]  }
0x89: {  	s3 =	sld [smem:$0x3FFE];
	_ =	sdelay $0x1  }
0x8a: {  	s1 =	srdreg.scid  }
0x8b: {  	s0 =	sand.u32 $0x1, s1  }
0x8c: {  	s16 =	sshll.u32 s0, $0xA;
	s2 =	sadd.s32 s3, s2  }
0x8d: {  	s2 =	sadd.s32 s2, s16  }
0x8e: {  	[smem:$0x3FBF] =	sst s2  }
0x8f: {  	_ = 	snop  }
0x90: {  	(tm) =	ssettm $0x1  }
0x91: {  	s17 =	sld [smem:$0x3FFB];
	_ =	sdelay $0x3  }
0x92: {  	_ =	strace s17  }
0x93: {  	s2 =	sld [smem:$0x3FFC];
	_ =	sdelay $0x3  }
0x94: {  	_ =	strace s2  }
0x95: {  	s2 =	sld [smem:$0x3FFD];
	_ =	sdelay $0x3  }
0x96: {  	_ =	strace s2  }
0x97: {  	_ =	strace $0x8FFFFFFF  }
0x98: {  	s18 =	sld [smem:$0x3FDB];
	_ =	sdelay $0x1  }
0x99: {  	s19 =	simm.s32 $_scs_section_size  }
0x9a: {  	s4 =	simm.s32 $_size__tile_overlayer_lowered;
	s5 =	simm.s32 $_tile_overlayer_lowered  }
0x9b: {  	s22 =	simm.s32 $0x1BFF;
	s21 =	sshll.u32 s5, $0x1;
	s2 =	sadd.s32 s19, s18  }
0x9c: {  	s6 =	simm.s32 $0x0;
	s20 =	sshll.u32 s4, $0x1;
	s4 =	sadd.s32 s21, s2  }
0x9d: {  	[timem:s6], [sflag:s22] =	dma.local [hbm:s4], s20  }
0x9e: {  	_ =	swait.ge [sflag:s22], s20  }
0x9f: {  	s3 =	ssub.s32 $0x0, s20;
	[sflag:s22] =	ssyncset.done $0x0  }
0xa0: {  	[sflag:s22] =	ssyncadd.s32 s3;
	_ =	sdelay $0x1  }
0xa1: {  	s23 =	simm.s32 $0x1B8B  }
0xa2: {  	_ =	swait.ge [sflag:s23], $0x1  }
0xa3: {  	[sflag:s23] =	ssyncset.done $0x0  }
0xa4: {  	s25 =	simm.s32 $0x1B8E;
	s24 =	sld [smem:$0x3FFE];
	[sflag:s23] =	ssyncadd.s32 $0xFFFFFFFF  }
0xa5: {  	s26 =	simm.s32 $execute0_lowered;
	[smem:$0x3FD2] =	sst s25  }
0xa6: {  	s4 =	sshll.u32 s26, $0x1;
	_ =	strace $0x80000049;
	[dreg:$0x1] =	wrdreg $0xFFFFFFFF  }
0xa7: {  	s28 =	simm.s32 $_size_execute0_lowered;
	s2 =	sadd.s32 s2, s4;
	[dreg:$0x0] =	wrdreg $0x0  }
0xa8: {  	s4 =	sshll.u32 s28, $0x1;
	[dreg:$0x2] =	wrdreg s2  }
0xa9: {  	[dreg:$0x3] =	wrdreg s4  }
0xaa: {  	[dreg:$0x4] =	wrdreg $0xC0  }
0xab: {  	_ =	task [dreg:s6], $0x5FFFF  }
0xac: {  	[dreg:$0x1] =	wrdreg $0xFFFFFFFF  }
0xad: {  	[dreg:$0x0] =	wrdreg $0x60  }
0xae: {  	[dreg:$0x2] =	wrdreg s24  }
0xaf: {  	[dreg:$0x3] =	wrdreg $0x14A000  }
0xb0: {  	[dreg:$0x4] =	wrdreg $0x9  }
0xb1: {  	_ =	task.clear_ibuf [dreg:s6], $0x5FFFF;
	_ =	strace $0x90000049  }
0xb2: {  	s29 =	simm.s32 $0x9;
	_ =	strace $0x8000004B  }
0xb3: {  	_ =	swait.ge [sflag:s29], $0x1  }
0xb4: {  	[sflag:s29] =	ssyncadd.s32 $0xFFFFFFFF  }
0xb5: {  	_ =	strace $0x9000004B  }
0xb6: {  	_ =	sfence  }
0xb7: {  	s30 =	sld [smem:$0x0];
	_ =	sdelay $0x2  }
0xb8: {  	s31 =	sshll.u32 s1, $0xD;
	s1 =	sshrl.u32 s1, $0x2  }
0xb9: {  	s3 =	sand.u32 $0x4000, s31;
	s1 =	sadd.s32 s1, s30  }
0xba: {  	s0 =	sor.u32 s3, s0;
	s1 =	sshll.u32 s1, $0x11  }
0xbb: {  	s0 =	sor.u32 s1, s0  }
0xbc: {  	s0 =	sadd.s32 $0x8F2B, s0  }
0xbd: {  	[sflag:s0] =	ssyncadd.remote.s32 $0x1  }
0xbe: {  	_ =	sfence.sel $0xFFFF  }
0xbf: {  	[dreg:$0x0] =	wrdreg $0xFFFFFFFF;
	(pc) =	sbr.abs _section_cstart, $3  }
0xc0: {  	[dreg:$0x1] =	wrdreg $0xFFFFFFFF  }
0xc1: {  	_ =	task.clear_ibuf [dreg:s6], $0x2FFFF;
	_ =	strace $0x9FFFFFFF  }
0xc2: {  	(tm) =	ssettm $0x7FFFFFFF  }
0xc3: {  	_ =	shalt  }
tec
execute0_lowered:
.L_overlay_start_1:
0x0: {  	(tag) =	ssettag $0x1  }
0x1: {  	s5 =	rddreg [dreg:$0x0]  }
0x2: {  	s0 =	srdreg.scid;
	s2 =	rddreg [dreg:$0x1]  }
0x3: {  	s3 =	simm.s32 $0x0;
	s11 =	simm.s32 $0x2800;
	s14 =	simm.s32 $0xFA  }
0x4: {  	s15 =	simm.s32 $0x5000;
	s16 =	simm.s32 $0x100;
	s17 =	simm.s32 $0x8E80  }
0x5: {  	s18 =	simm.s32 $0x1;
	s19 =	simm.s32 $0xCD00;
	s20 =	simm.s32 $0x10B80  }
0x6: {  	s21 =	simm.s32 $0x3;
	s22 =	simm.s32 $0x2;
	s23 =	simm.s32 $0x2600  }
0x7: {  	s24 =	simm.s32 $0x2700;
	s25 =	simm.s32 $0x4C00;
	s26 =	simm.s32 $0x4D00  }
0x8: {  	s28 =	simm.s32 $0x4E00;
	s4 =	sand.u32 $0x1, s0;
	s0 =	stileid.u32  }
0x9: {  	s29 =	simm.s32 $0x4F00;
	s30 =	simm.s32 $0x0;
	s7 =	smul.u32 $0xFA00, s0  }
0xa: {  	[smem:$0x7FF] =	sst s3;
	s1 =	sshll.u32 s4, $0x4;
	s8 =	smul.u32 $0x9C400, s4  }
0xb: {  	_ =	strace $0x8000004A;
	s9 =	ssub.s32 $0x2, s4;
	s4 =	sadd.s32 $0x16C00, s5  }
0xc: {  	p0 =	sgt.u32 s0, $0x9;
	s1 =	sor.u32 s0, s1;
	s31 =	sshrl.u32 s9, $0x1  }
0xd: {  	s12 =	sshll.u32 @!p0 s0, $0x6;
	s6 =	smul.u32 $0x2800, s1;
	s8 =	sadd.s32 s7, s8  }
0xe: {  	s9 =	ssub.s32 s9, s31;
	s10 =	sshrl.u32 s7, $0x3;
	s13 =	sadd.s32 s7, s2  }
0xf: {  	s12 =	sor.u32 @!p0 $0x1C04, s12;
	s8 =	sshrl.u32 s8, $0x3;
	s7 =	sadd.s32 s4, s10  }
0x10: {  	s9 =	smax.u32 s9, $0x1;
	s10 =	simm.s32 $0x4;
	s6 =	sshrl.u32 s6, $0x3  }
0x11: {  	s13 =	sshrl.u32 @!p0 s13, $0x3;
	s8 =	sadd.s32 s8, s5;
	s6 =	sadd.s32 s6, s5  }
0x12: {  	s8 =	sadd.s32 $0x2A600, s8;
	s5 =	sadd.s32 $0x2C00, s6;
	s6 =	sadd.s32 $0xCC00, s6  }
.LBB2_1:
0x13: {  	[tilespmem:s3], [sflag:$0x4] =	stream.linear.gather [hbm4b:s5+s3], $0x2800, $0x38;
	[tilespmem:$0x1E640] =	vst v63  }
0x14: {  	_ =	swait.ge [sflag:s10], $0x2800  }
0x15: {  	[sflag:s10] =	ssyncset.done $0x0  }
0x16: {  	[sflag:s10] =	ssyncadd.s32 $0xFFFFD800  }
0x17: {  	[tilespmem:s11], [sflag:$0x4] =	stream.linear.gather [hbm4b:s6+s3], $0x2800, $0x38;
	[tilespmem:$0x1E640] =	vst v63  }
0x18: {  	_ =	swait.ge [sflag:s10], $0x2800  }
0x19: {  	[sflag:s10] =	ssyncset.done $0x0  }
0x1a: {  	s31 =	simm.s32 @!p0 $0x4;
	[sflag:s10] =	ssyncadd.s32 $0xFFFFD800  }
0x1b: {  	[spmem:s13], [sflag:s12] =	dma.local @!p0 [hbm:s7], $0x1F40  }
0x1c: {  	_ =	swait.ge @!p0 [sflag:s31], $0x1F40  }
0x1d: {  	[sflag:s31] =	ssyncset.done @!p0 $0x0  }
0x1e: {  	[sflag:s31] =	ssyncadd.s32 @!p0 $0xFFFFE0C0  }
0x1f: {  	[bflag:$0x0] =	sbarrier.arrive $0xFFFF  }
0x20: {  	[tilespmem:s15], [sflag:$0x1] =	stream.indirect.gather [hbm4b:s4+s14], $0x40, s3, s14, $0xb8;
	[tilespmem:$0x1E640] =	vst v63  }
0x21: {  	_ = 	snop  }
0x22: {  	[tilespmem:s17], [sflag:$0x1] =	stream.indirect.gather [hbm4b:s4+s14], $0x40, s16, s14, $0xb8;
	[tilespmem:$0x1E640] =	vst v63  }
0x23: {  	_ =	swait.ge [sflag:s18], $0x3E80  }
0x24: {  	[sflag:s18] =	ssyncset.done $0x0  }
0x25: {  	[sflag:s18] =	ssyncadd.s32 $0xFFFFC180  }
0x26: {  	_ =	swait.ge [sflag:s18], $0x3E80  }
0x27: {  	[sflag:s18] =	ssyncset.done $0x0  }
0x28: {  	s31 =	simm.s32 $0x200;
	[sflag:s18] =	ssyncadd.s32 $0xFFFFC180  }
0x29: {  	[tilespmem:s19], [sflag:$0x2] =	stream.indirect.gather [hbm4b:s4+s14], $0x40, s31, s14, $0xb8;
	[tilespmem:$0x1E640] =	vst v63  }
0x2a: {  	s31 =	simm.s32 $0x300  }
0x2b: {  	[tilespmem:s20], [sflag:$0x2] =	stream.indirect.gather [hbm4b:s4+s14], $0x40, s31, s14, $0xb8;
	[tilespmem:$0x1E640] =	vst v63  }
0x2c: {  	s31 =	simm.s32 $0x2800  }
0x2d: {  	[spmem:s2] =	stream.indirect.scatter.add.f32 [tilespmem:s15], [sflag:$0x3], $0x40, s31, s14, $0xb8;
	[tilespmem:$0x1E640] =	vst v63  }
0x2e: {  	s31 =	simm.s32 $0x2900  }
0x2f: {  	[spmem:s2] =	stream.indirect.scatter.add.f32 [tilespmem:s17], [sflag:$0x3], $0x40, s31, s14, $0xb8;
	[tilespmem:$0x1E640] =	vst v63  }
0x30: {  	_ =	swait.ge [sflag:s21], $0x3E80  }
0x31: {  	[sflag:s21] =	ssyncset.done $0x0  }
0x32: {  	[sflag:s21] =	ssyncadd.s32 $0xFFFFC180  }
0x33: {  	_ =	swait.ge [sflag:s21], $0x3E80  }
0x34: {  	[sflag:s21] =	ssyncset.done $0x0  }
0x35: {  	[sflag:s21] =	ssyncadd.s32 $0xFFFFC180  }
0x36: {  	_ =	swait.ge [sflag:s22], $0x3E80  }
0x37: {  	[sflag:s22] =	ssyncset.done $0x0  }
0x38: {  	[sflag:s22] =	ssyncadd.s32 $0xFFFFC180  }
0x39: {  	_ =	swait.ge [sflag:s22], $0x3E80  }
0x3a: {  	[sflag:s22] =	ssyncset.done $0x0  }
0x3b: {  	s31 =	simm.s32 $0x400;
	[sflag:s22] =	ssyncadd.s32 $0xFFFFC180  }
0x3c: {  	[tilespmem:s15], [sflag:$0x1] =	stream.indirect.gather [hbm4b:s4+s14], $0x40, s31, s14, $0xb8;
	[tilespmem:$0x1E640] =	vst v63  }
0x3d: {  	s31 =	simm.s32 $0x500  }
0x3e: {  	[tilespmem:s17], [sflag:$0x1] =	stream.indirect.gather [hbm4b:s4+s14], $0x40, s31, s14, $0xb8;
	[tilespmem:$0x1E640] =	vst v63  }
0x3f: {  	s31 =	simm.s32 $0x2A00  }
0x40: {  	[spmem:s2] =	stream.indirect.scatter.add.f32 [tilespmem:s19], [sflag:$0x3], $0x40, s31, s14, $0xb8;
	[tilespmem:$0x1E640] =	vst v63  }
0x41: {  	s31 =	simm.s32 $0x2B00  }
0x42: {  	[spmem:s2] =	stream.indirect.scatter.add.f32 [tilespmem:s20], [sflag:$0x3], $0x40, s31, s14, $0xb8;
	[tilespmem:$0x1E640] =	vst v63  }
0x43: {  	_ =	swait.ge [sflag:s21], $0x3E80  }
0x44: {  	[sflag:s21] =	ssyncset.done $0x0  }
0x45: {  	[sflag:s21] =	ssyncadd.s32 $0xFFFFC180  }
0x46: {  	_ =	swait.ge [sflag:s21], $0x3E80  }
0x47: {  	s31 =	simm.s32 $0x1000;
	[sflag:s21] =	ssyncset.done $0x0  }
.LBB2_2:
0x48: {  	p1 =	sne.s32 s31, $0x8000  }
0x49: {  	[sflag:s21] =	ssyncadd.s32 $0xFFFFC180;
	s1 =	smov.u32 s31;
	s31 =	sadd.s32 $0x1000, s31  }
0x4a: {  	_ =	swait.ge [sflag:s18], $0x3E80  }
0x4b: {  	[sflag:s18] =	ssyncset.done $0x0  }
0x4c: {  	[sflag:s18] =	ssyncadd.s32 $0xFFFFC180  }
0x4d: {  	_ =	swait.ge [sflag:s18], $0x3E80  }
0x4e: {  	s1 =	sshra.s32 s1, $0x2;
	[sflag:s18] =	ssyncset.done $0x0  }
0x4f: {  	s0 =	sadd.s32 $0x200, s1;
	[sflag:s18] =	ssyncadd.s32 $0xFFFFC180  }
0x50: {  	[tilespmem:s19], [sflag:$0x2] =	stream.indirect.gather [hbm4b:s4+s14], $0x40, s0, s14, $0xb8;
	[tilespmem:$0x1E640] =	vst v63  }
0x51: {  	s0 =	sadd.s32 $0x300, s1  }
0x52: {  	[tilespmem:s20], [sflag:$0x2] =	stream.indirect.gather [hbm4b:s4+s14], $0x40, s0, s14, $0xb8;
	[tilespmem:$0x1E640] =	vst v63  }
0x53: {  	s0 =	sadd.s32 $0x2800, s1  }
0x54: {  	[spmem:s2] =	stream.indirect.scatter.add.f32 [tilespmem:s15], [sflag:$0x3], $0x40, s0, s14, $0xb8;
	[tilespmem:$0x1E640] =	vst v63  }
0x55: {  	s0 =	sadd.s32 $0x2900, s1  }
0x56: {  	[spmem:s2] =	stream.indirect.scatter.add.f32 [tilespmem:s17], [sflag:$0x3], $0x40, s0, s14, $0xb8;
	[tilespmem:$0x1E640] =	vst v63  }
0x57: {  	_ =	swait.ge [sflag:s21], $0x3E80  }
0x58: {  	[sflag:s21] =	ssyncset.done $0x0  }
0x59: {  	[sflag:s21] =	ssyncadd.s32 $0xFFFFC180  }
0x5a: {  	_ =	swait.ge [sflag:s21], $0x3E80  }
0x5b: {  	[sflag:s21] =	ssyncset.done $0x0  }
0x5c: {  	[sflag:s21] =	ssyncadd.s32 $0xFFFFC180  }
0x5d: {  	_ =	swait.ge [sflag:s22], $0x3E80  }
0x5e: {  	[sflag:s22] =	ssyncset.done $0x0  }
0x5f: {  	[sflag:s22] =	ssyncadd.s32 $0xFFFFC180  }
0x60: {  	_ =	swait.ge [sflag:s22], $0x3E80  }
0x61: {  	[sflag:s22] =	ssyncset.done $0x0  }
0x62: {  	s0 =	sadd.s32 $0x400, s1;
	[sflag:s22] =	ssyncadd.s32 $0xFFFFC180  }
0x63: {  	[tilespmem:s15], [sflag:$0x1] =	stream.indirect.gather [hbm4b:s4+s14], $0x40, s0, s14, $0xb8;
	[tilespmem:$0x1E640] =	vst v63  }
0x64: {  	s0 =	sadd.s32 $0x500, s1  }
0x65: {  	[tilespmem:s17], [sflag:$0x1] =	stream.indirect.gather [hbm4b:s4+s14], $0x40, s0, s14, $0xb8;
	[tilespmem:$0x1E640] =	vst v63  }
0x66: {  	s0 =	sadd.s32 $0x2A00, s1  }
0x67: {  	[spmem:s2] =	stream.indirect.scatter.add.f32 [tilespmem:s19], [sflag:$0x3], $0x40, s0, s14, $0xb8;
	[tilespmem:$0x1E640] =	vst v63  }
0x68: {  	s0 =	sadd.s32 $0x2B00, s1  }
0x69: {  	[spmem:s2] =	stream.indirect.scatter.add.f32 [tilespmem:s20], [sflag:$0x3], $0x40, s0, s14, $0xb8;
	[tilespmem:$0x1E640] =	vst v63  }
.Ltmp0:
0x6a: {  	_ =	swait.ge [sflag:s21], $0x3E80;
	(pc) =	sbr.rel @p1 .LBB2_2-.Ltmp0, $4  }
0x6b: {  	[sflag:s21] =	ssyncset.done $0x0  }
0x6c: {  	[sflag:s21] =	ssyncadd.s32 $0xFFFFC180  }
0x6d: {  	_ =	swait.ge [sflag:s21], $0x3E80  }
0x6e: {  	[sflag:s21] =	ssyncset.done $0x0  }
0x6f: {  	[sflag:s21] =	ssyncadd.s32 $0xFFFFC180  }
0x70: {  	_ =	swait.ge [sflag:s18], $0x3E80  }
0x71: {  	[sflag:s18] =	ssyncset.done $0x0  }
0x72: {  	[sflag:s18] =	ssyncadd.s32 $0xFFFFC180  }
0x73: {  	_ =	swait.ge [sflag:s18], $0x3E80  }
0x74: {  	[sflag:s18] =	ssyncset.done $0x0  }
0x75: {  	[sflag:s18] =	ssyncadd.s32 $0xFFFFC180  }
0x76: {  	[tilespmem:s19], [sflag:$0x2] =	stream.indirect.gather [hbm4b:s4+s14], $0x40, s23, s14, $0xb8;
	[tilespmem:$0x1E640] =	vst v63  }
0x77: {  	_ = 	snop  }
0x78: {  	[tilespmem:s20], [sflag:$0x2] =	stream.indirect.gather [hbm4b:s4+s14], $0x40, s24, s14, $0xb8;
	[tilespmem:$0x1E640] =	vst v63  }
0x79: {  	_ = 	snop  }
0x7a: {  	[spmem:s2] =	stream.indirect.scatter.add.f32 [tilespmem:s15], [sflag:$0x3], $0x40, s25, s14, $0xb8;
	[tilespmem:$0x1E640] =	vst v63  }
0x7b: {  	_ = 	snop  }
0x7c: {  	[spmem:s2] =	stream.indirect.scatter.add.f32 [tilespmem:s17], [sflag:$0x3], $0x40, s26, s14, $0xb8;
	[tilespmem:$0x1E640] =	vst v63  }
0x7d: {  	_ =	swait.ge [sflag:s21], $0x3E80  }
0x7e: {  	[sflag:s21] =	ssyncset.done $0x0  }
0x7f: {  	[sflag:s21] =	ssyncadd.s32 $0xFFFFC180  }
0x80: {  	_ =	swait.ge [sflag:s21], $0x3E80  }
0x81: {  	[sflag:s21] =	ssyncset.done $0x0  }
0x82: {  	[sflag:s21] =	ssyncadd.s32 $0xFFFFC180  }
0x83: {  	_ =	swait.ge [sflag:s22], $0x3E80  }
0x84: {  	[sflag:s22] =	ssyncset.done $0x0  }
0x85: {  	[sflag:s22] =	ssyncadd.s32 $0xFFFFC180  }
0x86: {  	_ =	swait.ge [sflag:s22], $0x3E80  }
0x87: {  	[sflag:s22] =	ssyncset.done $0x0  }
0x88: {  	[sflag:s22] =	ssyncadd.s32 $0xFFFFC180  }
0x89: {  	[spmem:s2] =	stream.indirect.scatter.add.f32 [tilespmem:s19], [sflag:$0x3], $0x40, s28, s14, $0xb8;
	[tilespmem:$0x1E640] =	vst v63  }
0x8a: {  	_ = 	snop  }
0x8b: {  	[spmem:s2] =	stream.indirect.scatter.add.f32 [tilespmem:s20], [sflag:$0x3], $0x40, s29, s14, $0xb8;
	[tilespmem:$0x1E640] =	vst v63  }
0x8c: {  	_ =	swait.ge [sflag:s21], $0x3E80  }
0x8d: {  	[sflag:s21] =	ssyncset.done $0x0  }
0x8e: {  	[sflag:s21] =	ssyncadd.s32 $0xFFFFC180  }
0x8f: {  	_ =	swait.ge [sflag:s21], $0x3E80  }
0x90: {  	s30 =	sadd.s32 $0x1, s30;
	[sflag:s21] =	ssyncset.done $0x0  }
0x91: {  	p1 =	sne.s32 s30, s9;
	[sflag:s21] =	ssyncadd.s32 $0xFFFFC180  }
.Ltmp1:
0x92: {  	s0 =	simm.s32 @!p0 $0x4;
	[bflag:$0x0] =	sbarrier.arrive $0xFFFF;
	(pc) =	sbr.rel @p1 .LBB2_1-.Ltmp1, $4  }
0x93: {  	[hbm:s8], [sflag:s12] =	dma.local @!p0 [spmem:s13], $0x1F40  }
0x94: {  	_ =	swait.ge @!p0 [sflag:s0], $0x1F40  }
0x95: {  	[sflag:s0] =	ssyncset.done @!p0 $0x0  }
0x96: {  	[sflag:s0] =	ssyncadd.s32 @!p0 $0xFFFFE0C0  }
0x97: {  	_ =	sfence.sel $0x180000  }
0x98: {  	[bflag:$0x0] =	sbarrier.arrive $0xFFFF  }
0x99: {  	_ =	strace $0x9000004A  }
0x9a: {  	s0 =	stileid.u32;
	[bflag:$0x2] =	sbarrier.arrive $0xFFFF  }
0x9b: {  	p0 =	sne.s32 s0, $0x0;
	s0 =	rddreg [dreg:$0x2]  }
0x9c: {  	s0 =	sadd.s32 @!p0 $0x100000, s0  }
0x9d: {  	[sflag:s0] =	ssyncadd.tile.s32 @!p0 $0x1;
	_ =	shalt  }
.Lfunc_end2:
_tile_overlayer_lowered:
.L_overlay_start_2:
0x9e: {  	(tag) =	ssettag $0x2  }
0x9f: {  	s0 =	rddreg [dreg:$0x0];
	s2 =	stileid.u32  }
0xa0: {  	s1 =	rddreg [dreg:$0x1];
	p0 =	sne.s32 s2, $0x0  }
0xa1: {  	s3 =	rddreg [dreg:$0x2];
	[bflag:$0x3] =	sbarrier.arrive $0xFFFF;
	s2 =	simm.s32 @!p0 $0x1C04  }
0xa2: {  	[timem:s3], [sflag:s2] =	dma.local @!p0 [hbm:s0], s1  }
0xa3: {  	s0 =	simm.s32 @!p0 $0x4  }
0xa4: {  	_ =	swait.ge @!p0 [sflag:s0], s1  }
0xa5: {  	s1 =	ssub.s32 @!p0 $0x0, s1;
	[sflag:s0] =	ssyncset.done @!p0 $0x0  }
0xa6: {  	[sflag:s0] =	ssyncadd.s32 @!p0 s1  }
0xa7: {  	[bflag:$0x3] =	sbarrier.arrive $0xFFFF  }
0xa8: {  	_ =	shalt  }

// kernel: kernel.14.cloned.1.call-start
scs
__scs_entry_jumppad:
0x0: {  	(pc) =	sbr.rel $0x88, $3  }
0x1: {  	(tag) =	ssettag $0x0;
	lr =	simm.s32 $0x1  }
0x2: {  	[smem:$0x3F98] =	sst lr;
	_ =	strace $0xD0000000  }
0x3: {  	_ = 	snop  }
0x4: {  	_ = 	snop  }
0x5: {  	_ = 	snop  }
0x6: {  	_ = 	snop  }
0x7: {  	_ = 	snop  }
__scs_overlays_trampoline_lowered:
0x8: {  	[smem:$0x3FA7] =	sst s0  }
0x9: {  	[smem:$0x3FA8] =	sst s1  }
0xa: {  	[smem:$0x3FA9] =	sst s2  }
0xb: {  	[smem:$0x3FAA] =	sst s3  }
0xc: {  	[smem:$0x3FAB] =	sst s4  }
0xd: {  	[smem:$0x3FAC] =	sst s5  }
0xe: {  	[smem:$0x3FAD] =	sst s6  }
0xf: {  	[smem:$0x3FAE] =	sst s7  }
0x10: {  	[smem:$0x3FAF] =	sst s8  }
0x11: {  	[smem:$0x3FB0] =	sst s9;
	s0 =	simm.s32 @!p0 $0x0  }
0x12: {  	s1 =	sld [smem:$0x3F96];
	s0 =	simm.s32 @p0 $0x1  }
0x13: {  	[smem:$0x3FB1] =	sst s0;
	s0 =	simm.s32 @!p1 $0x0  }
0x14: {  	s2 =	sld [smem:$0x3F95];
	s0 =	simm.s32 @p1 $0x1  }
0x15: {  	[smem:$0x3FB2] =	sst s0;
	s0 =	simm.s32 @!p2 $0x0  }
0x16: {  	s3 =	sld [smem:$0x3FDB];
	s0 =	simm.s32 @p2 $0x1  }
0x17: {  	s4 =	simm.s32 $0x1BF5;
	[smem:$0x3FB4] =	sst s0  }
0x18: {  	s0 =	sld [smem:$0x3F97];
	_ =	swait.ge [sflag:s4], $0x0  }
0x19: {  	s7 =	sld [smem:$0x3F98]  }
0x1a: {  	s8 =	sadd.s32 $0xFFFFE003, lr  }
0x1b: {  	s9 =	sadd.s32 $0xFFFFFEF7, lr;
	s5 =	simm.s32 $0xFFFFFFFF;
	p2 =	slt.u32 s8, $0xFFFFF086  }
0x1c: {  	p1 =	slt.u32 s9, $0xF7A;
	s5 =	simm.s32 @!p2 $0x0  }
0x1d: {  	s5 =	simm.s32 @p1 $0x1;
	p0 =	seq.s32 s7, s2  }
0x1e: {  	s7 =	smul.u32 @!p0 $0xF7A, s2;
	p2 =	seq.s32 @!p0 s5, $0x0  }
0x1f: {  	s9 =	smul.u32 $0xF7A, s1;
	s8 =	simm.s32 @!p0 $0x1BF5;
	p2 =	por !p2, p0  }
0x20: {  	[sflag:s8] =	ssyncset.s32 @!p0 $0xFFFFF086;
	s6 =	sadd.s32 @!p0 s3, s7;
	s7 =	simm.s32 @!p0 $0x108  }
0x21: {  	s3 =	sadd.s32 s3, s9;
	s6 =	sadd.s32 @!p0 $0x88, s6;
	s7 =	simm.s32 @p2 $0x1082  }
0x22: {  	[simem:s7], [sflag:s8] =	dma.local @!p0 [hbm:s6], $0xF7A  }
0x23: {  	s9 =	sor.u32 $0xD0000000, s2;
	s6 =	simm.s32 $0x108;
	_ =	swait.ge @!p0 [sflag:s8], $0x0  }
0x24: {  	s3 =	sadd.s32 $0x88, s3;
	s6 =	simm.s32 @!p1 $0x1082;
	[sflag:s4] =	ssyncset.s32 $0xFFFFF086  }
0x25: {  	[simem:s6], [sflag:s4] =	dma.local [hbm:s3], $0xF7A  }
0x26: {  	[smem:$0x3F98] =	sst s1;
	(tag) =	ssettag s2;
	_ =	strace s9  }
0x27: {  	s1 =	sld [smem:$0x3FA8]  }
0x28: {  	s2 =	sld [smem:$0x3FA9]  }
0x29: {  	s4 =	sld [smem:$0x3FAB]  }
0x2a: {  	p0 =	seq.s32 s5, $0x0;
	s5 =	sld [smem:$0x3FAC]  }
0x2b: {  	s6 =	sld [smem:$0x3FAD]  }
0x2c: {  	s7 =	sld [smem:$0x3FAE]  }
0x2d: {  	s3 =	simm.s32 $0x108;
	s8 =	sld [smem:$0x3FAF]  }
0x2e: {  	s3 =	simm.s32 @!p0 $0x1082;
	s9 =	sld [smem:$0x3FB0]  }
0x2f: {  	lr =	sadd.s32 s0, s3;
	s0 =	sld [smem:$0x3FA7]  }
0x30: {  	s3 =	sld [smem:$0x3FAA]  }
0x31: {  	[smem:$0x3FB3] =	sst s10  }
0x32: {  	s10 =	sld [smem:$0x3FB1];
	_ =	sdelay $0x3  }
0x33: {  	p0 =	seq.s32 s10, $0x1;
	s10 =	sld [smem:$0x3FB3];
	_ =	sdelay $0x3  }
0x34: {  	[smem:$0x3FB3] =	sst s10  }
0x35: {  	s10 =	sld [smem:$0x3FB2];
	_ =	sdelay $0x3  }
0x36: {  	p1 =	seq.s32 s10, $0x1;
	s10 =	sld [smem:$0x3FB3];
	_ =	sdelay $0x3  }
0x37: {  	[smem:$0x3FB3] =	sst s10  }
0x38: {  	s10 =	sld [smem:$0x3FB4]  }
0x39: {  	_ = 	snop;
	(pc) =	sbr.ind lr, $3  }
0x3a: {  	_ = 	snop  }
0x3b: {  	_ = 	snop  }
0x3c: {  	p2 =	seq.s32 s10, $0x1;
	s10 =	sld [smem:$0x3FB3]  }
0x3d: {  	_ =	shalt  }
0x3e: {  	_ =	shalt  }
0x3f: {  	_ =	shalt  }
0x40: {  	_ =	shalt  }
0x41: {  	_ =	shalt  }
0x42: {  	_ =	shalt  }
0x43: {  	_ =	shalt  }
0x44: {  	_ =	shalt  }
0x45: {  	_ =	shalt  }
0x46: {  	_ =	shalt  }
0x47: {  	_ =	shalt  }
0x48: {  	_ =	shalt  }
0x49: {  	_ =	shalt  }
0x4a: {  	_ =	shalt  }
0x4b: {  	_ =	shalt  }
0x4c: {  	_ =	shalt  }
0x4d: {  	_ =	shalt  }
0x4e: {  	_ =	shalt  }
0x4f: {  	_ =	shalt  }
0x50: {  	_ =	shalt  }
0x51: {  	_ =	shalt  }
0x52: {  	_ =	shalt  }
0x53: {  	_ =	shalt  }
0x54: {  	_ =	shalt  }
0x55: {  	_ =	shalt  }
0x56: {  	_ =	shalt  }
0x57: {  	_ =	shalt  }
0x58: {  	_ =	shalt  }
0x59: {  	_ =	shalt  }
0x5a: {  	_ =	shalt  }
0x5b: {  	_ =	shalt  }
0x5c: {  	_ =	shalt  }
0x5d: {  	_ =	shalt  }
0x5e: {  	_ =	shalt  }
0x5f: {  	_ =	shalt  }
0x60: {  	_ =	shalt  }
0x61: {  	_ =	shalt  }
0x62: {  	_ =	shalt  }
0x63: {  	_ =	shalt  }
0x64: {  	_ =	shalt  }
0x65: {  	_ =	shalt  }
0x66: {  	_ =	shalt  }
0x67: {  	_ =	shalt  }
0x68: {  	_ =	shalt  }
0x69: {  	_ =	shalt  }
0x6a: {  	_ =	shalt  }
0x6b: {  	_ =	shalt  }
0x6c: {  	_ =	shalt  }
0x6d: {  	_ =	shalt  }
0x6e: {  	_ =	shalt  }
0x6f: {  	_ =	shalt  }
0x70: {  	_ =	shalt  }
0x71: {  	_ =	shalt  }
0x72: {  	_ =	shalt  }
0x73: {  	_ =	shalt  }
0x74: {  	_ =	shalt  }
0x75: {  	_ =	shalt  }
0x76: {  	_ =	shalt  }
0x77: {  	_ =	shalt  }
0x78: {  	_ =	shalt  }
0x79: {  	_ =	shalt  }
0x7a: {  	_ =	shalt  }
0x7b: {  	_ =	shalt  }
0x7c: {  	_ =	shalt  }
0x7d: {  	_ =	shalt  }
0x7e: {  	_ =	shalt  }
0x7f: {  	_ =	shalt  }
0x80: {  	_ =	shalt  }
0x81: {  	_ =	shalt  }
0x82: {  	_ =	shalt  }
0x83: {  	_ =	shalt  }
0x84: {  	_ =	shalt  }
0x85: {  	_ =	shalt  }
0x86: {  	_ =	shalt  }
0x87: {  	_ =	shalt  }
.Lfunc_end0:
.L_simem_size_0:
called_computation.2_lowered:
.L_overlay_start_0:
0x88: {  	s2 =	sld [smem:$0x3FD9]  }
0x89: {  	s3 =	sld [smem:$0x3FFE];
	_ =	sdelay $0x1  }
0x8a: {  	s1 =	srdreg.scid  }
0x8b: {  	s0 =	sand.u32 $0x1, s1  }
0x8c: {  	s16 =	sshll.u32 s0, $0xA;
	s2 =	sadd.s32 s3, s2  }
0x8d: {  	s2 =	sadd.s32 s2, s16  }
0x8e: {  	[smem:$0x3FBF] =	sst s2  }
0x8f: {  	_ = 	snop  }
0x90: {  	(tm) =	ssettm $0x1  }
0x91: {  	s17 =	sld [smem:$0x3FFB];
	_ =	sdelay $0x3  }
0x92: {  	_ =	strace s17  }
0x93: {  	s2 =	sld [smem:$0x3FFC];
	_ =	sdelay $0x3  }
0x94: {  	_ =	strace s2  }
0x95: {  	s2 =	sld [smem:$0x3FFD];
	_ =	sdelay $0x3  }
0x96: {  	_ =	strace s2  }
0x97: {  	_ =	strace $0x8FFFFFFF  }
0x98: {  	s18 =	sld [smem:$0x3FDB];
	_ =	sdelay $0x1  }
0x99: {  	s19 =	simm.s32 $_scs_section_size  }
0x9a: {  	s4 =	simm.s32 $_size__tile_overlayer_lowered;
	s5 =	simm.s32 $_tile_overlayer_lowered  }
0x9b: {  	s22 =	simm.s32 $0x1BFF;
	s21 =	sshll.u32 s5, $0x1;
	s2 =	sadd.s32 s19, s18  }
0x9c: {  	s6 =	simm.s32 $0x0;
	s20 =	sshll.u32 s4, $0x1;
	s4 =	sadd.s32 s21, s2  }
0x9d: {  	[timem:s6], [sflag:s22] =	dma.local [hbm:s4], s20  }
0x9e: {  	_ =	swait.ge [sflag:s22], s20  }
0x9f: {  	s3 =	ssub.s32 $0x0, s20;
	[sflag:s22] =	ssyncset.done $0x0  }
0xa0: {  	[sflag:s22] =	ssyncadd.s32 s3;
	_ =	sdelay $0x1  }
0xa1: {  	s23 =	simm.s32 $0x1B8B  }
0xa2: {  	_ =	swait.ge [sflag:s23], $0x1  }
0xa3: {  	[sflag:s23] =	ssyncset.done $0x0  }
0xa4: {  	s25 =	simm.s32 $0x1B8E;
	s24 =	sld [smem:$0x3FFE];
	[sflag:s23] =	ssyncadd.s32 $0xFFFFFFFF  }
0xa5: {  	s26 =	simm.s32 $execute0_lowered;
	[smem:$0x3FD2] =	sst s25  }
0xa6: {  	s4 =	sshll.u32 s26, $0x1;
	_ =	strace $0x8000004C;
	[dreg:$0x1] =	wrdreg $0xFFFFFFFF  }
0xa7: {  	s28 =	simm.s32 $_size_execute0_lowered;
	s2 =	sadd.s32 s2, s4;
	[dreg:$0x0] =	wrdreg $0x0  }
0xa8: {  	s4 =	sshll.u32 s28, $0x1;
	[dreg:$0x2] =	wrdreg s2  }
0xa9: {  	[dreg:$0x3] =	wrdreg s4  }
0xaa: {  	[dreg:$0x4] =	wrdreg $0xC0  }
0xab: {  	_ =	task [dreg:s6], $0x5FFFF  }
0xac: {  	[dreg:$0x1] =	wrdreg $0xFFFFFFFF  }
0xad: {  	[dreg:$0x0] =	wrdreg $0x60  }
0xae: {  	[dreg:$0x2] =	wrdreg s24  }
0xaf: {  	[dreg:$0x3] =	wrdreg $0x14A000  }
0xb0: {  	[dreg:$0x4] =	wrdreg $0x9  }
0xb1: {  	_ =	task.clear_ibuf [dreg:s6], $0x5FFFF;
	_ =	strace $0x9000004C  }
0xb2: {  	s29 =	simm.s32 $0x9;
	_ =	strace $0x8000004E  }
0xb3: {  	_ =	swait.ge [sflag:s29], $0x1  }
0xb4: {  	[sflag:s29] =	ssyncadd.s32 $0xFFFFFFFF  }
0xb5: {  	_ =	strace $0x9000004E  }
0xb6: {  	_ =	sfence  }
0xb7: {  	s30 =	sld [smem:$0x0];
	_ =	sdelay $0x2  }
0xb8: {  	s31 =	sshll.u32 s1, $0xD;
	s1 =	sshrl.u32 s1, $0x2  }
0xb9: {  	s3 =	sand.u32 $0x4000, s31;
	s1 =	sadd.s32 s1, s30  }
0xba: {  	s0 =	sor.u32 s3, s0;
	s1 =	sshll.u32 s1, $0x11  }
0xbb: {  	s0 =	sor.u32 s1, s0  }
0xbc: {  	s0 =	sadd.s32 $0x8F2B, s0  }
0xbd: {  	[sflag:s0] =	ssyncadd.remote.s32 $0x1  }
0xbe: {  	_ =	sfence.sel $0xFFFF  }
0xbf: {  	[dreg:$0x0] =	wrdreg $0xFFFFFFFF;
	(pc) =	sbr.abs _section_cstart, $3  }
0xc0: {  	[dreg:$0x1] =	wrdreg $0xFFFFFFFF  }
0xc1: {  	_ =	task.clear_ibuf [dreg:s6], $0x2FFFF;
	_ =	strace $0x9FFFFFFF  }
0xc2: {  	(tm) =	ssettm $0x7FFFFFFF  }
0xc3: {  	_ =	shalt  }
tec
execute0_lowered:
.L_overlay_start_1:
0x0: {  	(tag) =	ssettag $0x1  }
0x1: {  	s5 =	rddreg [dreg:$0x0]  }
0x2: {  	s0 =	srdreg.scid;
	s2 =	rddreg [dreg:$0x1]  }
0x3: {  	s3 =	simm.s32 $0x0;
	s11 =	simm.s32 $0x2800;
	s14 =	simm.s32 $0xFA  }
0x4: {  	s15 =	simm.s32 $0x5000;
	s16 =	simm.s32 $0x100;
	s17 =	simm.s32 $0x8E80  }
0x5: {  	s18 =	simm.s32 $0x1;
	s19 =	simm.s32 $0xCD00;
	s20 =	simm.s32 $0x10B80  }
0x6: {  	s21 =	simm.s32 $0x3;
	s22 =	simm.s32 $0x2;
	s23 =	simm.s32 $0x2600  }
0x7: {  	s24 =	simm.s32 $0x2700;
	s25 =	simm.s32 $0x4C00;
	s26 =	simm.s32 $0x4D00  }
0x8: {  	s28 =	simm.s32 $0x4E00;
	s4 =	sand.u32 $0x1, s0;
	s0 =	stileid.u32  }
0x9: {  	s29 =	simm.s32 $0x4F00;
	s30 =	simm.s32 $0x0;
	s7 =	smul.u32 $0xFA00, s0  }
0xa: {  	[smem:$0x7FF] =	sst s3;
	s1 =	sshll.u32 s4, $0x4;
	s8 =	smul.u32 $0x9C400, s4  }
0xb: {  	_ =	strace $0x8000004D;
	s9 =	ssub.s32 $0x2, s4;
	s4 =	sadd.s32 $0x16C00, s5  }
0xc: {  	p0 =	sgt.u32 s0, $0x9;
	s1 =	sor.u32 s0, s1;
	s31 =	sshrl.u32 s9, $0x1  }
0xd: {  	s12 =	sshll.u32 @!p0 s0, $0x6;
	s6 =	smul.u32 $0x2800, s1;
	s8 =	sadd.s32 s7, s8  }
0xe: {  	s9 =	ssub.s32 s9, s31;
	s10 =	sshrl.u32 s7, $0x3;
	s13 =	sadd.s32 s7, s2  }
0xf: {  	s12 =	sor.u32 @!p0 $0x1C04, s12;
	s8 =	sshrl.u32 s8, $0x3;
	s7 =	sadd.s32 s4, s10  }
0x10: {  	s9 =	smax.u32 s9, $0x1;
	s10 =	simm.s32 $0x4;
	s6 =	sshrl.u32 s6, $0x3  }
0x11: {  	s13 =	sshrl.u32 @!p0 s13, $0x3;
	s8 =	sadd.s32 s8, s5;
	s6 =	sadd.s32 s6, s5  }
0x12: {  	s8 =	sadd.s32 $0x2A600, s8;
	s5 =	sadd.s32 $0x2C00, s6;
	s6 =	sadd.s32 $0xCC00, s6  }
.LBB2_1:
0x13: {  	[tilespmem:s3], [sflag:$0x4] =	stream.linear.gather [hbm4b:s5+s3], $0x2800, $0x38;
	[tilespmem:$0x1E640] =	vst v63  }
0x14: {  	_ =	swait.ge [sflag:s10], $0x2800  }
0x15: {  	[sflag:s10] =	ssyncset.done $0x0  }
0x16: {  	[sflag:s10] =	ssyncadd.s32 $0xFFFFD800  }
0x17: {  	[tilespmem:s11], [sflag:$0x4] =	stream.linear.gather [hbm4b:s6+s3], $0x2800, $0x38;
	[tilespmem:$0x1E640] =	vst v63  }
0x18: {  	_ =	swait.ge [sflag:s10], $0x2800  }
0x19: {  	[sflag:s10] =	ssyncset.done $0x0  }
0x1a: {  	s31 =	simm.s32 @!p0 $0x4;
	[sflag:s10] =	ssyncadd.s32 $0xFFFFD800  }
0x1b: {  	[spmem:s13], [sflag:s12] =	dma.local @!p0 [hbm:s7], $0x1F40  }
0x1c: {  	_ =	swait.ge @!p0 [sflag:s31], $0x1F40  }
0x1d: {  	[sflag:s31] =	ssyncset.done @!p0 $0x0  }
0x1e: {  	[sflag:s31] =	ssyncadd.s32 @!p0 $0xFFFFE0C0  }
0x1f: {  	[bflag:$0x0] =	sbarrier.arrive $0xFFFF  }
0x20: {  	[tilespmem:s15], [sflag:$0x1] =	stream.indirect.gather [hbm4b:s4+s14], $0x40, s3, s14, $0xb8;
	[tilespmem:$0x1E640] =	vst v63  }
0x21: {  	_ = 	snop  }
0x22: {  	[tilespmem:s17], [sflag:$0x1] =	stream.indirect.gather [hbm4b:s4+s14], $0x40, s16, s14, $0xb8;
	[tilespmem:$0x1E640] =	vst v63  }
0x23: {  	_ =	swait.ge [sflag:s18], $0x3E80  }
0x24: {  	[sflag:s18] =	ssyncset.done $0x0  }
0x25: {  	[sflag:s18] =	ssyncadd.s32 $0xFFFFC180  }
0x26: {  	_ =	swait.ge [sflag:s18], $0x3E80  }
0x27: {  	[sflag:s18] =	ssyncset.done $0x0  }
0x28: {  	s31 =	simm.s32 $0x200;
	[sflag:s18] =	ssyncadd.s32 $0xFFFFC180  }
0x29: {  	[tilespmem:s19], [sflag:$0x2] =	stream.indirect.gather [hbm4b:s4+s14], $0x40, s31, s14, $0xb8;
	[tilespmem:$0x1E640] =	vst v63  }
0x2a: {  	s31 =	simm.s32 $0x300  }
0x2b: {  	[tilespmem:s20], [sflag:$0x2] =	stream.indirect.gather [hbm4b:s4+s14], $0x40, s31, s14, $0xb8;
	[tilespmem:$0x1E640] =	vst v63  }
0x2c: {  	s31 =	simm.s32 $0x2800  }
0x2d: {  	[spmem:s2] =	stream.indirect.scatter.add.f32 [tilespmem:s15], [sflag:$0x3], $0x40, s31, s14, $0xb8;
	[tilespmem:$0x1E640] =	vst v63  }
0x2e: {  	s31 =	simm.s32 $0x2900  }
0x2f: {  	[spmem:s2] =	stream.indirect.scatter.add.f32 [tilespmem:s17], [sflag:$0x3], $0x40, s31, s14, $0xb8;
	[tilespmem:$0x1E640] =	vst v63  }
0x30: {  	_ =	swait.ge [sflag:s21], $0x3E80  }
0x31: {  	[sflag:s21] =	ssyncset.done $0x0  }
0x32: {  	[sflag:s21] =	ssyncadd.s32 $0xFFFFC180  }
0x33: {  	_ =	swait.ge [sflag:s21], $0x3E80  }
0x34: {  	[sflag:s21] =	ssyncset.done $0x0  }
0x35: {  	[sflag:s21] =	ssyncadd.s32 $0xFFFFC180  }
0x36: {  	_ =	swait.ge [sflag:s22], $0x3E80  }
0x37: {  	[sflag:s22] =	ssyncset.done $0x0  }
0x38: {  	[sflag:s22] =	ssyncadd.s32 $0xFFFFC180  }
0x39: {  	_ =	swait.ge [sflag:s22], $0x3E80  }
0x3a: {  	[sflag:s22] =	ssyncset.done $0x0  }
0x3b: {  	s31 =	simm.s32 $0x400;
	[sflag:s22] =	ssyncadd.s32 $0xFFFFC180  }
0x3c: {  	[tilespmem:s15], [sflag:$0x1] =	stream.indirect.gather [hbm4b:s4+s14], $0x40, s31, s14, $0xb8;
	[tilespmem:$0x1E640] =	vst v63  }
0x3d: {  	s31 =	simm.s32 $0x500  }
0x3e: {  	[tilespmem:s17], [sflag:$0x1] =	stream.indirect.gather [hbm4b:s4+s14], $0x40, s31, s14, $0xb8;
	[tilespmem:$0x1E640] =	vst v63  }
0x3f: {  	s31 =	simm.s32 $0x2A00  }
0x40: {  	[spmem:s2] =	stream.indirect.scatter.add.f32 [tilespmem:s19], [sflag:$0x3], $0x40, s31, s14, $0xb8;
	[tilespmem:$0x1E640] =	vst v63  }
0x41: {  	s31 =	simm.s32 $0x2B00  }
0x42: {  	[spmem:s2] =	stream.indirect.scatter.add.f32 [tilespmem:s20], [sflag:$0x3], $0x40, s31, s14, $0xb8;
	[tilespmem:$0x1E640] =	vst v63  }
0x43: {  	_ =	swait.ge [sflag:s21], $0x3E80  }
0x44: {  	[sflag:s21] =	ssyncset.done $0x0  }
0x45: {  	[sflag:s21] =	ssyncadd.s32 $0xFFFFC180  }
0x46: {  	_ =	swait.ge [sflag:s21], $0x3E80  }
0x47: {  	s31 =	simm.s32 $0x1000;
	[sflag:s21] =	ssyncset.done $0x0  }
.LBB2_2:
0x48: {  	p1 =	sne.s32 s31, $0x8000  }
0x49: {  	[sflag:s21] =	ssyncadd.s32 $0xFFFFC180;
	s1 =	smov.u32 s31;
	s31 =	sadd.s32 $0x1000, s31  }
0x4a: {  	_ =	swait.ge [sflag:s18], $0x3E80  }
0x4b: {  	[sflag:s18] =	ssyncset.done $0x0  }
0x4c: {  	[sflag:s18] =	ssyncadd.s32 $0xFFFFC180  }
0x4d: {  	_ =	swait.ge [sflag:s18], $0x3E80  }
0x4e: {  	s1 =	sshra.s32 s1, $0x2;
	[sflag:s18] =	ssyncset.done $0x0  }
0x4f: {  	s0 =	sadd.s32 $0x200, s1;
	[sflag:s18] =	ssyncadd.s32 $0xFFFFC180  }
0x50: {  	[tilespmem:s19], [sflag:$0x2] =	stream.indirect.gather [hbm4b:s4+s14], $0x40, s0, s14, $0xb8;
	[tilespmem:$0x1E640] =	vst v63  }
0x51: {  	s0 =	sadd.s32 $0x300, s1  }
0x52: {  	[tilespmem:s20], [sflag:$0x2] =	stream.indirect.gather [hbm4b:s4+s14], $0x40, s0, s14, $0xb8;
	[tilespmem:$0x1E640] =	vst v63  }
0x53: {  	s0 =	sadd.s32 $0x2800, s1  }
0x54: {  	[spmem:s2] =	stream.indirect.scatter.add.f32 [tilespmem:s15], [sflag:$0x3], $0x40, s0, s14, $0xb8;
	[tilespmem:$0x1E640] =	vst v63  }
0x55: {  	s0 =	sadd.s32 $0x2900, s1  }
0x56: {  	[spmem:s2] =	stream.indirect.scatter.add.f32 [tilespmem:s17], [sflag:$0x3], $0x40, s0, s14, $0xb8;
	[tilespmem:$0x1E640] =	vst v63  }
0x57: {  	_ =	swait.ge [sflag:s21], $0x3E80  }
0x58: {  	[sflag:s21] =	ssyncset.done $0x0  }
0x59: {  	[sflag:s21] =	ssyncadd.s32 $0xFFFFC180  }
0x5a: {  	_ =	swait.ge [sflag:s21], $0x3E80  }
0x5b: {  	[sflag:s21] =	ssyncset.done $0x0  }
0x5c: {  	[sflag:s21] =	ssyncadd.s32 $0xFFFFC180  }
0x5d: {  	_ =	swait.ge [sflag:s22], $0x3E80  }
0x5e: {  	[sflag:s22] =	ssyncset.done $0x0  }
0x5f: {  	[sflag:s22] =	ssyncadd.s32 $0xFFFFC180  }
0x60: {  	_ =	swait.ge [sflag:s22], $0x3E80  }
0x61: {  	[sflag:s22] =	ssyncset.done $0x0  }
0x62: {  	s0 =	sadd.s32 $0x400, s1;
	[sflag:s22] =	ssyncadd.s32 $0xFFFFC180  }
0x63: {  	[tilespmem:s15], [sflag:$0x1] =	stream.indirect.gather [hbm4b:s4+s14], $0x40, s0, s14, $0xb8;
	[tilespmem:$0x1E640] =	vst v63  }
0x64: {  	s0 =	sadd.s32 $0x500, s1  }
0x65: {  	[tilespmem:s17], [sflag:$0x1] =	stream.indirect.gather [hbm4b:s4+s14], $0x40, s0, s14, $0xb8;
	[tilespmem:$0x1E640] =	vst v63  }
0x66: {  	s0 =	sadd.s32 $0x2A00, s1  }
0x67: {  	[spmem:s2] =	stream.indirect.scatter.add.f32 [tilespmem:s19], [sflag:$0x3], $0x40, s0, s14, $0xb8;
	[tilespmem:$0x1E640] =	vst v63  }
0x68: {  	s0 =	sadd.s32 $0x2B00, s1  }
0x69: {  	[spmem:s2] =	stream.indirect.scatter.add.f32 [tilespmem:s20], [sflag:$0x3], $0x40, s0, s14, $0xb8;
	[tilespmem:$0x1E640] =	vst v63  }
.Ltmp0:
0x6a: {  	_ =	swait.ge [sflag:s21], $0x3E80;
	(pc) =	sbr.rel @p1 .LBB2_2-.Ltmp0, $4  }
0x6b: {  	[sflag:s21] =	ssyncset.done $0x0  }
0x6c: {  	[sflag:s21] =	ssyncadd.s32 $0xFFFFC180  }
0x6d: {  	_ =	swait.ge [sflag:s21], $0x3E80  }
0x6e: {  	[sflag:s21] =	ssyncset.done $0x0  }
0x6f: {  	[sflag:s21] =	ssyncadd.s32 $0xFFFFC180  }
0x70: {  	_ =	swait.ge [sflag:s18], $0x3E80  }
0x71: {  	[sflag:s18] =	ssyncset.done $0x0  }
0x72: {  	[sflag:s18] =	ssyncadd.s32 $0xFFFFC180  }
0x73: {  	_ =	swait.ge [sflag:s18], $0x3E80  }
0x74: {  	[sflag:s18] =	ssyncset.done $0x0  }
0x75: {  	[sflag:s18] =	ssyncadd.s32 $0xFFFFC180  }
0x76: {  	[tilespmem:s19], [sflag:$0x2] =	stream.indirect.gather [hbm4b:s4+s14], $0x40, s23, s14, $0xb8;
	[tilespmem:$0x1E640] =	vst v63  }
0x77: {  	_ = 	snop  }
0x78: {  	[tilespmem:s20], [sflag:$0x2] =	stream.indirect.gather [hbm4b:s4+s14], $0x40, s24, s14, $0xb8;
	[tilespmem:$0x1E640] =	vst v63  }
0x79: {  	_ = 	snop  }
0x7a: {  	[spmem:s2] =	stream.indirect.scatter.add.f32 [tilespmem:s15], [sflag:$0x3], $0x40, s25, s14, $0xb8;
	[tilespmem:$0x1E640] =	vst v63  }
0x7b: {  	_ = 	snop  }
0x7c: {  	[spmem:s2] =	stream.indirect.scatter.add.f32 [tilespmem:s17], [sflag:$0x3], $0x40, s26, s14, $0xb8;
	[tilespmem:$0x1E640] =	vst v63  }
0x7d: {  	_ =	swait.ge [sflag:s21], $0x3E80  }
0x7e: {  	[sflag:s21] =	ssyncset.done $0x0  }
0x7f: {  	[sflag:s21] =	ssyncadd.s32 $0xFFFFC180  }
0x80: {  	_ =	swait.ge [sflag:s21], $0x3E80  }
0x81: {  	[sflag:s21] =	ssyncset.done $0x0  }
0x82: {  	[sflag:s21] =	ssyncadd.s32 $0xFFFFC180  }
0x83: {  	_ =	swait.ge [sflag:s22], $0x3E80  }
0x84: {  	[sflag:s22] =	ssyncset.done $0x0  }
0x85: {  	[sflag:s22] =	ssyncadd.s32 $0xFFFFC180  }
0x86: {  	_ =	swait.ge [sflag:s22], $0x3E80  }
0x87: {  	[sflag:s22] =	ssyncset.done $0x0  }
0x88: {  	[sflag:s22] =	ssyncadd.s32 $0xFFFFC180  }
0x89: {  	[spmem:s2] =	stream.indirect.scatter.add.f32 [tilespmem:s19], [sflag:$0x3], $0x40, s28, s14, $0xb8;
	[tilespmem:$0x1E640] =	vst v63  }
0x8a: {  	_ = 	snop  }
0x8b: {  	[spmem:s2] =	stream.indirect.scatter.add.f32 [tilespmem:s20], [sflag:$0x3], $0x40, s29, s14, $0xb8;
	[tilespmem:$0x1E640] =	vst v63  }
0x8c: {  	_ =	swait.ge [sflag:s21], $0x3E80  }
0x8d: {  	[sflag:s21] =	ssyncset.done $0x0  }
0x8e: {  	[sflag:s21] =	ssyncadd.s32 $0xFFFFC180  }
0x8f: {  	_ =	swait.ge [sflag:s21], $0x3E80  }
0x90: {  	s30 =	sadd.s32 $0x1, s30;
	[sflag:s21] =	ssyncset.done $0x0  }
0x91: {  	p1 =	sne.s32 s30, s9;
	[sflag:s21] =	ssyncadd.s32 $0xFFFFC180  }
.Ltmp1:
0x92: {  	s0 =	simm.s32 @!p0 $0x4;
	[bflag:$0x0] =	sbarrier.arrive $0xFFFF;
	(pc) =	sbr.rel @p1 .LBB2_1-.Ltmp1, $4  }
0x93: {  	[hbm:s8], [sflag:s12] =	dma.local @!p0 [spmem:s13], $0x1F40  }
0x94: {  	_ =	swait.ge @!p0 [sflag:s0], $0x1F40  }
0x95: {  	[sflag:s0] =	ssyncset.done @!p0 $0x0  }
0x96: {  	[sflag:s0] =	ssyncadd.s32 @!p0 $0xFFFFE0C0  }
0x97: {  	_ =	sfence.sel $0x180000  }
0x98: {  	[bflag:$0x0] =	sbarrier.arrive $0xFFFF  }
0x99: {  	_ =	strace $0x9000004D  }
0x9a: {  	s0 =	stileid.u32;
	[bflag:$0x2] =	sbarrier.arrive $0xFFFF  }
0x9b: {  	p0 =	sne.s32 s0, $0x0;
	s0 =	rddreg [dreg:$0x2]  }
0x9c: {  	s0 =	sadd.s32 @!p0 $0x100000, s0  }
0x9d: {  	[sflag:s0] =	ssyncadd.tile.s32 @!p0 $0x1;
	_ =	shalt  }
.Lfunc_end2:
_tile_overlayer_lowered:
.L_overlay_start_2:
0x9e: {  	(tag) =	ssettag $0x2  }
0x9f: {  	s0 =	rddreg [dreg:$0x0];
	s2 =	stileid.u32  }
0xa0: {  	s1 =	rddreg [dreg:$0x1];
	p0 =	sne.s32 s2, $0x0  }
0xa1: {  	s3 =	rddreg [dreg:$0x2];
	[bflag:$0x3] =	sbarrier.arrive $0xFFFF;
	s2 =	simm.s32 @!p0 $0x1C04  }
0xa2: {  	[timem:s3], [sflag:s2] =	dma.local @!p0 [hbm:s0], s1  }
0xa3: {  	s0 =	simm.s32 @!p0 $0x4  }
0xa4: {  	_ =	swait.ge @!p0 [sflag:s0], s1  }
0xa5: {  	s1 =	ssub.s32 @!p0 $0x0, s1;
	[sflag:s0] =	ssyncset.done @!p0 $0x0  }
0xa6: {  	[sflag:s0] =	ssyncadd.s32 @!p0 s1  }
0xa7: {  	[bflag:$0x3] =	sbarrier.arrive $0xFFFF  }
0xa8: {  	_ =	shalt  }

// kernel: kernel.8.cloned.1.call-start
scs
__scs_entry_jumppad:
0x0: {  	(pc) =	sbr.rel $0x88, $3  }
0x1: {  	(tag) =	ssettag $0x0;
	lr =	simm.s32 $0x1  }
0x2: {  	[smem:$0x3F98] =	sst lr;
	_ =	strace $0xD0000000  }
0x3: {  	_ = 	snop  }
0x4: {  	_ = 	snop  }
0x5: {  	_ = 	snop  }
0x6: {  	_ = 	snop  }
0x7: {  	_ = 	snop  }
__scs_overlays_trampoline_lowered:
0x8: {  	[smem:$0x3FA7] =	sst s0  }
0x9: {  	[smem:$0x3FA8] =	sst s1  }
0xa: {  	[smem:$0x3FA9] =	sst s2  }
0xb: {  	[smem:$0x3FAA] =	sst s3  }
0xc: {  	[smem:$0x3FAB] =	sst s4  }
0xd: {  	[smem:$0x3FAC] =	sst s5  }
0xe: {  	[smem:$0x3FAD] =	sst s6  }
0xf: {  	[smem:$0x3FAE] =	sst s7  }
0x10: {  	[smem:$0x3FAF] =	sst s8  }
0x11: {  	[smem:$0x3FB0] =	sst s9;
	s0 =	simm.s32 @!p0 $0x0  }
0x12: {  	s1 =	sld [smem:$0x3F96];
	s0 =	simm.s32 @p0 $0x1  }
0x13: {  	[smem:$0x3FB1] =	sst s0;
	s0 =	simm.s32 @!p1 $0x0  }
0x14: {  	s2 =	sld [smem:$0x3F95];
	s0 =	simm.s32 @p1 $0x1  }
0x15: {  	[smem:$0x3FB2] =	sst s0;
	s0 =	simm.s32 @!p2 $0x0  }
0x16: {  	s3 =	sld [smem:$0x3FDB];
	s0 =	simm.s32 @p2 $0x1  }
0x17: {  	s4 =	simm.s32 $0x1BF5;
	[smem:$0x3FB4] =	sst s0  }
0x18: {  	s0 =	sld [smem:$0x3F97];
	_ =	swait.ge [sflag:s4], $0x0  }
0x19: {  	s7 =	sld [smem:$0x3F98]  }
0x1a: {  	s8 =	sadd.s32 $0xFFFFE003, lr  }
0x1b: {  	s9 =	sadd.s32 $0xFFFFFEF7, lr;
	s5 =	simm.s32 $0xFFFFFFFF;
	p2 =	slt.u32 s8, $0xFFFFF086  }
0x1c: {  	p1 =	slt.u32 s9, $0xF7A;
	s5 =	simm.s32 @!p2 $0x0  }
0x1d: {  	s5 =	simm.s32 @p1 $0x1;
	p0 =	seq.s32 s7, s2  }
0x1e: {  	s7 =	smul.u32 @!p0 $0xF7A, s2;
	p2 =	seq.s32 @!p0 s5, $0x0  }
0x1f: {  	s9 =	smul.u32 $0xF7A, s1;
	s8 =	simm.s32 @!p0 $0x1BF5;
	p2 =	por !p2, p0  }
0x20: {  	[sflag:s8] =	ssyncset.s32 @!p0 $0xFFFFF086;
	s6 =	sadd.s32 @!p0 s3, s7;
	s7 =	simm.s32 @!p0 $0x108  }
0x21: {  	s3 =	sadd.s32 s3, s9;
	s6 =	sadd.s32 @!p0 $0x88, s6;
	s7 =	simm.s32 @p2 $0x1082  }
0x22: {  	[simem:s7], [sflag:s8] =	dma.local @!p0 [hbm:s6], $0xF7A  }
0x23: {  	s9 =	sor.u32 $0xD0000000, s2;
	s6 =	simm.s32 $0x108;
	_ =	swait.ge @!p0 [sflag:s8], $0x0  }
0x24: {  	s3 =	sadd.s32 $0x88, s3;
	s6 =	simm.s32 @!p1 $0x1082;
	[sflag:s4] =	ssyncset.s32 $0xFFFFF086  }
0x25: {  	[simem:s6], [sflag:s4] =	dma.local [hbm:s3], $0xF7A  }
0x26: {  	[smem:$0x3F98] =	sst s1;
	(tag) =	ssettag s2;
	_ =	strace s9  }
0x27: {  	s1 =	sld [smem:$0x3FA8]  }
0x28: {  	s2 =	sld [smem:$0x3FA9]  }
0x29: {  	s4 =	sld [smem:$0x3FAB]  }
0x2a: {  	p0 =	seq.s32 s5, $0x0;
	s5 =	sld [smem:$0x3FAC]  }
0x2b: {  	s6 =	sld [smem:$0x3FAD]  }
0x2c: {  	s7 =	sld [smem:$0x3FAE]  }
0x2d: {  	s3 =	simm.s32 $0x108;
	s8 =	sld [smem:$0x3FAF]  }
0x2e: {  	s3 =	simm.s32 @!p0 $0x1082;
	s9 =	sld [smem:$0x3FB0]  }
0x2f: {  	lr =	sadd.s32 s0, s3;
	s0 =	sld [smem:$0x3FA7]  }
0x30: {  	s3 =	sld [smem:$0x3FAA]  }
0x31: {  	[smem:$0x3FB3] =	sst s10  }
0x32: {  	s10 =	sld [smem:$0x3FB1];
	_ =	sdelay $0x3  }
0x33: {  	p0 =	seq.s32 s10, $0x1;
	s10 =	sld [smem:$0x3FB3];
	_ =	sdelay $0x3  }
0x34: {  	[smem:$0x3FB3] =	sst s10  }
0x35: {  	s10 =	sld [smem:$0x3FB2];
	_ =	sdelay $0x3  }
0x36: {  	p1 =	seq.s32 s10, $0x1;
	s10 =	sld [smem:$0x3FB3];
	_ =	sdelay $0x3  }
0x37: {  	[smem:$0x3FB3] =	sst s10  }
0x38: {  	s10 =	sld [smem:$0x3FB4]  }
0x39: {  	_ = 	snop;
	(pc) =	sbr.ind lr, $3  }
0x3a: {  	_ = 	snop  }
0x3b: {  	_ = 	snop  }
0x3c: {  	p2 =	seq.s32 s10, $0x1;
	s10 =	sld [smem:$0x3FB3]  }
0x3d: {  	_ =	shalt  }
0x3e: {  	_ =	shalt  }
0x3f: {  	_ =	shalt  }
0x40: {  	_ =	shalt  }
0x41: {  	_ =	shalt  }
0x42: {  	_ =	shalt  }
0x43: {  	_ =	shalt  }
0x44: {  	_ =	shalt  }
0x45: {  	_ =	shalt  }
0x46: {  	_ =	shalt  }
0x47: {  	_ =	shalt  }
0x48: {  	_ =	shalt  }
0x49: {  	_ =	shalt  }
0x4a: {  	_ =	shalt  }
0x4b: {  	_ =	shalt  }
0x4c: {  	_ =	shalt  }
0x4d: {  	_ =	shalt  }
0x4e: {  	_ =	shalt  }
0x4f: {  	_ =	shalt  }
0x50: {  	_ =	shalt  }
0x51: {  	_ =	shalt  }
0x52: {  	_ =	shalt  }
0x53: {  	_ =	shalt  }
0x54: {  	_ =	shalt  }
0x55: {  	_ =	shalt  }
0x56: {  	_ =	shalt  }
0x57: {  	_ =	shalt  }
0x58: {  	_ =	shalt  }
0x59: {  	_ =	shalt  }
0x5a: {  	_ =	shalt  }
0x5b: {  	_ =	shalt  }
0x5c: {  	_ =	shalt  }
0x5d: {  	_ =	shalt  }
0x5e: {  	_ =	shalt  }
0x5f: {  	_ =	shalt  }
0x60: {  	_ =	shalt  }
0x61: {  	_ =	shalt  }
0x62: {  	_ =	shalt  }
0x63: {  	_ =	shalt  }
0x64: {  	_ =	shalt  }
0x65: {  	_ =	shalt  }
0x66: {  	_ =	shalt  }
0x67: {  	_ =	shalt  }
0x68: {  	_ =	shalt  }
0x69: {  	_ =	shalt  }
0x6a: {  	_ =	shalt  }
0x6b: {  	_ =	shalt  }
0x6c: {  	_ =	shalt  }
0x6d: {  	_ =	shalt  }
0x6e: {  	_ =	shalt  }
0x6f: {  	_ =	shalt  }
0x70: {  	_ =	shalt  }
0x71: {  	_ =	shalt  }
0x72: {  	_ =	shalt  }
0x73: {  	_ =	shalt  }
0x74: {  	_ =	shalt  }
0x75: {  	_ =	shalt  }
0x76: {  	_ =	shalt  }
0x77: {  	_ =	shalt  }
0x78: {  	_ =	shalt  }
0x79: {  	_ =	shalt  }
0x7a: {  	_ =	shalt  }
0x7b: {  	_ =	shalt  }
0x7c: {  	_ =	shalt  }
0x7d: {  	_ =	shalt  }
0x7e: {  	_ =	shalt  }
0x7f: {  	_ =	shalt  }
0x80: {  	_ =	shalt  }
0x81: {  	_ =	shalt  }
0x82: {  	_ =	shalt  }
0x83: {  	_ =	shalt  }
0x84: {  	_ =	shalt  }
0x85: {  	_ =	shalt  }
0x86: {  	_ =	shalt  }
0x87: {  	_ =	shalt  }
.Lfunc_end0:
.L_simem_size_0:
called_computation_lowered:
.L_overlay_start_0:
0x88: {  	s2 =	sld [smem:$0x3FD9]  }
0x89: {  	s3 =	sld [smem:$0x3FFE];
	_ =	sdelay $0x1  }
0x8a: {  	s1 =	srdreg.scid  }
0x8b: {  	s0 =	sand.u32 $0x1, s1  }
0x8c: {  	s17 =	sshll.u32 s0, $0xA;
	s2 =	sadd.s32 s3, s2  }
0x8d: {  	s2 =	sadd.s32 s2, s17  }
0x8e: {  	[smem:$0x3FBF] =	sst s2  }
0x8f: {  	_ = 	snop  }
0x90: {  	s2 =	sld [smem:$0x3FD0];
	(tm) =	ssettm $0x1  }
0x91: {  	s18 =	sld [smem:$0x3FFB];
	_ =	sdelay $0x3  }
0x92: {  	_ =	strace s18  }
0x93: {  	s3 =	sld [smem:$0x3FFC];
	_ =	sdelay $0x3  }
0x94: {  	_ =	strace s3  }
0x95: {  	s3 =	sld [smem:$0x3FFD];
	_ =	sdelay $0x3  }
0x96: {  	_ =	strace s3  }
0x97: {  	_ =	strace $0x8FFFFFFF  }
0x98: {  	s19 =	sld [smem:$0x3FDB];
	_ =	sdelay $0x1  }
0x99: {  	s4 =	simm.s32 $_scs_section_size  }
0x9a: {  	s5 =	simm.s32 $_size__tile_overlayer_lowered;
	s6 =	simm.s32 $_tile_overlayer_lowered  }
0x9b: {  	s22 =	simm.s32 $0x1BFF;
	s21 =	sshll.u32 s6, $0x1;
	s3 =	sadd.s32 s4, s19  }
0x9c: {  	s7 =	simm.s32 $0x0;
	s20 =	sshll.u32 s5, $0x1;
	s5 =	sadd.s32 s21, s3  }
0x9d: {  	[timem:s7], [sflag:s22] =	dma.local [hbm:s5], s20  }
0x9e: {  	_ =	swait.ge [sflag:s22], s20  }
0x9f: {  	s4 =	ssub.s32 $0x0, s20;
	[sflag:s22] =	ssyncset.done $0x0  }
0xa0: {  	[sflag:s22] =	ssyncadd.s32 s4;
	_ =	sdelay $0x1  }
0xa1: {  	s23 =	simm.s32 $0x1B8B  }
0xa2: {  	_ =	swait.ge [sflag:s23], $0x1  }
0xa3: {  	[sflag:s23] =	ssyncset.done $0x0  }
0xa4: {  	s25 =	simm.s32 $0x1B8E;
	s24 =	sld [smem:$0x3FFE];
	[sflag:s23] =	ssyncadd.s32 $0xFFFFFFFF  }
0xa5: {  	s26 =	simm.s32 $execute0_lowered;
	[smem:$0x3FD2] =	sst s25  }
0xa6: {  	s5 =	sshll.u32 s26, $0x1;
	_ =	strace $0x80000046;
	[dreg:$0x1] =	wrdreg $0xFFFFFFFF  }
0xa7: {  	s28 =	simm.s32 $_size_execute0_lowered;
	s3 =	sadd.s32 s3, s5;
	[dreg:$0x0] =	wrdreg $0x0  }
0xa8: {  	s5 =	sshll.u32 s28, $0x1;
	[dreg:$0x2] =	wrdreg s3  }
0xa9: {  	[dreg:$0x3] =	wrdreg s5  }
0xaa: {  	[dreg:$0x4] =	wrdreg $0xC0  }
0xab: {  	_ =	task [dreg:s7], $0x5FFFF  }
0xac: {  	[dreg:$0x1] =	wrdreg $0xFFFFFFFF  }
0xad: {  	[dreg:$0x0] =	wrdreg $0x60  }
0xae: {  	[dreg:$0x2] =	wrdreg s24  }
0xaf: {  	[dreg:$0x3] =	wrdreg s2  }
0xb0: {  	[dreg:$0x4] =	wrdreg $0x2FD00  }
0xb1: {  	[dreg:$0x5] =	wrdreg $0x9  }
0xb2: {  	_ =	task.clear_ibuf [dreg:s7], $0x6FFFF;
	_ =	strace $0x90000046  }
0xb3: {  	s29 =	simm.s32 $0x9;
	_ =	strace $0x80000048  }
0xb4: {  	_ =	swait.ge [sflag:s29], $0x1  }
0xb5: {  	[sflag:s29] =	ssyncadd.s32 $0xFFFFFFFF  }
0xb6: {  	_ =	strace $0x90000048  }
0xb7: {  	_ =	sfence  }
0xb8: {  	s30 =	sld [smem:$0x0];
	_ =	sdelay $0x2  }
0xb9: {  	s31 =	sshll.u32 s1, $0xD;
	s1 =	sshrl.u32 s1, $0x2  }
0xba: {  	s3 =	sand.u32 $0x4000, s31;
	s1 =	sadd.s32 s1, s30  }
0xbb: {  	s0 =	sor.u32 s3, s0;
	s1 =	sshll.u32 s1, $0x11  }
0xbc: {  	s0 =	sor.u32 s1, s0  }
0xbd: {  	s0 =	sadd.s32 $0x8F2B, s0  }
0xbe: {  	[sflag:s0] =	ssyncadd.remote.s32 $0x1  }
0xbf: {  	_ =	sfence.sel $0xFFFF  }
0xc0: {  	[dreg:$0x0] =	wrdreg $0xFFFFFFFF;
	(pc) =	sbr.abs _section_cstart, $3  }
0xc1: {  	[dreg:$0x1] =	wrdreg $0xFFFFFFFF  }
0xc2: {  	_ =	task.clear_ibuf [dreg:s7], $0x2FFFF;
	_ =	strace $0x9FFFFFFF  }
0xc3: {  	(tm) =	ssettm $0x7FFFFFFF  }
tec
execute0_lowered:
.L_overlay_start_1:
0x0: {  	(tag) =	ssettag $0x1  }
0x1: {  	s0 =	rddreg [dreg:$0x0]  }
0x2: {  	s2 =	rddreg [dreg:$0x1]  }
0x3: {  	s5 =	rddreg [dreg:$0x2]  }
0x4: {  	s7 =	simm.s32 $0x0;
	[dreg:$0x4] =	wrdreg s2  }
0x5: {  	s8 =	simm.s32 $0x200;
	[smem:$0x7FF] =	sst s7  }
0x6: {  	s10 =	simm.s32 $0x300;
	_ =	strace $0x80000047;
	[dreg:$0x9] =	wrdreg s8  }
0x7: {  	s11 =	simm.s32 $0x400;
	[dreg:$0xa] =	wrdreg s10  }
0x8: {  	s12 =	simm.s32 $0x500;
	[dreg:$0xb] =	wrdreg s11  }
0x9: {  	s13 =	simm.s32 $0x600;
	[dreg:$0xc] =	wrdreg s12  }
0xa: {  	s1 =	srdreg.scid;
	s14 =	simm.s32 $0x700;
	[dreg:$0xd] =	wrdreg s13  }
0xb: {  	s9 =	stileid.u32;
	s15 =	simm.s32 $0x800;
	[dreg:$0xe] =	wrdreg s14  }
0xc: {  	s16 =	simm.s32 $0x900;
	s18 =	simm.s32 $0xA00;
	[dreg:$0xf] =	wrdreg s15  }
0xd: {  	s19 =	simm.s32 $0xB00;
	s20 =	simm.s32 $0xC00;
	[dreg:$0x10] =	wrdreg s16  }
0xe: {  	s21 =	simm.s32 $0xD00;
	s22 =	simm.s32 $0xE00;
	[dreg:$0x11] =	wrdreg s18  }
0xf: {  	s30 =	simm.s32 $0x2;
	s23 =	simm.s32 $0xF00;
	[dreg:$0x12] =	wrdreg s19  }
0x10: {  	s24 =	simm.s32 $0x1000;
	s25 =	simm.s32 $0x1100;
	[dreg:$0x13] =	wrdreg s20  }
0x11: {  	s26 =	simm.s32 $0x1200;
	p1 =	por $0x0, $0x0;
	[dreg:$0x14] =	wrdreg s21  }
0x12: {  	s28 =	simm.s32 $0x2500;
	s29 =	simm.s32 $0x2600;
	[dreg:$0x15] =	wrdreg s22  }
0x13: {  	s1 =	sand.u32 $0x1, s1;
	s3 =	smul.u32 $0x1F40, s9;
	[dreg:$0x16] =	wrdreg s23  }
0x14: {  	p0 =	sgt.u32 s9, $0x9;
	s31 =	sshll.u32 s1, $0x4;
	[dreg:$0x17] =	wrdreg s24  }
0x15: {  	s4 =	smul.u32 $0x13880, s1;
	s1 =	ssub.s32 $0x2, s1;
	[dreg:$0x18] =	wrdreg s25  }
0x16: {  	[dreg:$0x19] =	wrdreg s26;
	s8 =	simm.s32 $0xFA;
	s11 =	simm.s32 $0x1500  }
0x17: {  	s12 =	simm.s32 $0x1600;
	s13 =	simm.s32 $0x1700;
	s14 =	simm.s32 $0x1800  }
0x18: {  	s15 =	simm.s32 $0x1900;
	s16 =	simm.s32 $0x1A00;
	s18 =	simm.s32 $0x1C00  }
0x19: {  	s19 =	simm.s32 $0x1D00;
	s20 =	simm.s32 $0x1E00;
	s21 =	simm.s32 $0x1F00  }
0x1a: {  	s22 =	simm.s32 $0x2000;
	s23 =	simm.s32 $0x2100;
	s24 =	simm.s32 $0x2200  }
0x1b: {  	s25 =	simm.s32 $0x2300;
	s26 =	simm.s32 $0x2400;
	s10 =	simm.s32 $0x2700  }
0x1c: {  	s2 =	sor.u32 s9, s31;
	s6 =	sshrl.u32 s3, $0x3;
	s17 =	sshrl.u32 s1, $0x1  }
0x1d: {  	s31 =	simm.s32 $0x1300;
	s2 =	smul.u32 $0x2800, s2;
	s4 =	sadd.s32 s3, s4  }
0x1e: {  	s6 =	sadd.s32 s6, s0;
	s1 =	ssub.s32 s1, s17;
	s3 =	sadd.s32 s3, s5  }
0x1f: {  	[dreg:$0x1a] =	wrdreg s31;
	s1 =	smax.u32 s1, $0x1;
	s2 =	sshrl.u32 s2, $0x3  }
0x20: {  	s4 =	sshrl.u32 s4, $0x3;
	s1 =	sadd.s32 $0xFFFFFFFF, s1;
	s2 =	sadd.s32 s0, s2  }
0x21: {  	s0 =	sadd.s32 s4, s0;
	s4 =	sadd.s32 $0x16C00, s6;
	p2 =	sne.s32 s1, $0x0  }
.Ltmp0:
0x22: {  	s6 =	simm.s32 $0x100;
	[dreg:$0x6] =	wrdreg s4;
	(pc) =	sbr.rel @!p2 .LBB2_1-.Ltmp0, $4  }
0x23: {  	s17 =	simm.s32 $0x1B00;
	s2 =	sadd.s32 $0xCC00, s2;
	[dreg:$0x8] =	wrdreg s6  }
0x24: {  	s3 =	sshrl.u32 @!p0 s3, $0x3;
	s0 =	sadd.s32 $0x19400, s0;
	[dreg:$0x5] =	wrdreg s2  }
0x25: {  	s6 =	simm.s32 $0x2800;
	[dreg:$0x7] =	wrdreg s0;
	s2 =	sshll.u32 @!p0 s9, $0x6  }
0x26: {  	s4 =	simm.s32 $0x1;
	s2 =	sor.u32 @!p0 $0x1C02, s2;
	s0 =	rddreg [dreg:$0x5]  }
0x27: {  	[tilespmem:s7], [sflag:$0x2] =	stream.linear.gather [hbm4b:s0+s7], $0x2800, $0x38;
	[tilespmem:$0x4358] =	vst v63  }
0x28: {  	_ =	swait.ge [sflag:s30], $0x2800  }
0x29: {  	[sflag:s30] =	ssyncset.done $0x0  }
0x2a: {  	s9 =	rddreg [dreg:$0x4];
	[sflag:s30] =	ssyncadd.s32 $0xFFFFD800  }
0x2b: {  	[tilespmem:s6], [sflag:$0x2] =	stream.linear.gather [hbm4b:s9+s7], $0x7D0, $0x38;
	[tilespmem:$0x4358] =	vst v63  }
0x2c: {  	_ =	swait.ge [sflag:s30], $0x7D0  }
0x2d: {  	[sflag:s30] =	ssyncset.done $0x0  }
0x2e: {  	s31 =	simm.s32 @!p0 $0x2;
	s0 =	rddreg [dreg:$0x6];
	[sflag:s30] =	ssyncadd.s32 $0xFFFFF830  }
0x2f: {  	[spmem:s3], [sflag:s2] =	dma.local @!p0 [hbm:s0], $0x3E8  }
0x30: {  	_ =	swait.ge @!p0 [sflag:s31], $0x3E8  }
0x31: {  	[sflag:s31] =	ssyncset.done @!p0 $0x0  }
0x32: {  	[sflag:s31] =	ssyncadd.s32 @!p0 $0xFFFFFC18  }
0x33: {  	[bflag:$0x0] =	sbarrier.arrive $0xFFFF  }
0x34: {  	[spmem:s5] =	stream.indirect.scatter.add.f32 [tilespmem:s6], [sflag:$0x1], $0x8, s7, s8, $0xb8;
	[tilespmem:$0x4358] =	vst v63  }
0x35: {  	s0 =	rddreg [dreg:$0x8]  }
0x36: {  	[spmem:s5] =	stream.indirect.scatter.add.f32 [tilespmem:s6], [sflag:$0x1], $0x8, s0, s8, $0xb8;
	[tilespmem:$0x4358] =	vst v63  }
0x37: {  	s9 =	smov.u32 s1;
	s1 =	rddreg [dreg:$0x9]  }
0x38: {  	[spmem:s5] =	stream.indirect.scatter.add.f32 [tilespmem:s6], [sflag:$0x1], $0x8, s1, s8, $0xb8;
	[tilespmem:$0x4358] =	vst v63  }
0x39: {  	s0 =	rddreg [dreg:$0xa]  }
0x3a: {  	[spmem:s5] =	stream.indirect.scatter.add.f32 [tilespmem:s6], [sflag:$0x1], $0x8, s0, s8, $0xb8;
	[tilespmem:$0x4358] =	vst v63  }
0x3b: {  	s1 =	rddreg [dreg:$0xb]  }
0x3c: {  	[spmem:s5] =	stream.indirect.scatter.add.f32 [tilespmem:s6], [sflag:$0x1], $0x8, s1, s8, $0xb8;
	[tilespmem:$0x4358] =	vst v63  }
0x3d: {  	s0 =	rddreg [dreg:$0xc]  }
0x3e: {  	[spmem:s5] =	stream.indirect.scatter.add.f32 [tilespmem:s6], [sflag:$0x1], $0x8, s0, s8, $0xb8;
	[tilespmem:$0x4358] =	vst v63  }
0x3f: {  	s1 =	rddreg [dreg:$0xd]  }
0x40: {  	[spmem:s5] =	stream.indirect.scatter.add.f32 [tilespmem:s6], [sflag:$0x1], $0x8, s1, s8, $0xb8;
	[tilespmem:$0x4358] =	vst v63  }
0x41: {  	s0 =	rddreg [dreg:$0xe]  }
0x42: {  	[spmem:s5] =	stream.indirect.scatter.add.f32 [tilespmem:s6], [sflag:$0x1], $0x8, s0, s8, $0xb8;
	[tilespmem:$0x4358] =	vst v63  }
0x43: {  	s1 =	rddreg [dreg:$0xf]  }
0x44: {  	[spmem:s5] =	stream.indirect.scatter.add.f32 [tilespmem:s6], [sflag:$0x1], $0x8, s1, s8, $0xb8;
	[tilespmem:$0x4358] =	vst v63  }
0x45: {  	s0 =	rddreg [dreg:$0x10]  }
0x46: {  	[spmem:s5] =	stream.indirect.scatter.add.f32 [tilespmem:s6], [sflag:$0x1], $0x8, s0, s8, $0xb8;
	[tilespmem:$0x4358] =	vst v63  }
0x47: {  	s1 =	rddreg [dreg:$0x11]  }
0x48: {  	[spmem:s5] =	stream.indirect.scatter.add.f32 [tilespmem:s6], [sflag:$0x1], $0x8, s1, s8, $0xb8;
	[tilespmem:$0x4358] =	vst v63  }
0x49: {  	s0 =	rddreg [dreg:$0x12]  }
0x4a: {  	[spmem:s5] =	stream.indirect.scatter.add.f32 [tilespmem:s6], [sflag:$0x1], $0x8, s0, s8, $0xb8;
	[tilespmem:$0x4358] =	vst v63  }
0x4b: {  	s1 =	rddreg [dreg:$0x13]  }
0x4c: {  	[spmem:s5] =	stream.indirect.scatter.add.f32 [tilespmem:s6], [sflag:$0x1], $0x8, s1, s8, $0xb8;
	[tilespmem:$0x4358] =	vst v63  }
0x4d: {  	s0 =	rddreg [dreg:$0x14]  }
0x4e: {  	[spmem:s5] =	stream.indirect.scatter.add.f32 [tilespmem:s6], [sflag:$0x1], $0x8, s0, s8, $0xb8;
	[tilespmem:$0x4358] =	vst v63  }
0x4f: {  	s1 =	rddreg [dreg:$0x15]  }
0x50: {  	[spmem:s5] =	stream.indirect.scatter.add.f32 [tilespmem:s6], [sflag:$0x1], $0x8, s1, s8, $0xb8;
	[tilespmem:$0x4358] =	vst v63  }
0x51: {  	s0 =	rddreg [dreg:$0x16]  }
0x52: {  	[spmem:s5] =	stream.indirect.scatter.add.f32 [tilespmem:s6], [sflag:$0x1], $0x8, s0, s8, $0xb8;
	[tilespmem:$0x4358] =	vst v63  }
0x53: {  	s1 =	rddreg [dreg:$0x17]  }
0x54: {  	[spmem:s5] =	stream.indirect.scatter.add.f32 [tilespmem:s6], [sflag:$0x1], $0x8, s1, s8, $0xb8;
	[tilespmem:$0x4358] =	vst v63  }
0x55: {  	s0 =	rddreg [dreg:$0x18]  }
0x56: {  	[spmem:s5] =	stream.indirect.scatter.add.f32 [tilespmem:s6], [sflag:$0x1], $0x8, s0, s8, $0xb8;
	[tilespmem:$0x4358] =	vst v63  }
0x57: {  	s1 =	rddreg [dreg:$0x19]  }
0x58: {  	[spmem:s5] =	stream.indirect.scatter.add.f32 [tilespmem:s6], [sflag:$0x1], $0x8, s1, s8, $0xb8;
	[tilespmem:$0x4358] =	vst v63  }
0x59: {  	s0 =	rddreg [dreg:$0x1a]  }
0x5a: {  	[spmem:s5] =	stream.indirect.scatter.add.f32 [tilespmem:s6], [sflag:$0x1], $0x8, s0, s8, $0xb8;
	[tilespmem:$0x4358] =	vst v63  }
0x5b: {  	s1 =	simm.s32 $0x1400  }
0x5c: {  	[spmem:s5] =	stream.indirect.scatter.add.f32 [tilespmem:s6], [sflag:$0x1], $0x8, s1, s8, $0xb8;
	[tilespmem:$0x4358] =	vst v63  }
0x5d: {  	_ = 	snop  }
0x5e: {  	[spmem:s5] =	stream.indirect.scatter.add.f32 [tilespmem:s6], [sflag:$0x1], $0x8, s11, s8, $0xb8;
	[tilespmem:$0x4358] =	vst v63  }
0x5f: {  	_ = 	snop  }
0x60: {  	[spmem:s5] =	stream.indirect.scatter.add.f32 [tilespmem:s6], [sflag:$0x1], $0x8, s12, s8, $0xb8;
	[tilespmem:$0x4358] =	vst v63  }
0x61: {  	_ = 	snop  }
0x62: {  	[spmem:s5] =	stream.indirect.scatter.add.f32 [tilespmem:s6], [sflag:$0x1], $0x8, s13, s8, $0xb8;
	[tilespmem:$0x4358] =	vst v63  }
0x63: {  	_ = 	snop  }
0x64: {  	[spmem:s5] =	stream.indirect.scatter.add.f32 [tilespmem:s6], [sflag:$0x1], $0x8, s14, s8, $0xb8;
	[tilespmem:$0x4358] =	vst v63  }
0x65: {  	_ = 	snop  }
0x66: {  	[spmem:s5] =	stream.indirect.scatter.add.f32 [tilespmem:s6], [sflag:$0x1], $0x8, s15, s8, $0xb8;
	[tilespmem:$0x4358] =	vst v63  }
0x67: {  	_ = 	snop  }
0x68: {  	[spmem:s5] =	stream.indirect.scatter.add.f32 [tilespmem:s6], [sflag:$0x1], $0x8, s16, s8, $0xb8;
	[tilespmem:$0x4358] =	vst v63  }
0x69: {  	_ = 	snop  }
0x6a: {  	[spmem:s5] =	stream.indirect.scatter.add.f32 [tilespmem:s6], [sflag:$0x1], $0x8, s17, s8, $0xb8;
	[tilespmem:$0x4358] =	vst v63  }
0x6b: {  	_ = 	snop  }
0x6c: {  	[spmem:s5] =	stream.indirect.scatter.add.f32 [tilespmem:s6], [sflag:$0x1], $0x8, s18, s8, $0xb8;
	[tilespmem:$0x4358] =	vst v63  }
0x6d: {  	_ = 	snop  }
0x6e: {  	[spmem:s5] =	stream.indirect.scatter.add.f32 [tilespmem:s6], [sflag:$0x1], $0x8, s19, s8, $0xb8;
	[tilespmem:$0x4358] =	vst v63  }
0x6f: {  	_ = 	snop  }
0x70: {  	[spmem:s5] =	stream.indirect.scatter.add.f32 [tilespmem:s6], [sflag:$0x1], $0x8, s20, s8, $0xb8;
	[tilespmem:$0x4358] =	vst v63  }
0x71: {  	_ = 	snop  }
0x72: {  	[spmem:s5] =	stream.indirect.scatter.add.f32 [tilespmem:s6], [sflag:$0x1], $0x8, s21, s8, $0xb8;
	[tilespmem:$0x4358] =	vst v63  }
0x73: {  	_ = 	snop  }
0x74: {  	[spmem:s5] =	stream.indirect.scatter.add.f32 [tilespmem:s6], [sflag:$0x1], $0x8, s22, s8, $0xb8;
	[tilespmem:$0x4358] =	vst v63  }
0x75: {  	_ = 	snop  }
0x76: {  	[spmem:s5] =	stream.indirect.scatter.add.f32 [tilespmem:s6], [sflag:$0x1], $0x8, s23, s8, $0xb8;
	[tilespmem:$0x4358] =	vst v63  }
0x77: {  	_ = 	snop  }
0x78: {  	[spmem:s5] =	stream.indirect.scatter.add.f32 [tilespmem:s6], [sflag:$0x1], $0x8, s24, s8, $0xb8;
	[tilespmem:$0x4358] =	vst v63  }
0x79: {  	_ = 	snop  }
0x7a: {  	[spmem:s5] =	stream.indirect.scatter.add.f32 [tilespmem:s6], [sflag:$0x1], $0x8, s25, s8, $0xb8;
	[tilespmem:$0x4358] =	vst v63  }
0x7b: {  	_ = 	snop  }
0x7c: {  	[spmem:s5] =	stream.indirect.scatter.add.f32 [tilespmem:s6], [sflag:$0x1], $0x8, s26, s8, $0xb8;
	[tilespmem:$0x4358] =	vst v63  }
0x7d: {  	_ = 	snop  }
0x7e: {  	[spmem:s5] =	stream.indirect.scatter.add.f32 [tilespmem:s6], [sflag:$0x1], $0x8, s28, s8, $0xb8;
	[tilespmem:$0x4358] =	vst v63  }
0x7f: {  	_ = 	snop  }
0x80: {  	[spmem:s5] =	stream.indirect.scatter.add.f32 [tilespmem:s6], [sflag:$0x1], $0x8, s29, s8, $0xb8;
	[tilespmem:$0x4358] =	vst v63  }
0x81: {  	_ = 	snop  }
0x82: {  	[spmem:s5] =	stream.indirect.scatter.add.f32 [tilespmem:s6], [sflag:$0x1], $0x8, s10, s8, $0xb8;
	[tilespmem:$0x4358] =	vst v63  }
0x83: {  	_ =	swait.ge [sflag:s4], $0x7D0  }
0x84: {  	[sflag:s4] =	ssyncset.done $0x0  }
0x85: {  	[sflag:s4] =	ssyncadd.s32 $0xFFFFF830  }
0x86: {  	_ =	swait.ge [sflag:s4], $0x7D0  }
0x87: {  	[sflag:s4] =	ssyncset.done $0x0  }
0x88: {  	[sflag:s4] =	ssyncadd.s32 $0xFFFFF830  }
0x89: {  	_ =	swait.ge [sflag:s4], $0x7D0  }
0x8a: {  	[sflag:s4] =	ssyncset.done $0x0  }
0x8b: {  	[sflag:s4] =	ssyncadd.s32 $0xFFFFF830  }
0x8c: {  	_ =	swait.ge [sflag:s4], $0x7D0  }
0x8d: {  	[sflag:s4] =	ssyncset.done $0x0  }
0x8e: {  	[sflag:s4] =	ssyncadd.s32 $0xFFFFF830  }
0x8f: {  	_ =	swait.ge [sflag:s4], $0x7D0  }
0x90: {  	[sflag:s4] =	ssyncset.done $0x0  }
0x91: {  	[sflag:s4] =	ssyncadd.s32 $0xFFFFF830  }
0x92: {  	_ =	swait.ge [sflag:s4], $0x7D0  }
0x93: {  	[sflag:s4] =	ssyncset.done $0x0  }
0x94: {  	[sflag:s4] =	ssyncadd.s32 $0xFFFFF830  }
0x95: {  	_ =	swait.ge [sflag:s4], $0x7D0  }
0x96: {  	[sflag:s4] =	ssyncset.done $0x0  }
0x97: {  	[sflag:s4] =	ssyncadd.s32 $0xFFFFF830  }
0x98: {  	_ =	swait.ge [sflag:s4], $0x7D0  }
0x99: {  	[sflag:s4] =	ssyncset.done $0x0  }
0x9a: {  	[sflag:s4] =	ssyncadd.s32 $0xFFFFF830  }
0x9b: {  	_ =	swait.ge [sflag:s4], $0x7D0  }
0x9c: {  	[sflag:s4] =	ssyncset.done $0x0  }
0x9d: {  	[sflag:s4] =	ssyncadd.s32 $0xFFFFF830  }
0x9e: {  	_ =	swait.ge [sflag:s4], $0x7D0  }
0x9f: {  	[sflag:s4] =	ssyncset.done $0x0  }
0xa0: {  	[sflag:s4] =	ssyncadd.s32 $0xFFFFF830  }
0xa1: {  	_ =	swait.ge [sflag:s4], $0x7D0  }
0xa2: {  	[sflag:s4] =	ssyncset.done $0x0  }
0xa3: {  	[sflag:s4] =	ssyncadd.s32 $0xFFFFF830  }
0xa4: {  	_ =	swait.ge [sflag:s4], $0x7D0  }
0xa5: {  	[sflag:s4] =	ssyncset.done $0x0  }
0xa6: {  	[sflag:s4] =	ssyncadd.s32 $0xFFFFF830  }
0xa7: {  	_ =	swait.ge [sflag:s4], $0x7D0  }
0xa8: {  	[sflag:s4] =	ssyncset.done $0x0  }
0xa9: {  	[sflag:s4] =	ssyncadd.s32 $0xFFFFF830  }
0xaa: {  	_ =	swait.ge [sflag:s4], $0x7D0  }
0xab: {  	[sflag:s4] =	ssyncset.done $0x0  }
0xac: {  	[sflag:s4] =	ssyncadd.s32 $0xFFFFF830  }
0xad: {  	_ =	swait.ge [sflag:s4], $0x7D0  }
0xae: {  	[sflag:s4] =	ssyncset.done $0x0  }
0xaf: {  	[sflag:s4] =	ssyncadd.s32 $0xFFFFF830  }
0xb0: {  	_ =	swait.ge [sflag:s4], $0x7D0  }
0xb1: {  	[sflag:s4] =	ssyncset.done $0x0  }
0xb2: {  	[sflag:s4] =	ssyncadd.s32 $0xFFFFF830  }
0xb3: {  	_ =	swait.ge [sflag:s4], $0x7D0  }
0xb4: {  	[sflag:s4] =	ssyncset.done $0x0  }
0xb5: {  	[sflag:s4] =	ssyncadd.s32 $0xFFFFF830  }
0xb6: {  	_ =	swait.ge [sflag:s4], $0x7D0  }
0xb7: {  	[sflag:s4] =	ssyncset.done $0x0  }
0xb8: {  	[sflag:s4] =	ssyncadd.s32 $0xFFFFF830  }
0xb9: {  	_ =	swait.ge [sflag:s4], $0x7D0  }
0xba: {  	[sflag:s4] =	ssyncset.done $0x0  }
0xbb: {  	[sflag:s4] =	ssyncadd.s32 $0xFFFFF830  }
0xbc: {  	_ =	swait.ge [sflag:s4], $0x7D0  }
0xbd: {  	[sflag:s4] =	ssyncset.done $0x0  }
0xbe: {  	[sflag:s4] =	ssyncadd.s32 $0xFFFFF830  }
0xbf: {  	_ =	swait.ge [sflag:s4], $0x7D0  }
0xc0: {  	[sflag:s4] =	ssyncset.done $0x0  }
0xc1: {  	[sflag:s4] =	ssyncadd.s32 $0xFFFFF830  }
0xc2: {  	_ =	swait.ge [sflag:s4], $0x7D0  }
0xc3: {  	[sflag:s4] =	ssyncset.done $0x0  }
0xc4: {  	[sflag:s4] =	ssyncadd.s32 $0xFFFFF830  }
0xc5: {  	_ =	swait.ge [sflag:s4], $0x7D0  }
0xc6: {  	[sflag:s4] =	ssyncset.done $0x0  }
0xc7: {  	[sflag:s4] =	ssyncadd.s32 $0xFFFFF830  }
0xc8: {  	_ =	swait.ge [sflag:s4], $0x7D0  }
0xc9: {  	[sflag:s4] =	ssyncset.done $0x0  }
0xca: {  	[sflag:s4] =	ssyncadd.s32 $0xFFFFF830  }
0xcb: {  	_ =	swait.ge [sflag:s4], $0x7D0  }
0xcc: {  	[sflag:s4] =	ssyncset.done $0x0  }
0xcd: {  	[sflag:s4] =	ssyncadd.s32 $0xFFFFF830  }
0xce: {  	_ =	swait.ge [sflag:s4], $0x7D0  }
0xcf: {  	[sflag:s4] =	ssyncset.done $0x0  }
0xd0: {  	[sflag:s4] =	ssyncadd.s32 $0xFFFFF830  }
0xd1: {  	_ =	swait.ge [sflag:s4], $0x7D0  }
0xd2: {  	[sflag:s4] =	ssyncset.done $0x0  }
0xd3: {  	[sflag:s4] =	ssyncadd.s32 $0xFFFFF830  }
0xd4: {  	_ =	swait.ge [sflag:s4], $0x7D0  }
0xd5: {  	[sflag:s4] =	ssyncset.done $0x0  }
0xd6: {  	[sflag:s4] =	ssyncadd.s32 $0xFFFFF830  }
0xd7: {  	_ =	swait.ge [sflag:s4], $0x7D0  }
0xd8: {  	[sflag:s4] =	ssyncset.done $0x0  }
0xd9: {  	[sflag:s4] =	ssyncadd.s32 $0xFFFFF830  }
0xda: {  	_ =	swait.ge [sflag:s4], $0x7D0  }
0xdb: {  	[sflag:s4] =	ssyncset.done $0x0  }
0xdc: {  	[sflag:s4] =	ssyncadd.s32 $0xFFFFF830  }
0xdd: {  	_ =	swait.ge [sflag:s4], $0x7D0  }
0xde: {  	[sflag:s4] =	ssyncset.done $0x0  }
0xdf: {  	[sflag:s4] =	ssyncadd.s32 $0xFFFFF830  }
0xe0: {  	_ =	swait.ge [sflag:s4], $0x7D0  }
0xe1: {  	[sflag:s4] =	ssyncset.done $0x0  }
0xe2: {  	[sflag:s4] =	ssyncadd.s32 $0xFFFFF830  }
0xe3: {  	_ =	swait.ge [sflag:s4], $0x7D0  }
0xe4: {  	[sflag:s4] =	ssyncset.done $0x0  }
0xe5: {  	[sflag:s4] =	ssyncadd.s32 $0xFFFFF830  }
0xe6: {  	_ =	swait.ge [sflag:s4], $0x7D0  }
0xe7: {  	[sflag:s4] =	ssyncset.done $0x0  }
0xe8: {  	[sflag:s4] =	ssyncadd.s32 $0xFFFFF830  }
0xe9: {  	_ =	swait.ge [sflag:s4], $0x7D0  }
0xea: {  	[sflag:s4] =	ssyncset.done $0x0  }
0xeb: {  	[sflag:s4] =	ssyncadd.s32 $0xFFFFF830  }
0xec: {  	_ =	swait.ge [sflag:s4], $0x7D0  }
0xed: {  	[sflag:s4] =	ssyncset.done $0x0  }
0xee: {  	[sflag:s4] =	ssyncadd.s32 $0xFFFFF830  }
0xef: {  	_ =	swait.ge [sflag:s4], $0x7D0  }
0xf0: {  	[sflag:s4] =	ssyncset.done $0x0  }
0xf1: {  	[sflag:s4] =	ssyncadd.s32 $0xFFFFF830  }
0xf2: {  	_ =	swait.ge [sflag:s4], $0x7D0  }
0xf3: {  	[sflag:s4] =	ssyncset.done $0x0  }
0xf4: {  	[sflag:s4] =	ssyncadd.s32 $0xFFFFF830  }
0xf5: {  	_ =	swait.ge [sflag:s4], $0x7D0  }
0xf6: {  	[sflag:s4] =	ssyncset.done $0x0  }
0xf7: {  	[sflag:s4] =	ssyncadd.s32 $0xFFFFF830  }
0xf8: {  	_ =	swait.ge [sflag:s4], $0x7D0  }
0xf9: {  	s1 =	sadd.s32 $0xFFFFFFFF, s9;
	[sflag:s4] =	ssyncset.done $0x0  }
0xfa: {  	p2 =	sne.s32 s1, $0x0;
	[sflag:s4] =	ssyncadd.s32 $0xFFFFF830  }
.Ltmp1:
0xfb: {  	[bflag:$0x0] =	sbarrier.arrive $0xFFFF;
	(pc) =	sbr.rel @!p2 .LBB2_3-.Ltmp1, $4  }
0xfc: {  	s0 =	rddreg [dreg:$0x7]  }
0xfd: {  	[hbm:s0], [sflag:s2] =	dma.local @!p0 [spmem:s3], $0x3E8  }
0xfe: {  	_ =	swait.ge @!p0 [sflag:s31], $0x3E8  }
0xff: {  	p1 =	por $0x1, $0x1;
	s0 =	rddreg [dreg:$0x5];
	[sflag:s31] =	ssyncset.done @!p0 $0x0  }
.LBB2_4:
0x100: {  	[sflag:s31] =	ssyncadd.s32 @!p0 $0xFFFFFC18  }
0x101: {  	[tilespmem:s7], [sflag:$0x2] =	stream.linear.gather [hbm4b:s0+s7], $0x2800, $0x38;
	[tilespmem:$0x4358] =	vst v63  }
0x102: {  	_ =	swait.ge [sflag:s30], $0x2800  }
0x103: {  	[sflag:s30] =	ssyncset.done $0x0  }
0x104: {  	s9 =	rddreg [dreg:$0x4];
	[sflag:s30] =	ssyncadd.s32 $0xFFFFD800  }
0x105: {  	[tilespmem:s6], [sflag:$0x2] =	stream.linear.gather [hbm4b:s9+s7], $0x7D0, $0x38;
	[tilespmem:$0x4358] =	vst v63  }
0x106: {  	_ =	swait.ge [sflag:s30], $0x7D0  }
0x107: {  	[sflag:s30] =	ssyncset.done $0x0  }
0x108: {  	s0 =	rddreg [dreg:$0x6];
	[sflag:s30] =	ssyncadd.s32 $0xFFFFF830  }
0x109: {  	[spmem:s3], [sflag:s2] =	dma.local @!p0 [hbm:s0], $0x3E8  }
0x10a: {  	_ =	swait.ge @!p0 [sflag:s31], $0x3E8  }
0x10b: {  	[sflag:s31] =	ssyncset.done @!p0 $0x0  }
0x10c: {  	[sflag:s31] =	ssyncadd.s32 @!p0 $0xFFFFFC18  }
0x10d: {  	[bflag:$0x0] =	sbarrier.arrive $0xFFFF  }
0x10e: {  	[spmem:s5] =	stream.indirect.scatter.add.f32 [tilespmem:s6], [sflag:$0x1], $0x8, s7, s8, $0xb8;
	[tilespmem:$0x4358] =	vst v63  }
0x10f: {  	s0 =	rddreg [dreg:$0x8]  }
0x110: {  	[spmem:s5] =	stream.indirect.scatter.add.f32 [tilespmem:s6], [sflag:$0x1], $0x8, s0, s8, $0xb8;
	[tilespmem:$0x4358] =	vst v63  }
0x111: {  	s9 =	rddreg [dreg:$0x9]  }
0x112: {  	[spmem:s5] =	stream.indirect.scatter.add.f32 [tilespmem:s6], [sflag:$0x1], $0x8, s9, s8, $0xb8;
	[tilespmem:$0x4358] =	vst v63  }
0x113: {  	s0 =	rddreg [dreg:$0xa]  }
0x114: {  	[spmem:s5] =	stream.indirect.scatter.add.f32 [tilespmem:s6], [sflag:$0x1], $0x8, s0, s8, $0xb8;
	[tilespmem:$0x4358] =	vst v63  }
0x115: {  	s9 =	rddreg [dreg:$0xb]  }
0x116: {  	[spmem:s5] =	stream.indirect.scatter.add.f32 [tilespmem:s6], [sflag:$0x1], $0x8, s9, s8, $0xb8;
	[tilespmem:$0x4358] =	vst v63  }
0x117: {  	s0 =	rddreg [dreg:$0xc]  }
0x118: {  	[spmem:s5] =	stream.indirect.scatter.add.f32 [tilespmem:s6], [sflag:$0x1], $0x8, s0, s8, $0xb8;
	[tilespmem:$0x4358] =	vst v63  }
0x119: {  	s9 =	rddreg [dreg:$0xd]  }
0x11a: {  	[spmem:s5] =	stream.indirect.scatter.add.f32 [tilespmem:s6], [sflag:$0x1], $0x8, s9, s8, $0xb8;
	[tilespmem:$0x4358] =	vst v63  }
0x11b: {  	s0 =	rddreg [dreg:$0xe]  }
0x11c: {  	[spmem:s5] =	stream.indirect.scatter.add.f32 [tilespmem:s6], [sflag:$0x1], $0x8, s0, s8, $0xb8;
	[tilespmem:$0x4358] =	vst v63  }
0x11d: {  	s9 =	rddreg [dreg:$0xf]  }
0x11e: {  	[spmem:s5] =	stream.indirect.scatter.add.f32 [tilespmem:s6], [sflag:$0x1], $0x8, s9, s8, $0xb8;
	[tilespmem:$0x4358] =	vst v63  }
0x11f: {  	s0 =	rddreg [dreg:$0x10]  }
0x120: {  	[spmem:s5] =	stream.indirect.scatter.add.f32 [tilespmem:s6], [sflag:$0x1], $0x8, s0, s8, $0xb8;
	[tilespmem:$0x4358] =	vst v63  }
0x121: {  	s9 =	rddreg [dreg:$0x11]  }
0x122: {  	[spmem:s5] =	stream.indirect.scatter.add.f32 [tilespmem:s6], [sflag:$0x1], $0x8, s9, s8, $0xb8;
	[tilespmem:$0x4358] =	vst v63  }
0x123: {  	s0 =	rddreg [dreg:$0x12]  }
0x124: {  	[spmem:s5] =	stream.indirect.scatter.add.f32 [tilespmem:s6], [sflag:$0x1], $0x8, s0, s8, $0xb8;
	[tilespmem:$0x4358] =	vst v63  }
0x125: {  	s9 =	rddreg [dreg:$0x13]  }
0x126: {  	[spmem:s5] =	stream.indirect.scatter.add.f32 [tilespmem:s6], [sflag:$0x1], $0x8, s9, s8, $0xb8;
	[tilespmem:$0x4358] =	vst v63  }
0x127: {  	s0 =	rddreg [dreg:$0x14]  }
0x128: {  	[spmem:s5] =	stream.indirect.scatter.add.f32 [tilespmem:s6], [sflag:$0x1], $0x8, s0, s8, $0xb8;
	[tilespmem:$0x4358] =	vst v63  }
0x129: {  	s9 =	rddreg [dreg:$0x15]  }
0x12a: {  	[spmem:s5] =	stream.indirect.scatter.add.f32 [tilespmem:s6], [sflag:$0x1], $0x8, s9, s8, $0xb8;
	[tilespmem:$0x4358] =	vst v63  }
0x12b: {  	s0 =	rddreg [dreg:$0x16]  }
0x12c: {  	[spmem:s5] =	stream.indirect.scatter.add.f32 [tilespmem:s6], [sflag:$0x1], $0x8, s0, s8, $0xb8;
	[tilespmem:$0x4358] =	vst v63  }
0x12d: {  	s9 =	rddreg [dreg:$0x17]  }
0x12e: {  	[spmem:s5] =	stream.indirect.scatter.add.f32 [tilespmem:s6], [sflag:$0x1], $0x8, s9, s8, $0xb8;
	[tilespmem:$0x4358] =	vst v63  }
0x12f: {  	s0 =	rddreg [dreg:$0x18]  }
0x130: {  	[spmem:s5] =	stream.indirect.scatter.add.f32 [tilespmem:s6], [sflag:$0x1], $0x8, s0, s8, $0xb8;
	[tilespmem:$0x4358] =	vst v63  }
0x131: {  	s9 =	rddreg [dreg:$0x19]  }
0x132: {  	[spmem:s5] =	stream.indirect.scatter.add.f32 [tilespmem:s6], [sflag:$0x1], $0x8, s9, s8, $0xb8;
	[tilespmem:$0x4358] =	vst v63  }
0x133: {  	s0 =	rddreg [dreg:$0x1a]  }
0x134: {  	[spmem:s5] =	stream.indirect.scatter.add.f32 [tilespmem:s6], [sflag:$0x1], $0x8, s0, s8, $0xb8;
	[tilespmem:$0x4358] =	vst v63  }
0x135: {  	s9 =	simm.s32 $0x1400  }
0x136: {  	[spmem:s5] =	stream.indirect.scatter.add.f32 [tilespmem:s6], [sflag:$0x1], $0x8, s9, s8, $0xb8;
	[tilespmem:$0x4358] =	vst v63  }
0x137: {  	_ = 	snop  }
0x138: {  	[spmem:s5] =	stream.indirect.scatter.add.f32 [tilespmem:s6], [sflag:$0x1], $0x8, s11, s8, $0xb8;
	[tilespmem:$0x4358] =	vst v63  }
0x139: {  	_ = 	snop  }
0x13a: {  	[spmem:s5] =	stream.indirect.scatter.add.f32 [tilespmem:s6], [sflag:$0x1], $0x8, s12, s8, $0xb8;
	[tilespmem:$0x4358] =	vst v63  }
0x13b: {  	_ = 	snop  }
0x13c: {  	[spmem:s5] =	stream.indirect.scatter.add.f32 [tilespmem:s6], [sflag:$0x1], $0x8, s13, s8, $0xb8;
	[tilespmem:$0x4358] =	vst v63  }
0x13d: {  	_ = 	snop  }
0x13e: {  	[spmem:s5] =	stream.indirect.scatter.add.f32 [tilespmem:s6], [sflag:$0x1], $0x8, s14, s8, $0xb8;
	[tilespmem:$0x4358] =	vst v63  }
0x13f: {  	_ = 	snop  }
0x140: {  	[spmem:s5] =	stream.indirect.scatter.add.f32 [tilespmem:s6], [sflag:$0x1], $0x8, s15, s8, $0xb8;
	[tilespmem:$0x4358] =	vst v63  }
0x141: {  	_ = 	snop  }
0x142: {  	[spmem:s5] =	stream.indirect.scatter.add.f32 [tilespmem:s6], [sflag:$0x1], $0x8, s16, s8, $0xb8;
	[tilespmem:$0x4358] =	vst v63  }
0x143: {  	_ = 	snop  }
0x144: {  	[spmem:s5] =	stream.indirect.scatter.add.f32 [tilespmem:s6], [sflag:$0x1], $0x8, s17, s8, $0xb8;
	[tilespmem:$0x4358] =	vst v63  }
0x145: {  	_ = 	snop  }
0x146: {  	[spmem:s5] =	stream.indirect.scatter.add.f32 [tilespmem:s6], [sflag:$0x1], $0x8, s18, s8, $0xb8;
	[tilespmem:$0x4358] =	vst v63  }
0x147: {  	_ = 	snop  }
0x148: {  	[spmem:s5] =	stream.indirect.scatter.add.f32 [tilespmem:s6], [sflag:$0x1], $0x8, s19, s8, $0xb8;
	[tilespmem:$0x4358] =	vst v63  }
0x149: {  	_ = 	snop  }
0x14a: {  	[spmem:s5] =	stream.indirect.scatter.add.f32 [tilespmem:s6], [sflag:$0x1], $0x8, s20, s8, $0xb8;
	[tilespmem:$0x4358] =	vst v63  }
0x14b: {  	_ = 	snop  }
0x14c: {  	[spmem:s5] =	stream.indirect.scatter.add.f32 [tilespmem:s6], [sflag:$0x1], $0x8, s21, s8, $0xb8;
	[tilespmem:$0x4358] =	vst v63  }
0x14d: {  	_ = 	snop  }
0x14e: {  	[spmem:s5] =	stream.indirect.scatter.add.f32 [tilespmem:s6], [sflag:$0x1], $0x8, s22, s8, $0xb8;
	[tilespmem:$0x4358] =	vst v63  }
0x14f: {  	_ = 	snop  }
0x150: {  	[spmem:s5] =	stream.indirect.scatter.add.f32 [tilespmem:s6], [sflag:$0x1], $0x8, s23, s8, $0xb8;
	[tilespmem:$0x4358] =	vst v63  }
0x151: {  	_ = 	snop  }
0x152: {  	[spmem:s5] =	stream.indirect.scatter.add.f32 [tilespmem:s6], [sflag:$0x1], $0x8, s24, s8, $0xb8;
	[tilespmem:$0x4358] =	vst v63  }
0x153: {  	_ = 	snop  }
0x154: {  	[spmem:s5] =	stream.indirect.scatter.add.f32 [tilespmem:s6], [sflag:$0x1], $0x8, s25, s8, $0xb8;
	[tilespmem:$0x4358] =	vst v63  }
0x155: {  	_ = 	snop  }
0x156: {  	[spmem:s5] =	stream.indirect.scatter.add.f32 [tilespmem:s6], [sflag:$0x1], $0x8, s26, s8, $0xb8;
	[tilespmem:$0x4358] =	vst v63  }
0x157: {  	_ = 	snop  }
0x158: {  	[spmem:s5] =	stream.indirect.scatter.add.f32 [tilespmem:s6], [sflag:$0x1], $0x8, s28, s8, $0xb8;
	[tilespmem:$0x4358] =	vst v63  }
0x159: {  	_ = 	snop  }
0x15a: {  	[spmem:s5] =	stream.indirect.scatter.add.f32 [tilespmem:s6], [sflag:$0x1], $0x8, s29, s8, $0xb8;
	[tilespmem:$0x4358] =	vst v63  }
0x15b: {  	_ = 	snop  }
0x15c: {  	[spmem:s5] =	stream.indirect.scatter.add.f32 [tilespmem:s6], [sflag:$0x1], $0x8, s10, s8, $0xb8;
	[tilespmem:$0x4358] =	vst v63  }
0x15d: {  	_ =	swait.ge [sflag:s4], $0x7D0  }
0x15e: {  	[sflag:s4] =	ssyncset.done $0x0  }
0x15f: {  	[sflag:s4] =	ssyncadd.s32 $0xFFFFF830  }
0x160: {  	_ =	swait.ge [sflag:s4], $0x7D0  }
0x161: {  	[sflag:s4] =	ssyncset.done $0x0  }
0x162: {  	[sflag:s4] =	ssyncadd.s32 $0xFFFFF830  }
0x163: {  	_ =	swait.ge [sflag:s4], $0x7D0  }
0x164: {  	[sflag:s4] =	ssyncset.done $0x0  }
0x165: {  	[sflag:s4] =	ssyncadd.s32 $0xFFFFF830  }
0x166: {  	_ =	swait.ge [sflag:s4], $0x7D0  }
0x167: {  	[sflag:s4] =	ssyncset.done $0x0  }
0x168: {  	[sflag:s4] =	ssyncadd.s32 $0xFFFFF830  }
0x169: {  	_ =	swait.ge [sflag:s4], $0x7D0  }
0x16a: {  	[sflag:s4] =	ssyncset.done $0x0  }
0x16b: {  	[sflag:s4] =	ssyncadd.s32 $0xFFFFF830  }
0x16c: {  	_ =	swait.ge [sflag:s4], $0x7D0  }
0x16d: {  	[sflag:s4] =	ssyncset.done $0x0  }
0x16e: {  	[sflag:s4] =	ssyncadd.s32 $0xFFFFF830  }
0x16f: {  	_ =	swait.ge [sflag:s4], $0x7D0  }
0x170: {  	[sflag:s4] =	ssyncset.done $0x0  }
0x171: {  	[sflag:s4] =	ssyncadd.s32 $0xFFFFF830  }
0x172: {  	_ =	swait.ge [sflag:s4], $0x7D0  }
0x173: {  	[sflag:s4] =	ssyncset.done $0x0  }
0x174: {  	[sflag:s4] =	ssyncadd.s32 $0xFFFFF830  }
0x175: {  	_ =	swait.ge [sflag:s4], $0x7D0  }
0x176: {  	[sflag:s4] =	ssyncset.done $0x0  }
0x177: {  	[sflag:s4] =	ssyncadd.s32 $0xFFFFF830  }
0x178: {  	_ =	swait.ge [sflag:s4], $0x7D0  }
0x179: {  	[sflag:s4] =	ssyncset.done $0x0  }
0x17a: {  	[sflag:s4] =	ssyncadd.s32 $0xFFFFF830  }
0x17b: {  	_ =	swait.ge [sflag:s4], $0x7D0  }
0x17c: {  	[sflag:s4] =	ssyncset.done $0x0  }
0x17d: {  	[sflag:s4] =	ssyncadd.s32 $0xFFFFF830  }
0x17e: {  	_ =	swait.ge [sflag:s4], $0x7D0  }
0x17f: {  	[sflag:s4] =	ssyncset.done $0x0  }
0x180: {  	[sflag:s4] =	ssyncadd.s32 $0xFFFFF830  }
0x181: {  	_ =	swait.ge [sflag:s4], $0x7D0  }
0x182: {  	[sflag:s4] =	ssyncset.done $0x0  }
0x183: {  	[sflag:s4] =	ssyncadd.s32 $0xFFFFF830  }
0x184: {  	_ =	swait.ge [sflag:s4], $0x7D0  }
0x185: {  	[sflag:s4] =	ssyncset.done $0x0  }
0x186: {  	[sflag:s4] =	ssyncadd.s32 $0xFFFFF830  }
0x187: {  	_ =	swait.ge [sflag:s4], $0x7D0  }
0x188: {  	[sflag:s4] =	ssyncset.done $0x0  }
0x189: {  	[sflag:s4] =	ssyncadd.s32 $0xFFFFF830  }
0x18a: {  	_ =	swait.ge [sflag:s4], $0x7D0  }
0x18b: {  	[sflag:s4] =	ssyncset.done $0x0  }
0x18c: {  	[sflag:s4] =	ssyncadd.s32 $0xFFFFF830  }
0x18d: {  	_ =	swait.ge [sflag:s4], $0x7D0  }
0x18e: {  	[sflag:s4] =	ssyncset.done $0x0  }
0x18f: {  	[sflag:s4] =	ssyncadd.s32 $0xFFFFF830  }
0x190: {  	_ =	swait.ge [sflag:s4], $0x7D0  }
0x191: {  	[sflag:s4] =	ssyncset.done $0x0  }
0x192: {  	[sflag:s4] =	ssyncadd.s32 $0xFFFFF830  }
0x193: {  	_ =	swait.ge [sflag:s4], $0x7D0  }
0x194: {  	[sflag:s4] =	ssyncset.done $0x0  }
0x195: {  	[sflag:s4] =	ssyncadd.s32 $0xFFFFF830  }
0x196: {  	_ =	swait.ge [sflag:s4], $0x7D0  }
0x197: {  	[sflag:s4] =	ssyncset.done $0x0  }
0x198: {  	[sflag:s4] =	ssyncadd.s32 $0xFFFFF830  }
0x199: {  	_ =	swait.ge [sflag:s4], $0x7D0  }
0x19a: {  	[sflag:s4] =	ssyncset.done $0x0  }
0x19b: {  	[sflag:s4] =	ssyncadd.s32 $0xFFFFF830  }
0x19c: {  	_ =	swait.ge [sflag:s4], $0x7D0  }
0x19d: {  	[sflag:s4] =	ssyncset.done $0x0  }
0x19e: {  	[sflag:s4] =	ssyncadd.s32 $0xFFFFF830  }
0x19f: {  	_ =	swait.ge [sflag:s4], $0x7D0  }
0x1a0: {  	[sflag:s4] =	ssyncset.done $0x0  }
0x1a1: {  	[sflag:s4] =	ssyncadd.s32 $0xFFFFF830  }
0x1a2: {  	_ =	swait.ge [sflag:s4], $0x7D0  }
0x1a3: {  	[sflag:s4] =	ssyncset.done $0x0  }
0x1a4: {  	[sflag:s4] =	ssyncadd.s32 $0xFFFFF830  }
0x1a5: {  	_ =	swait.ge [sflag:s4], $0x7D0  }
0x1a6: {  	[sflag:s4] =	ssyncset.done $0x0  }
0x1a7: {  	[sflag:s4] =	ssyncadd.s32 $0xFFFFF830  }
0x1a8: {  	_ =	swait.ge [sflag:s4], $0x7D0  }
0x1a9: {  	[sflag:s4] =	ssyncset.done $0x0  }
0x1aa: {  	[sflag:s4] =	ssyncadd.s32 $0xFFFFF830  }
0x1ab: {  	_ =	swait.ge [sflag:s4], $0x7D0  }
0x1ac: {  	[sflag:s4] =	ssyncset.done $0x0  }
0x1ad: {  	[sflag:s4] =	ssyncadd.s32 $0xFFFFF830  }
0x1ae: {  	_ =	swait.ge [sflag:s4], $0x7D0  }
0x1af: {  	[sflag:s4] =	ssyncset.done $0x0  }
0x1b0: {  	[sflag:s4] =	ssyncadd.s32 $0xFFFFF830  }
0x1b1: {  	_ =	swait.ge [sflag:s4], $0x7D0  }
0x1b2: {  	[sflag:s4] =	ssyncset.done $0x0  }
0x1b3: {  	[sflag:s4] =	ssyncadd.s32 $0xFFFFF830  }
0x1b4: {  	_ =	swait.ge [sflag:s4], $0x7D0  }
0x1b5: {  	[sflag:s4] =	ssyncset.done $0x0  }
0x1b6: {  	[sflag:s4] =	ssyncadd.s32 $0xFFFFF830  }
0x1b7: {  	_ =	swait.ge [sflag:s4], $0x7D0  }
0x1b8: {  	[sflag:s4] =	ssyncset.done $0x0  }
0x1b9: {  	[sflag:s4] =	ssyncadd.s32 $0xFFFFF830  }
0x1ba: {  	_ =	swait.ge [sflag:s4], $0x7D0  }
0x1bb: {  	[sflag:s4] =	ssyncset.done $0x0  }
0x1bc: {  	[sflag:s4] =	ssyncadd.s32 $0xFFFFF830  }
0x1bd: {  	_ =	swait.ge [sflag:s4], $0x7D0  }
0x1be: {  	[sflag:s4] =	ssyncset.done $0x0  }
0x1bf: {  	[sflag:s4] =	ssyncadd.s32 $0xFFFFF830  }
0x1c0: {  	_ =	swait.ge [sflag:s4], $0x7D0  }
0x1c1: {  	[sflag:s4] =	ssyncset.done $0x0  }
0x1c2: {  	[sflag:s4] =	ssyncadd.s32 $0xFFFFF830  }
0x1c3: {  	_ =	swait.ge [sflag:s4], $0x7D0  }
0x1c4: {  	[sflag:s4] =	ssyncset.done $0x0  }
0x1c5: {  	[sflag:s4] =	ssyncadd.s32 $0xFFFFF830  }
0x1c6: {  	_ =	swait.ge [sflag:s4], $0x7D0  }
0x1c7: {  	[sflag:s4] =	ssyncset.done $0x0  }
0x1c8: {  	[sflag:s4] =	ssyncadd.s32 $0xFFFFF830  }
0x1c9: {  	_ =	swait.ge [sflag:s4], $0x7D0  }
0x1ca: {  	[sflag:s4] =	ssyncset.done $0x0  }
0x1cb: {  	[sflag:s4] =	ssyncadd.s32 $0xFFFFF830  }
0x1cc: {  	_ =	swait.ge [sflag:s4], $0x7D0  }
0x1cd: {  	[sflag:s4] =	ssyncset.done $0x0  }
0x1ce: {  	[sflag:s4] =	ssyncadd.s32 $0xFFFFF830  }
0x1cf: {  	_ =	swait.ge [sflag:s4], $0x7D0  }
0x1d0: {  	[sflag:s4] =	ssyncset.done $0x0  }
0x1d1: {  	[sflag:s4] =	ssyncadd.s32 $0xFFFFF830  }
0x1d2: {  	_ =	swait.ge [sflag:s4], $0x7D0  }
0x1d3: {  	s1 =	sadd.s32 $0xFFFFFFFF, s1;
	[sflag:s4] =	ssyncset.done $0x0  }
0x1d4: {  	p2 =	sne.s32 s1, $0x0;
	[sflag:s4] =	ssyncadd.s32 $0xFFFFF830  }
.Ltmp2:
0x1d5: {  	[bflag:$0x0] =	sbarrier.arrive $0xFFFF;
	(pc) =	sbr.rel @p2 .LBB2_4-.Ltmp2, $4  }
0x1d6: {  	s0 =	rddreg [dreg:$0x7]  }
0x1d7: {  	[hbm:s0], [sflag:s2] =	dma.local @!p0 [spmem:s3], $0x3E8  }
0x1d8: {  	_ =	swait.ge @!p0 [sflag:s31], $0x3E8  }
0x1d9: {  	s0 =	rddreg [dreg:$0x5];
	[sflag:s31] =	ssyncset.done @!p0 $0x0  }
0x1da: {  	s29 =	simm.s32 $0x2600;
	s28 =	simm.s32 $0x2500  }
0x1db: {  	s26 =	simm.s32 $0x2400;
	s25 =	simm.s32 $0x2300;
	s24 =	simm.s32 $0x2200  }
0x1dc: {  	s23 =	simm.s32 $0x2100;
	s22 =	simm.s32 $0x2000;
	s21 =	simm.s32 $0x1F00  }
0x1dd: {  	s20 =	simm.s32 $0x1E00;
	s19 =	simm.s32 $0x1D00;
	s18 =	simm.s32 $0x1C00  }
0x1de: {  	s17 =	simm.s32 $0x1B00;
	s16 =	simm.s32 $0x1A00;
	s15 =	simm.s32 $0x1900  }
0x1df: {  	s14 =	simm.s32 $0x1800;
	s13 =	simm.s32 $0x1700;
	s12 =	simm.s32 $0x1600  }
0x1e0: {  	s11 =	simm.s32 $0x1500;
	s10 =	simm.s32 $0x1400;
	s9 =	stileid.u32  }
.LBB2_6:
0x1e1: {  	p1 =	por p0, !p1  }
0x1e2: {  	[sflag:s31] =	ssyncadd.s32 @!p1 $0xFFFFFC18  }
0x1e3: {  	[tilespmem:s7], [sflag:$0x2] =	stream.linear.gather [hbm4b:s0+s7], $0x2800, $0x38;
	[tilespmem:$0x4358] =	vst v63  }
0x1e4: {  	_ =	swait.ge [sflag:s30], $0x2800  }
0x1e5: {  	[sflag:s30] =	ssyncset.done $0x0  }
0x1e6: {  	s1 =	rddreg [dreg:$0x4];
	[sflag:s30] =	ssyncadd.s32 $0xFFFFD800  }
0x1e7: {  	[tilespmem:s6], [sflag:$0x2] =	stream.linear.gather [hbm4b:s1+s7], $0x7D0, $0x38;
	[tilespmem:$0x4358] =	vst v63  }
0x1e8: {  	_ =	swait.ge [sflag:s30], $0x7D0  }
0x1e9: {  	[sflag:s30] =	ssyncset.done $0x0  }
0x1ea: {  	s1 =	simm.s32 @!p0 $0x2;
	s0 =	rddreg [dreg:$0x6];
	[sflag:s30] =	ssyncadd.s32 $0xFFFFF830  }
0x1eb: {  	[spmem:s3], [sflag:s2] =	dma.local @!p0 [hbm:s0], $0x3E8  }
0x1ec: {  	_ =	swait.ge @!p0 [sflag:s1], $0x3E8  }
0x1ed: {  	[sflag:s1] =	ssyncset.done @!p0 $0x0  }
0x1ee: {  	[sflag:s1] =	ssyncadd.s32 @!p0 $0xFFFFFC18  }
0x1ef: {  	[bflag:$0x0] =	sbarrier.arrive $0xFFFF  }
0x1f0: {  	[spmem:s5] =	stream.indirect.scatter.add.f32 [tilespmem:s6], [sflag:$0x1], $0x8, s7, s8, $0xb8;
	[tilespmem:$0x4358] =	vst v63  }
0x1f1: {  	s30 =	rddreg [dreg:$0x8]  }
0x1f2: {  	[spmem:s5] =	stream.indirect.scatter.add.f32 [tilespmem:s6], [sflag:$0x1], $0x8, s30, s8, $0xb8;
	[tilespmem:$0x4358] =	vst v63  }
0x1f3: {  	s31 =	rddreg [dreg:$0x9]  }
0x1f4: {  	[spmem:s5] =	stream.indirect.scatter.add.f32 [tilespmem:s6], [sflag:$0x1], $0x8, s31, s8, $0xb8;
	[tilespmem:$0x4358] =	vst v63  }
0x1f5: {  	s30 =	rddreg [dreg:$0xa]  }
0x1f6: {  	[spmem:s5] =	stream.indirect.scatter.add.f32 [tilespmem:s6], [sflag:$0x1], $0x8, s30, s8, $0xb8;
	[tilespmem:$0x4358] =	vst v63  }
0x1f7: {  	s31 =	rddreg [dreg:$0xb]  }
0x1f8: {  	[spmem:s5] =	stream.indirect.scatter.add.f32 [tilespmem:s6], [sflag:$0x1], $0x8, s31, s8, $0xb8;
	[tilespmem:$0x4358] =	vst v63  }
0x1f9: {  	s30 =	rddreg [dreg:$0xc]  }
0x1fa: {  	[spmem:s5] =	stream.indirect.scatter.add.f32 [tilespmem:s6], [sflag:$0x1], $0x8, s30, s8, $0xb8;
	[tilespmem:$0x4358] =	vst v63  }
0x1fb: {  	s31 =	rddreg [dreg:$0xd]  }
0x1fc: {  	[spmem:s5] =	stream.indirect.scatter.add.f32 [tilespmem:s6], [sflag:$0x1], $0x8, s31, s8, $0xb8;
	[tilespmem:$0x4358] =	vst v63  }
0x1fd: {  	s30 =	rddreg [dreg:$0xe]  }
0x1fe: {  	[spmem:s5] =	stream.indirect.scatter.add.f32 [tilespmem:s6], [sflag:$0x1], $0x8, s30, s8, $0xb8;
	[tilespmem:$0x4358] =	vst v63  }
0x1ff: {  	s31 =	rddreg [dreg:$0xf]  }
0x200: {  	[spmem:s5] =	stream.indirect.scatter.add.f32 [tilespmem:s6], [sflag:$0x1], $0x8, s31, s8, $0xb8;
	[tilespmem:$0x4358] =	vst v63  }
0x201: {  	s30 =	rddreg [dreg:$0x10]  }
0x202: {  	[spmem:s5] =	stream.indirect.scatter.add.f32 [tilespmem:s6], [sflag:$0x1], $0x8, s30, s8, $0xb8;
	[tilespmem:$0x4358] =	vst v63  }
0x203: {  	s31 =	rddreg [dreg:$0x11]  }
0x204: {  	[spmem:s5] =	stream.indirect.scatter.add.f32 [tilespmem:s6], [sflag:$0x1], $0x8, s31, s8, $0xb8;
	[tilespmem:$0x4358] =	vst v63  }
0x205: {  	s30 =	rddreg [dreg:$0x12]  }
0x206: {  	[spmem:s5] =	stream.indirect.scatter.add.f32 [tilespmem:s6], [sflag:$0x1], $0x8, s30, s8, $0xb8;
	[tilespmem:$0x4358] =	vst v63  }
0x207: {  	s31 =	rddreg [dreg:$0x13]  }
0x208: {  	[spmem:s5] =	stream.indirect.scatter.add.f32 [tilespmem:s6], [sflag:$0x1], $0x8, s31, s8, $0xb8;
	[tilespmem:$0x4358] =	vst v63  }
0x209: {  	s30 =	rddreg [dreg:$0x14]  }
0x20a: {  	[spmem:s5] =	stream.indirect.scatter.add.f32 [tilespmem:s6], [sflag:$0x1], $0x8, s30, s8, $0xb8;
	[tilespmem:$0x4358] =	vst v63  }
0x20b: {  	s31 =	rddreg [dreg:$0x15]  }
0x20c: {  	[spmem:s5] =	stream.indirect.scatter.add.f32 [tilespmem:s6], [sflag:$0x1], $0x8, s31, s8, $0xb8;
	[tilespmem:$0x4358] =	vst v63  }
0x20d: {  	s30 =	rddreg [dreg:$0x16]  }
0x20e: {  	[spmem:s5] =	stream.indirect.scatter.add.f32 [tilespmem:s6], [sflag:$0x1], $0x8, s30, s8, $0xb8;
	[tilespmem:$0x4358] =	vst v63  }
0x20f: {  	s31 =	rddreg [dreg:$0x17]  }
0x210: {  	[spmem:s5] =	stream.indirect.scatter.add.f32 [tilespmem:s6], [sflag:$0x1], $0x8, s31, s8, $0xb8;
	[tilespmem:$0x4358] =	vst v63  }
0x211: {  	s30 =	rddreg [dreg:$0x18]  }
0x212: {  	[spmem:s5] =	stream.indirect.scatter.add.f32 [tilespmem:s6], [sflag:$0x1], $0x8, s30, s8, $0xb8;
	[tilespmem:$0x4358] =	vst v63  }
0x213: {  	s31 =	rddreg [dreg:$0x19]  }
0x214: {  	[spmem:s5] =	stream.indirect.scatter.add.f32 [tilespmem:s6], [sflag:$0x1], $0x8, s31, s8, $0xb8;
	[tilespmem:$0x4358] =	vst v63  }
0x215: {  	s30 =	rddreg [dreg:$0x1a]  }
0x216: {  	[spmem:s5] =	stream.indirect.scatter.add.f32 [tilespmem:s6], [sflag:$0x1], $0x8, s30, s8, $0xb8;
	[tilespmem:$0x4358] =	vst v63  }
0x217: {  	_ = 	snop  }
0x218: {  	[spmem:s5] =	stream.indirect.scatter.add.f32 [tilespmem:s6], [sflag:$0x1], $0x8, s10, s8, $0xb8;
	[tilespmem:$0x4358] =	vst v63  }
0x219: {  	_ = 	snop  }
0x21a: {  	[spmem:s5] =	stream.indirect.scatter.add.f32 [tilespmem:s6], [sflag:$0x1], $0x8, s11, s8, $0xb8;
	[tilespmem:$0x4358] =	vst v63  }
0x21b: {  	_ = 	snop  }
0x21c: {  	[spmem:s5] =	stream.indirect.scatter.add.f32 [tilespmem:s6], [sflag:$0x1], $0x8, s12, s8, $0xb8;
	[tilespmem:$0x4358] =	vst v63  }
0x21d: {  	_ = 	snop  }
0x21e: {  	[spmem:s5] =	stream.indirect.scatter.add.f32 [tilespmem:s6], [sflag:$0x1], $0x8, s13, s8, $0xb8;
	[tilespmem:$0x4358] =	vst v63  }
0x21f: {  	_ = 	snop  }
0x220: {  	[spmem:s5] =	stream.indirect.scatter.add.f32 [tilespmem:s6], [sflag:$0x1], $0x8, s14, s8, $0xb8;
	[tilespmem:$0x4358] =	vst v63  }
0x221: {  	_ = 	snop  }
0x222: {  	[spmem:s5] =	stream.indirect.scatter.add.f32 [tilespmem:s6], [sflag:$0x1], $0x8, s15, s8, $0xb8;
	[tilespmem:$0x4358] =	vst v63  }
0x223: {  	_ = 	snop  }
0x224: {  	[spmem:s5] =	stream.indirect.scatter.add.f32 [tilespmem:s6], [sflag:$0x1], $0x8, s16, s8, $0xb8;
	[tilespmem:$0x4358] =	vst v63  }
0x225: {  	_ = 	snop  }
0x226: {  	[spmem:s5] =	stream.indirect.scatter.add.f32 [tilespmem:s6], [sflag:$0x1], $0x8, s17, s8, $0xb8;
	[tilespmem:$0x4358] =	vst v63  }
0x227: {  	_ = 	snop  }
0x228: {  	[spmem:s5] =	stream.indirect.scatter.add.f32 [tilespmem:s6], [sflag:$0x1], $0x8, s18, s8, $0xb8;
	[tilespmem:$0x4358] =	vst v63  }
0x229: {  	_ = 	snop  }
0x22a: {  	[spmem:s5] =	stream.indirect.scatter.add.f32 [tilespmem:s6], [sflag:$0x1], $0x8, s19, s8, $0xb8;
	[tilespmem:$0x4358] =	vst v63  }
0x22b: {  	_ = 	snop  }
0x22c: {  	[spmem:s5] =	stream.indirect.scatter.add.f32 [tilespmem:s6], [sflag:$0x1], $0x8, s20, s8, $0xb8;
	[tilespmem:$0x4358] =	vst v63  }
0x22d: {  	_ = 	snop  }
0x22e: {  	[spmem:s5] =	stream.indirect.scatter.add.f32 [tilespmem:s6], [sflag:$0x1], $0x8, s21, s8, $0xb8;
	[tilespmem:$0x4358] =	vst v63  }
0x22f: {  	_ = 	snop  }
0x230: {  	[spmem:s5] =	stream.indirect.scatter.add.f32 [tilespmem:s6], [sflag:$0x1], $0x8, s22, s8, $0xb8;
	[tilespmem:$0x4358] =	vst v63  }
0x231: {  	_ = 	snop  }
0x232: {  	[spmem:s5] =	stream.indirect.scatter.add.f32 [tilespmem:s6], [sflag:$0x1], $0x8, s23, s8, $0xb8;
	[tilespmem:$0x4358] =	vst v63  }
0x233: {  	_ = 	snop  }
0x234: {  	[spmem:s5] =	stream.indirect.scatter.add.f32 [tilespmem:s6], [sflag:$0x1], $0x8, s24, s8, $0xb8;
	[tilespmem:$0x4358] =	vst v63  }
0x235: {  	_ = 	snop  }
0x236: {  	[spmem:s5] =	stream.indirect.scatter.add.f32 [tilespmem:s6], [sflag:$0x1], $0x8, s25, s8, $0xb8;
	[tilespmem:$0x4358] =	vst v63  }
0x237: {  	_ = 	snop  }
0x238: {  	[spmem:s5] =	stream.indirect.scatter.add.f32 [tilespmem:s6], [sflag:$0x1], $0x8, s26, s8, $0xb8;
	[tilespmem:$0x4358] =	vst v63  }
0x239: {  	_ = 	snop  }
0x23a: {  	[spmem:s5] =	stream.indirect.scatter.add.f32 [tilespmem:s6], [sflag:$0x1], $0x8, s28, s8, $0xb8;
	[tilespmem:$0x4358] =	vst v63  }
0x23b: {  	_ = 	snop  }
0x23c: {  	[spmem:s5] =	stream.indirect.scatter.add.f32 [tilespmem:s6], [sflag:$0x1], $0x8, s29, s8, $0xb8;
	[tilespmem:$0x4358] =	vst v63  }
0x23d: {  	s31 =	simm.s32 $0x2700  }
0x23e: {  	[spmem:s5] =	stream.indirect.scatter.add.f32 [tilespmem:s6], [sflag:$0x1], $0x8, s31, s8, $0xb8;
	[tilespmem:$0x4358] =	vst v63  }
0x23f: {  	_ =	swait.ge [sflag:s4], $0x7D0  }
0x240: {  	[sflag:s4] =	ssyncset.done $0x0  }
0x241: {  	[sflag:s4] =	ssyncadd.s32 $0xFFFFF830  }
0x242: {  	_ =	swait.ge [sflag:s4], $0x7D0  }
0x243: {  	[sflag:s4] =	ssyncset.done $0x0  }
0x244: {  	[sflag:s4] =	ssyncadd.s32 $0xFFFFF830  }
0x245: {  	_ =	swait.ge [sflag:s4], $0x7D0  }
0x246: {  	[sflag:s4] =	ssyncset.done $0x0  }
0x247: {  	[sflag:s4] =	ssyncadd.s32 $0xFFFFF830  }
0x248: {  	_ =	swait.ge [sflag:s4], $0x7D0  }
0x249: {  	[sflag:s4] =	ssyncset.done $0x0  }
0x24a: {  	[sflag:s4] =	ssyncadd.s32 $0xFFFFF830  }
0x24b: {  	_ =	swait.ge [sflag:s4], $0x7D0  }
0x24c: {  	[sflag:s4] =	ssyncset.done $0x0  }
0x24d: {  	[sflag:s4] =	ssyncadd.s32 $0xFFFFF830  }
0x24e: {  	_ =	swait.ge [sflag:s4], $0x7D0  }
0x24f: {  	[sflag:s4] =	ssyncset.done $0x0  }
0x250: {  	[sflag:s4] =	ssyncadd.s32 $0xFFFFF830  }
0x251: {  	_ =	swait.ge [sflag:s4], $0x7D0  }
0x252: {  	[sflag:s4] =	ssyncset.done $0x0  }
0x253: {  	[sflag:s4] =	ssyncadd.s32 $0xFFFFF830  }
0x254: {  	_ =	swait.ge [sflag:s4], $0x7D0  }
0x255: {  	[sflag:s4] =	ssyncset.done $0x0  }
0x256: {  	[sflag:s4] =	ssyncadd.s32 $0xFFFFF830  }
0x257: {  	_ =	swait.ge [sflag:s4], $0x7D0  }
0x258: {  	[sflag:s4] =	ssyncset.done $0x0  }
0x259: {  	[sflag:s4] =	ssyncadd.s32 $0xFFFFF830  }
0x25a: {  	_ =	swait.ge [sflag:s4], $0x7D0  }
0x25b: {  	[sflag:s4] =	ssyncset.done $0x0  }
0x25c: {  	[sflag:s4] =	ssyncadd.s32 $0xFFFFF830  }
0x25d: {  	_ =	swait.ge [sflag:s4], $0x7D0  }
0x25e: {  	[sflag:s4] =	ssyncset.done $0x0  }
0x25f: {  	[sflag:s4] =	ssyncadd.s32 $0xFFFFF830  }
0x260: {  	_ =	swait.ge [sflag:s4], $0x7D0  }
0x261: {  	[sflag:s4] =	ssyncset.done $0x0  }
0x262: {  	[sflag:s4] =	ssyncadd.s32 $0xFFFFF830  }
0x263: {  	_ =	swait.ge [sflag:s4], $0x7D0  }
0x264: {  	[sflag:s4] =	ssyncset.done $0x0  }
0x265: {  	[sflag:s4] =	ssyncadd.s32 $0xFFFFF830  }
0x266: {  	_ =	swait.ge [sflag:s4], $0x7D0  }
0x267: {  	[sflag:s4] =	ssyncset.done $0x0  }
0x268: {  	[sflag:s4] =	ssyncadd.s32 $0xFFFFF830  }
0x269: {  	_ =	swait.ge [sflag:s4], $0x7D0  }
0x26a: {  	[sflag:s4] =	ssyncset.done $0x0  }
0x26b: {  	[sflag:s4] =	ssyncadd.s32 $0xFFFFF830  }
0x26c: {  	_ =	swait.ge [sflag:s4], $0x7D0  }
0x26d: {  	[sflag:s4] =	ssyncset.done $0x0  }
0x26e: {  	[sflag:s4] =	ssyncadd.s32 $0xFFFFF830  }
0x26f: {  	_ =	swait.ge [sflag:s4], $0x7D0  }
0x270: {  	[sflag:s4] =	ssyncset.done $0x0  }
0x271: {  	[sflag:s4] =	ssyncadd.s32 $0xFFFFF830  }
0x272: {  	_ =	swait.ge [sflag:s4], $0x7D0  }
0x273: {  	[sflag:s4] =	ssyncset.done $0x0  }
0x274: {  	[sflag:s4] =	ssyncadd.s32 $0xFFFFF830  }
0x275: {  	_ =	swait.ge [sflag:s4], $0x7D0  }
0x276: {  	[sflag:s4] =	ssyncset.done $0x0  }
0x277: {  	[sflag:s4] =	ssyncadd.s32 $0xFFFFF830  }
0x278: {  	_ =	swait.ge [sflag:s4], $0x7D0  }
0x279: {  	[sflag:s4] =	ssyncset.done $0x0  }
0x27a: {  	[sflag:s4] =	ssyncadd.s32 $0xFFFFF830  }
0x27b: {  	_ =	swait.ge [sflag:s4], $0x7D0  }
0x27c: {  	[sflag:s4] =	ssyncset.done $0x0  }
0x27d: {  	[sflag:s4] =	ssyncadd.s32 $0xFFFFF830  }
0x27e: {  	_ =	swait.ge [sflag:s4], $0x7D0  }
0x27f: {  	[sflag:s4] =	ssyncset.done $0x0  }
0x280: {  	[sflag:s4] =	ssyncadd.s32 $0xFFFFF830  }
0x281: {  	_ =	swait.ge [sflag:s4], $0x7D0  }
0x282: {  	[sflag:s4] =	ssyncset.done $0x0  }
0x283: {  	[sflag:s4] =	ssyncadd.s32 $0xFFFFF830  }
0x284: {  	_ =	swait.ge [sflag:s4], $0x7D0  }
0x285: {  	[sflag:s4] =	ssyncset.done $0x0  }
0x286: {  	[sflag:s4] =	ssyncadd.s32 $0xFFFFF830  }
0x287: {  	_ =	swait.ge [sflag:s4], $0x7D0  }
0x288: {  	[sflag:s4] =	ssyncset.done $0x0  }
0x289: {  	[sflag:s4] =	ssyncadd.s32 $0xFFFFF830  }
0x28a: {  	_ =	swait.ge [sflag:s4], $0x7D0  }
0x28b: {  	[sflag:s4] =	ssyncset.done $0x0  }
0x28c: {  	[sflag:s4] =	ssyncadd.s32 $0xFFFFF830  }
0x28d: {  	_ =	swait.ge [sflag:s4], $0x7D0  }
0x28e: {  	[sflag:s4] =	ssyncset.done $0x0  }
0x28f: {  	[sflag:s4] =	ssyncadd.s32 $0xFFFFF830  }
0x290: {  	_ =	swait.ge [sflag:s4], $0x7D0  }
0x291: {  	[sflag:s4] =	ssyncset.done $0x0  }
0x292: {  	[sflag:s4] =	ssyncadd.s32 $0xFFFFF830  }
0x293: {  	_ =	swait.ge [sflag:s4], $0x7D0  }
0x294: {  	[sflag:s4] =	ssyncset.done $0x0  }
0x295: {  	[sflag:s4] =	ssyncadd.s32 $0xFFFFF830  }
0x296: {  	_ =	swait.ge [sflag:s4], $0x7D0  }
0x297: {  	[sflag:s4] =	ssyncset.done $0x0  }
0x298: {  	[sflag:s4] =	ssyncadd.s32 $0xFFFFF830  }
0x299: {  	_ =	swait.ge [sflag:s4], $0x7D0  }
0x29a: {  	[sflag:s4] =	ssyncset.done $0x0  }
0x29b: {  	[sflag:s4] =	ssyncadd.s32 $0xFFFFF830  }
0x29c: {  	_ =	swait.ge [sflag:s4], $0x7D0  }
0x29d: {  	[sflag:s4] =	ssyncset.done $0x0  }
0x29e: {  	[sflag:s4] =	ssyncadd.s32 $0xFFFFF830  }
0x29f: {  	_ =	swait.ge [sflag:s4], $0x7D0  }
0x2a0: {  	[sflag:s4] =	ssyncset.done $0x0  }
0x2a1: {  	[sflag:s4] =	ssyncadd.s32 $0xFFFFF830  }
0x2a2: {  	_ =	swait.ge [sflag:s4], $0x7D0  }
0x2a3: {  	[sflag:s4] =	ssyncset.done $0x0  }
0x2a4: {  	[sflag:s4] =	ssyncadd.s32 $0xFFFFF830  }
0x2a5: {  	_ =	swait.ge [sflag:s4], $0x7D0  }
0x2a6: {  	[sflag:s4] =	ssyncset.done $0x0  }
0x2a7: {  	[sflag:s4] =	ssyncadd.s32 $0xFFFFF830  }
0x2a8: {  	_ =	swait.ge [sflag:s4], $0x7D0  }
0x2a9: {  	[sflag:s4] =	ssyncset.done $0x0  }
0x2aa: {  	[sflag:s4] =	ssyncadd.s32 $0xFFFFF830  }
0x2ab: {  	_ =	swait.ge [sflag:s4], $0x7D0  }
0x2ac: {  	[sflag:s4] =	ssyncset.done $0x0  }
0x2ad: {  	[sflag:s4] =	ssyncadd.s32 $0xFFFFF830  }
0x2ae: {  	_ =	swait.ge [sflag:s4], $0x7D0  }
0x2af: {  	[sflag:s4] =	ssyncset.done $0x0  }
0x2b0: {  	[sflag:s4] =	ssyncadd.s32 $0xFFFFF830  }
0x2b1: {  	_ =	swait.ge [sflag:s4], $0x7D0  }
0x2b2: {  	[sflag:s4] =	ssyncset.done $0x0  }
0x2b3: {  	[sflag:s4] =	ssyncadd.s32 $0xFFFFF830  }
0x2b4: {  	_ =	swait.ge [sflag:s4], $0x7D0  }
0x2b5: {  	[sflag:s4] =	ssyncset.done $0x0  }
0x2b6: {  	[sflag:s4] =	ssyncadd.s32 $0xFFFFF830  }
0x2b7: {  	[bflag:$0x0] =	sbarrier.arrive $0xFFFF  }
0x2b8: {  	s0 =	rddreg [dreg:$0x7]  }
0x2b9: {  	[hbm:s0], [sflag:s2] =	dma.local @!p0 [spmem:s3], $0x3E8  }
0x2ba: {  	_ =	swait.ge @!p0 [sflag:s1], $0x3E8  }
0x2bb: {  	[sflag:s1] =	ssyncset.done @!p0 $0x0  }
0x2bc: {  	[sflag:s1] =	ssyncadd.s32 @!p0 $0xFFFFFC18  }
0x2bd: {  	_ =	sfence.sel $0x180000  }
0x2be: {  	[bflag:$0x0] =	sbarrier.arrive $0xFFFF  }
0x2bf: {  	_ =	strace $0x90000047  }
0x2c0: {  	[bflag:$0x2] =	sbarrier.arrive $0xFFFF  }
0x2c1: {  	p0 =	sne.s32 s9, $0x0;
	s0 =	rddreg [dreg:$0x3]  }
0x2c2: {  	s0 =	sadd.s32 @!p0 $0x100000, s0  }
0x2c3: {  	[sflag:s0] =	ssyncadd.tile.s32 @!p0 $0x1;
	_ =	shalt  }
.LBB2_1:
0x2c4: {  	s29 =	simm.s32 $0x2600;
	s28 =	simm.s32 $0x2500  }
0x2c5: {  	s26 =	simm.s32 $0x2400;
	s25 =	simm.s32 $0x2300;
	s24 =	simm.s32 $0x2200  }
.Ltmp3:
0x2c6: {  	s23 =	simm.s32 $0x2100;
	s22 =	simm.s32 $0x2000;
	(pc) =	sbr.rel .LBB2_6-.Ltmp3, $4  }
0x2c7: {  	s21 =	simm.s32 $0x1F00;
	s20 =	simm.s32 $0x1E00;
	s19 =	simm.s32 $0x1D00  }
0x2c8: {  	s18 =	simm.s32 $0x1C00;
	s17 =	simm.s32 $0x1B00;
	s16 =	simm.s32 $0x1A00  }
0x2c9: {  	s15 =	simm.s32 $0x1900;
	s14 =	simm.s32 $0x1800;
	s13 =	simm.s32 $0x1700  }
0x2ca: {  	s12 =	simm.s32 $0x1600;
	s11 =	simm.s32 $0x1500;
	s10 =	simm.s32 $0x1400  }
.LBB2_3:
0x2cb: {  	s29 =	simm.s32 $0x2600;
	s28 =	simm.s32 $0x2500;
	s26 =	simm.s32 $0x2400  }
0x2cc: {  	s25 =	simm.s32 $0x2300;
	s24 =	simm.s32 $0x2200;
	s23 =	simm.s32 $0x2100  }
.Ltmp4:
0x2cd: {  	s22 =	simm.s32 $0x2000;
	s21 =	simm.s32 $0x1F00;
	(pc) =	sbr.rel .LBB2_6-.Ltmp4, $4  }
0x2ce: {  	s20 =	simm.s32 $0x1E00;
	s19 =	simm.s32 $0x1D00;
	s18 =	simm.s32 $0x1C00  }
0x2cf: {  	s17 =	simm.s32 $0x1B00;
	s16 =	simm.s32 $0x1A00;
	s15 =	simm.s32 $0x1900  }
0x2d0: {  	s14 =	simm.s32 $0x1800;
	s13 =	simm.s32 $0x1700;
	s12 =	simm.s32 $0x1600  }
0x2d1: {  	s11 =	simm.s32 $0x1500;
	s10 =	simm.s32 $0x1400;
	s9 =	stileid.u32  }
.Lfunc_end2:
_tile_overlayer_lowered:
.L_overlay_start_2:
0x2d2: {  	(tag) =	ssettag $0x2  }
0x2d3: {  	s0 =	rddreg [dreg:$0x0];
	s2 =	stileid.u32  }
0x2d4: {  	s1 =	rddreg [dreg:$0x1];
	p0 =	sne.s32 s2, $0x0  }
0x2d5: {  	s3 =	rddreg [dreg:$0x2];
	[bflag:$0x3] =	sbarrier.arrive $0xFFFF;
	s2 =	simm.s32 @!p0 $0x1C02  }
0x2d6: {  	[timem:s3], [sflag:s2] =	dma.local @!p0 [hbm:s0], s1  }
0x2d7: {  	s0 =	simm.s32 @!p0 $0x2  }
0x2d8: {  	_ =	swait.ge @!p0 [sflag:s0], s1  }
0x2d9: {  	s1 =	ssub.s32 @!p0 $0x0, s1;
	[sflag:s0] =	ssyncset.done @!p0 $0x0  }
0x2da: {  	[sflag:s0] =	ssyncadd.s32 @!p0 s1  }
0x2db: {  	[bflag:$0x3] =	sbarrier.arrive $0xFFFF  }
0x2dc: {  	_ =	shalt  }

</sc_bundles>
